<compile_context>
chip_gen: v7x
topology: tpu7x:2x2x1
jax: 0.10.2.dev20260603
libtpu: 0.0.44.dev20260713+nightly
codegen_flags: <defaults>
</compile_context>

<pallas_src>
import functools
import math

import jax
import jax.numpy as jnp
from jax.experimental import pallas as pl

B = 2
N = 1000
C = 256
FH = 50
FW = 50
POOL = 7
SCALE = 1.0 / 16.0
NUM_CLASSES = 91
HID = 1024
IMG_H = 800.0
IMG_W = 800.0
SCORE_THRESH = 0.05
NMS_THRESH = 0.5
DET_PER_IMG = 100
PRE_NMS_TOPK = 2000
BBOX_XFORM_CLIP = math.log(1000.0 / 16.0)
NEG = -1e10

K_PAD = 2048


def _mm_body(x_ref, w_ref, b_ref, o_ref, *, nk, act):
    j = pl.program_id(1)

    @pl.when(j == 0)
    def _():
        o_ref[...] = jnp.zeros_like(o_ref)

    o_ref[...] += jnp.dot(x_ref[...], w_ref[...],
                          preferred_element_type=jnp.float32)

    @pl.when(j == nk - 1)
    def _():
        r = o_ref[...] + b_ref[...]
        if act:
            r = jnp.maximum(r, 0.0)
        o_ref[...] = r


def _pallas_mm(x, w, b, *, act, bm, bk):
    M, K = x.shape
    Nn = w.shape[1]
    nm = M // bm
    nk = K // bk
    return pl.pallas_call(
        functools.partial(_mm_body, nk=nk, act=act),
        grid=(nm, nk),
        in_specs=[
            pl.BlockSpec((bm, bk), lambda i, j: (i, j)),
            pl.BlockSpec((bk, Nn), lambda i, j: (j, 0)),
            pl.BlockSpec((1, Nn), lambda i, j: (0, 0)),
        ],
        out_specs=pl.BlockSpec((bm, Nn), lambda i, j: (i, 0)),
        out_shape=jax.ShapeDtypeStruct((M, Nn), jnp.float32),
    )(x, w, b.reshape(1, Nn))


def _nms_body(boxes_ref, v_ref, keep_ref):
    keep_ref[...] = v_ref[...]
    x1 = boxes_ref[0:1, :]
    y1 = boxes_ref[1:2, :]
    x2 = boxes_ref[2:3, :]
    y2 = boxes_ref[3:4, :]
    area = (x2 - x1) * (y2 - y1)
    idx = jax.lax.broadcasted_iota(jnp.int32, (1, K_PAD), 1)

    def body(i, _):
        sel = (idx == i)
        xi1 = jnp.sum(jnp.where(sel, x1, 0.0), keepdims=True)
        yi1 = jnp.sum(jnp.where(sel, y1, 0.0), keepdims=True)
        xi2 = jnp.sum(jnp.where(sel, x2, 0.0), keepdims=True)
        yi2 = jnp.sum(jnp.where(sel, y2, 0.0), keepdims=True)
        w = jnp.maximum(jnp.minimum(x2, xi2) - jnp.maximum(x1, xi1), 0.0)
        h = jnp.maximum(jnp.minimum(y2, yi2) - jnp.maximum(y1, yi1), 0.0)
        inter = w * h
        union = area + (xi2 - xi1) * (yi2 - yi1) - inter
        iou_row = inter / jnp.maximum(union, 1e-9)
        keep = keep_ref[...]
        keep_i = jnp.sum(jnp.where(sel, keep, 0.0), keepdims=True)
        sup = (iou_row > NMS_THRESH) & (idx > i) & (keep_i > 0.0)
        keep_ref[...] = jnp.where(sup, 0.0, keep)
        return 0

    jax.lax.fori_loop(0, PRE_NMS_TOPK, body, 0)


def _pallas_nms(boxes_t, v):
    return pl.pallas_call(
        _nms_body,
        out_shape=jax.ShapeDtypeStruct((1, K_PAD), jnp.float32),
    )(boxes_t, v)


def _bilinear(feat, ys, xs):
    Cc, H, W = feat.shape
    y0 = jnp.floor(ys)
    x0 = jnp.floor(xs)
    ly = ys - y0
    lx = xs - x0
    hy = 1.0 - ly
    hx = 1.0 - lx
    y0i = jnp.clip(y0.astype(jnp.int32), 0, H - 1)
    y1i = jnp.clip(y0.astype(jnp.int32) + 1, 0, H - 1)
    x0i = jnp.clip(x0.astype(jnp.int32), 0, W - 1)
    x1i = jnp.clip(x0.astype(jnp.int32) + 1, 0, W - 1)
    f = feat.reshape(Cc, H * W)
    v00 = f[:, y0i * W + x0i]
    v01 = f[:, y0i * W + x1i]
    v10 = f[:, y1i * W + x0i]
    v11 = f[:, y1i * W + x1i]
    return v00 * (hy * hx) + v01 * (hy * lx) + v10 * (ly * hx) + v11 * (ly * lx)


def _roi_align(feat, boxes):
    b = boxes * SCALE
    x1 = b[:, 0]
    y1 = b[:, 1]
    x2 = b[:, 2]
    y2 = b[:, 3]
    rw = jnp.maximum(x2 - x1, 1.0)
    rh = jnp.maximum(y2 - y1, 1.0)
    g = (jnp.arange(POOL, dtype=jnp.float32) + 0.5) / POOL
    xs = x1[:, None] + g[None, :] * rw[:, None]
    ys = y1[:, None] + g[None, :] * rh[:, None]
    n = boxes.shape[0]
    yy = jnp.broadcast_to(ys[:, :, None], (n, POOL, POOL)).reshape(-1)
    xx = jnp.broadcast_to(xs[:, None, :], (n, POOL, POOL)).reshape(-1)
    vals = _bilinear(feat, yy, xx)
    vals = vals.reshape(feat.shape[0], n, POOL, POOL)
    return jnp.transpose(vals, (1, 0, 2, 3))


def _decode(reg, props):
    w = props[:, 2] - props[:, 0]
    h = props[:, 3] - props[:, 1]
    cx = props[:, 0] + 0.5 * w
    cy = props[:, 1] + 0.5 * h
    reg = reg.reshape(reg.shape[0], NUM_CLASSES, 4)
    dx = reg[..., 0] / 10.0
    dy = reg[..., 1] / 10.0
    dw = jnp.minimum(reg[..., 2] / 5.0, BBOX_XFORM_CLIP)
    dh = jnp.minimum(reg[..., 3] / 5.0, BBOX_XFORM_CLIP)
    pcx = dx * w[:, None] + cx[:, None]
    pcy = dy * h[:, None] + cy[:, None]
    pw = jnp.exp(dw) * w[:, None]
    ph = jnp.exp(dh) * h[:, None]
    return jnp.stack([pcx - 0.5 * pw, pcy - 0.5 * ph,
                      pcx + 0.5 * pw, pcy + 0.5 * ph], axis=-1)


def _postprocess_one(boxes, scores):
    bx1 = jnp.clip(boxes[..., 0], 0.0, IMG_W)
    by1 = jnp.clip(boxes[..., 1], 0.0, IMG_H)
    bx2 = jnp.clip(boxes[..., 2], 0.0, IMG_W)
    by2 = jnp.clip(boxes[..., 3], 0.0, IMG_H)
    boxes = jnp.stack([bx1, by1, bx2, by2], axis=-1)
    boxes = boxes[:, 1:, :].reshape(-1, 4)
    scores = scores[:, 1:].reshape(-1)
    labels = jnp.tile(jnp.arange(1, NUM_CLASSES), boxes.shape[0] // (NUM_CLASSES - 1))
    ws = boxes[:, 2] - boxes[:, 0]
    hs = boxes[:, 3] - boxes[:, 1]
    valid = (scores > SCORE_THRESH) & (ws >= 0.01) & (hs >= 0.01)
    masked = jnp.where(valid, scores, NEG)
    _, top_i = jax.lax.top_k(masked, PRE_NMS_TOPK)
    b = boxes[top_i]
    s = scores[top_i]
    l = labels[top_i]
    v = valid[top_i]
    offs = l.astype(jnp.float32) * (jnp.maximum(IMG_W, IMG_H) + 1.0)
    bn = b + offs[:, None]

    boxes_t = jnp.zeros((4, K_PAD), jnp.float32).at[:, :PRE_NMS_TOPK].set(bn.T)
    v_f = jnp.zeros((1, K_PAD), jnp.float32).at[0, :PRE_NMS_TOPK].set(
        v.astype(jnp.float32))
    keep = _pallas_nms(boxes_t, v_f)[0, :PRE_NMS_TOPK] > 0.0

    final = jnp.where(keep, s, NEG)
    _, fi = jax.lax.top_k(final, DET_PER_IMG)
    fv = keep[fi]
    fb = jnp.where(fv[:, None], b[fi], 0.0)
    fs = jnp.where(fv, s[fi], 0.0)
    fl = jnp.where(fv, l[fi], 0).astype(jnp.float32)
    return jnp.concatenate([fb, fs[:, None], fl[:, None]], axis=1)


def kernel(features, proposals, W6, b6, W7, b7, Wc, bc, Wb, bb):
    pooled = jnp.concatenate(
        [_roi_align(features[i], proposals[i]) for i in range(B)], axis=0)
    x = pooled.reshape(pooled.shape[0], -1)
    M = B * N
    M_pad = 2048
    x = jnp.zeros((M_pad, x.shape[1]), jnp.float32).at[:M].set(x)

    h = _pallas_mm(x, W6, b6, act=True, bm=256, bk=1792)
    h = _pallas_mm(h, W7, b7, act=True, bm=256, bk=1024)

    wc_p = jnp.zeros((HID, 128), jnp.float32).at[:, :NUM_CLASSES].set(Wc)
    wb_p = jnp.zeros((HID, 384), jnp.float32).at[:, :NUM_CLASSES * 4].set(Wb)
    w_head = jnp.concatenate([wc_p, wb_p], axis=1)
    b_head = jnp.zeros((512,), jnp.float32)
    b_head = b_head.at[:NUM_CLASSES].set(bc).at[128:128 + NUM_CLASSES * 4].set(bb)
    head = _pallas_mm(h, w_head, b_head, act=False, bm=256, bk=1024)

    class_logits = head[:M, :NUM_CLASSES]
    box_reg = head[:M, 128:128 + NUM_CLASSES * 4]

    props = proposals.reshape(-1, 4)
    pred_boxes = _decode(box_reg, props)
    pred_scores = jax.nn.softmax(class_logits, axis=-1)
    dets = [_postprocess_one(pred_boxes[i * N:(i + 1) * N],
                             pred_scores[i * N:(i + 1) * N]) for i in range(B)]
    return jnp.stack(dets, axis=0)

# --- scband reference (transcript-rebuilt; emitter-appended) ---
"""Pipeline reference for scband-ro-iheads-4105988735293 (READ-ONLY COPY).

The authoritative reference and input builder live on the scoring server;
editing this copy changes nothing except your own understanding.
"""

import jax, jax.numpy as jnp
import numpy as np
import math

B = 2
N = 1000
C = 256
FH = 50
FW = 50
POOL = 7
SCALE = 1.0 / 16.0
NUM_CLASSES = 91
HID = 1024
IMG_H = 800.0
IMG_W = 800.0
SCORE_THRESH = 0.05
NMS_THRESH = 0.5
DET_PER_IMG = 100
PRE_NMS_TOPK = 2000
BBOX_XFORM_CLIP = math.log(1000.0 / 16.0)
NEG = -1e10


def setup_inputs(seed: int = 0):
    key = jax.random.key(seed)
    ks = jax.random.split(key, 8)
    features = jax.random.normal(ks[0], (B, C, FH, FW), dtype=jnp.float32)
    r = jax.random.uniform(ks[1], (B, N, 4), dtype=jnp.float32)
    x1 = r[..., 0] * 740.0
    y1 = r[..., 1] * 740.0
    x2 = jnp.minimum(x1 + 8.0 + r[..., 2] * 250.0, IMG_W)
    y2 = jnp.minimum(y1 + 8.0 + r[..., 3] * 250.0, IMG_H)
    proposals = jnp.stack([x1, y1, x2, y2], axis=-1)
    D = C * POOL * POOL
    W6 = jax.random.normal(ks[2], (D, HID), dtype=jnp.float32) * 0.01
    b6 = jnp.zeros((HID,), dtype=jnp.float32)
    W7 = jax.random.normal(ks[3], (HID, HID), dtype=jnp.float32) * 0.02
    b7 = jnp.zeros((HID,), dtype=jnp.float32)
    Wc = jax.random.normal(ks[4], (HID, NUM_CLASSES), dtype=jnp.float32) * 0.05
    bc = jnp.zeros((NUM_CLASSES,), dtype=jnp.float32)
    Wb = jax.random.normal(ks[5], (HID, NUM_CLASSES * 4), dtype=jnp.float32) * 0.01
    bb = jnp.zeros((NUM_CLASSES * 4,), dtype=jnp.float32)
    return {"features": features, "proposals": proposals, "W6": W6, "b6": b6, "W7": W7, "b7": b7, "Wc": Wc, "bc": bc, "Wb": Wb, "bb": bb}


def _bilinear(feat, ys, xs):
    Cc, H, W = feat.shape
    y0 = jnp.floor(ys)
    x0 = jnp.floor(xs)
    ly = ys - y0
    lx = xs - x0
    hy = 1.0 - ly
    hx = 1.0 - lx
    y0i = jnp.clip(y0.astype(jnp.int32), 0, H - 1)
    y1i = jnp.clip(y0.astype(jnp.int32) + 1, 0, H - 1)
    x0i = jnp.clip(x0.astype(jnp.int32), 0, W - 1)
    x1i = jnp.clip(x0.astype(jnp.int32) + 1, 0, W - 1)
    f = feat.reshape(Cc, H * W)
    v00 = f[:, y0i * W + x0i]
    v01 = f[:, y0i * W + x1i]
    v10 = f[:, y1i * W + x0i]
    v11 = f[:, y1i * W + x1i]
    return v00 * (hy * hx) + v01 * (hy * lx) + v10 * (ly * hx) + v11 * (ly * lx)


def _roi_align(feat, boxes):
    b = boxes * SCALE
    x1 = b[:, 0]
    y1 = b[:, 1]
    x2 = b[:, 2]
    y2 = b[:, 3]
    rw = jnp.maximum(x2 - x1, 1.0)
    rh = jnp.maximum(y2 - y1, 1.0)
    g = (jnp.arange(POOL, dtype=jnp.float32) + 0.5) / POOL
    xs = x1[:, None] + g[None, :] * rw[:, None]
    ys = y1[:, None] + g[None, :] * rh[:, None]
    n = boxes.shape[0]
    yy = jnp.broadcast_to(ys[:, :, None], (n, POOL, POOL)).reshape(-1)
    xx = jnp.broadcast_to(xs[:, None, :], (n, POOL, POOL)).reshape(-1)
    vals = _bilinear(feat, yy, xx)
    vals = vals.reshape(feat.shape[0], n, POOL, POOL)
    return jnp.transpose(vals, (1, 0, 2, 3))


def _box_iou(a, b):
    area_a = (a[:, 2] - a[:, 0]) * (a[:, 3] - a[:, 1])
    area_b = (b[:, 2] - b[:, 0]) * (b[:, 3] - b[:, 1])
    lt = jnp.maximum(a[:, None, :2], b[None, :, :2])
    rb = jnp.minimum(a[:, None, 2:], b[None, :, 2:])
    wh = jnp.clip(rb - lt, 0.0, None)
    inter = wh[..., 0] * wh[..., 1]
    union = area_a[:, None] + area_b[None, :] - inter
    return inter / jnp.maximum(union, 1e-9)


def _decode(reg, props):
    w = props[:, 2] - props[:, 0]
    h = props[:, 3] - props[:, 1]
    cx = props[:, 0] + 0.5 * w
    cy = props[:, 1] + 0.5 * h
    reg = reg.reshape(reg.shape[0], NUM_CLASSES, 4)
    dx = reg[..., 0] / 10.0
    dy = reg[..., 1] / 10.0
    dw = jnp.minimum(reg[..., 2] / 5.0, BBOX_XFORM_CLIP)
    dh = jnp.minimum(reg[..., 3] / 5.0, BBOX_XFORM_CLIP)
    pcx = dx * w[:, None] + cx[:, None]
    pcy = dy * h[:, None] + cy[:, None]
    pw = jnp.exp(dw) * w[:, None]
    ph = jnp.exp(dh) * h[:, None]
    return jnp.stack([pcx - 0.5 * pw, pcy - 0.5 * ph, pcx + 0.5 * pw, pcy + 0.5 * ph], axis=-1)


def _postprocess_one(boxes, scores):
    bx1 = jnp.clip(boxes[..., 0], 0.0, IMG_W)
    by1 = jnp.clip(boxes[..., 1], 0.0, IMG_H)
    bx2 = jnp.clip(boxes[..., 2], 0.0, IMG_W)
    by2 = jnp.clip(boxes[..., 3], 0.0, IMG_H)
    boxes = jnp.stack([bx1, by1, bx2, by2], axis=-1)
    boxes = boxes[:, 1:, :].reshape(-1, 4)
    scores = scores[:, 1:].reshape(-1)
    labels = jnp.tile(jnp.arange(1, NUM_CLASSES), boxes.shape[0] // (NUM_CLASSES - 1))
    ws = boxes[:, 2] - boxes[:, 0]
    hs = boxes[:, 3] - boxes[:, 1]
    valid = (scores > SCORE_THRESH) & (ws >= 0.01) & (hs >= 0.01)
    masked = jnp.where(valid, scores, NEG)
    _, top_i = jax.lax.top_k(masked, PRE_NMS_TOPK)
    b = boxes[top_i]
    s = scores[top_i]
    l = labels[top_i]
    v = valid[top_i]
    offs = l.astype(jnp.float32) * (jnp.maximum(IMG_W, IMG_H) + 1.0)
    bn = b + offs[:, None]
    iou = _box_iou(bn, bn)
    idxr = jnp.arange(PRE_NMS_TOPK)

    def body(keep, i):
        sup = (iou[i] > NMS_THRESH) & (idxr > i) & keep[i]
        return keep & (~sup), None

    keep, _ = jax.lax.scan(body, v, jnp.arange(PRE_NMS_TOPK))
    final = jnp.where(keep, s, NEG)
    _, fi = jax.lax.top_k(final, DET_PER_IMG)
    fv = keep[fi]
    fb = jnp.where(fv[:, None], b[fi], 0.0)
    fs = jnp.where(fv, s[fi], 0.0)
    fl = jnp.where(fv, l[fi], 0).astype(jnp.float32)
    return jnp.concatenate([fb, fs[:, None], fl[:, None]], axis=1)


def _forward(features, proposals, W6, b6, W7, b7, Wc, bc, Wb, bb):
    pooled = jnp.concatenate([_roi_align(features[i], proposals[i]) for i in range(B)], axis=0)
    x = pooled.reshape(pooled.shape[0], -1)
    x = jax.nn.relu(x @ W6 + b6)
    x = jax.nn.relu(x @ W7 + b7)
    class_logits = x @ Wc + bc
    box_reg = x @ Wb + bb
    props = proposals.reshape(-1, 4)
    pred_boxes = _decode(box_reg, props)
    pred_scores = jax.nn.softmax(class_logits, axis=-1)
    dets = [_postprocess_one(pred_boxes[i * N:(i + 1) * N], pred_scores[i * N:(i + 1) * N]) for i in range(B)]
    return jnp.stack(dets, axis=0)


def reference(features, proposals, W6, b6, W7, b7, Wc, bc, Wb, bb):
    return _forward(features, proposals, W6, b6, W7, b7, Wc, bc, Wb, bb)

if __name__ == "__main__":
    import jax
    _d = setup_inputs()
    print(jax.jit(kernel)(*tuple(_d.values())))

</pallas_src>

<mosaic_0001>
module attributes {stable_mosaic.version = 14 : i64} {
  func.func @_mm_body(%arg0: i32, %arg1: i32, %arg2: memref<256x1792xf32, #tpu.memory_space<vmem>>, %arg3: memref<1792x1024xf32, #tpu.memory_space<vmem>>, %arg4: memref<1x1024xf32, #tpu.memory_space<vmem>>, %arg5: memref<256x1024xf32, #tpu.memory_space<vmem>>) attributes {dimension_semantics = [#tpu.dimension_semantics<arbitrary>, #tpu.dimension_semantics<arbitrary>], iteration_bounds = array<i64: 8, 7>, scalar_prefetch = 0 : i64, scratch_operands = 0 : i64, tpu.core_type = #tpu.core_type<tc>, window_params = [{transform_indices = @transform_0, window_bounds = array<i64: 256, 1792>}, {transform_indices = @transform_1, window_bounds = array<i64: 1792, 1024>}, {pipeline_mode = #tpu.pipeline_mode<synchronous>, transform_indices = @transform_2, window_bounds = array<i64: 1, 1024>}, {transform_indices = @transform_3, window_bounds = array<i64: 256, 1024>}]} {
    %eq3A = arith.constant 0 : i32
    %eq3A_0 = arith.cmpi eq, %arg1, %eq3A : i32
    %convert_element_type3A = arith.extui %eq3A_0 : i1 to i32
    %cond3A = arith.constant 0 : i32
    %cond3A_1 = arith.cmpi ne, %convert_element_type3A, %cond3A : i32
    scf.if %cond3A_1 {
      %broadcast_in_dim3A = arith.constant 0.000000e+00 : f32
      %broadcast_in_dim3A_18 = vector.broadcast %broadcast_in_dim3A : f32 to vector<256x1024xf32>
      %swap3A_19 = arith.constant 0 : index
      %swap3A_20 = arith.constant 0 : index
      %swap3A_21 = vector.load %arg5[%swap3A_19, %swap3A_20] : memref<256x1024xf32, #tpu.memory_space<vmem>>, vector<256x1024xf32>
      tpu.vector_store %arg5[%swap3A_19, %swap3A_20], %broadcast_in_dim3A_18 {strides = array<i32>} : memref<256x1024xf32, #tpu.memory_space<vmem>>, vector<256x1024xf32>,
    } else {
    }
    %get3A = arith.constant 0 : index
    %get3A_2 = arith.constant 0 : index
    %get3A_3 = vector.load %arg5[%get3A, %get3A_2] : memref<256x1024xf32, #tpu.memory_space<vmem>>, vector<256x1024xf32>
    %get3A_4 = arith.constant 0 : index
    %get3A_5 = arith.constant 0 : index
    %get3A_6 = vector.load %arg2[%get3A_4, %get3A_5] : memref<256x1792xf32, #tpu.memory_space<vmem>>, vector<256x1792xf32>
    %get3A_7 = arith.constant 0 : index
    %get3A_8 = arith.constant 0 : index
    %get3A_9 = vector.load %arg3[%get3A_7, %get3A_8] : memref<1792x1024xf32, #tpu.memory_space<vmem>>, vector<1792x1024xf32>
    %dot_general3A = arith.constant dense<0.000000e+00> : vector<256x1024xf32>
    %dot_general3A_10 = tpu.matmul %get3A_6, %get3A_9, %dot_general3A {dimension_numbers = #tpu.dot_dimension_numbers<[1], [0], [0], [1], [0, 0, 1, 1], [], []>, transpose_lhs_hint = false} : vector<256x1792xf32>, vector<1792x1024xf32>, vector<256x1024xf32> -> vector<256x1024xf32>
    %add3A = arith.addf %get3A_3, %dot_general3A_10 : vector<256x1024xf32>
    %swap3A = arith.constant 0 : index
    %swap3A_11 = arith.constant 0 : index
    %swap3A_12 = vector.load %arg5[%swap3A, %swap3A_11] : memref<256x1024xf32, #tpu.memory_space<vmem>>, vector<256x1024xf32>
    tpu.vector_store %arg5[%swap3A, %swap3A_11], %add3A {strides = array<i32>} : memref<256x1024xf32, #tpu.memory_space<vmem>>, vector<256x1024xf32>,
    %eq3A_13 = arith.constant 6 : i32
    %eq3A_14 = arith.cmpi eq, %arg1, %eq3A_13 : i32
    %convert_element_type3A_15 = arith.extui %eq3A_14 : i1 to i32
    %cond3A_16 = arith.constant 0 : i32
    %cond3A_17 = arith.cmpi ne, %convert_element_type3A_15, %cond3A_16 : i32
    scf.if %cond3A_17 {
      %get3A_18 = arith.constant 0 : index
      %get3A_19 = arith.constant 0 : index
      %get3A_20 = vector.load %arg5[%get3A_18, %get3A_19] : memref<256x1024xf32, #tpu.memory_space<vmem>>, vector<256x1024xf32>
      %get3A_21 = arith.constant 0 : index
      %get3A_22 = arith.constant 0 : index
      %get3A_23 = vector.load %arg4[%get3A_21, %get3A_22] : memref<1x1024xf32, #tpu.memory_space<vmem>>, vector<1x1024xf32>
      %add3A_24 = vector.broadcast %get3A_23 : vector<1x1024xf32> to vector<256x1024xf32>
      %add3A_25 = arith.addf %get3A_20, %add3A_24 : vector<256x1024xf32>
      %max3A = arith.constant 0.000000e+00 : f32
      %max3A_26 = vector.broadcast %max3A : f32 to vector<256x1024xf32>
      %max3A_27 = arith.maximumf %add3A_25, %max3A_26 : vector<256x1024xf32>
      %swap3A_28 = arith.constant 0 : index
      %swap3A_29 = arith.constant 0 : index
      %swap3A_30 = vector.load %arg5[%swap3A_28, %swap3A_29] : memref<256x1024xf32, #tpu.memory_space<vmem>>, vector<256x1024xf32>
      tpu.vector_store %arg5[%swap3A_28, %swap3A_29], %max3A_27 {strides = array<i32>} : memref<256x1024xf32, #tpu.memory_space<vmem>>, vector<256x1024xf32>,
    } else {
    }
    return
  }
  func.func @transform_0(%arg0: i32, %arg1: i32) -> (i32, i32) {
    %c0_i32 = arith.constant 0 : i32
    return %arg0, %arg1 : i32, i32
  }
  func.func @transform_1(%arg0: i32, %arg1: i32) -> (i32, i32) {
    %c0_i32 = arith.constant 0 : i32
    %c0_i32_0 = arith.constant 0 : i32
    return %arg1, %c0_i32 : i32, i32
  }
  func.func @transform_2(%arg0: i32, %arg1: i32) -> (i32, i32) {
    %c0_i32 = arith.constant 0 : i32
    %c0_i32_0 = arith.constant 0 : i32
    %c0_i32_1 = arith.constant 0 : i32
    return %c0_i32, %c0_i32_0 : i32, i32
  }
  func.func @transform_3(%arg0: i32, %arg1: i32) -> (i32, i32) {
    %c0_i32 = arith.constant 0 : i32
    %c0_i32_0 = arith.constant 0 : i32
    return %arg0, %c0_i32 : i32, i32
  }
}

module attributes {stable_mosaic.version = 14 : i64} {
  func.func @_mm_body(%arg0: i32, %arg1: i32, %arg2: memref<256x1024xf32, #tpu.memory_space<vmem>>, %arg3: memref<1024x1024xf32, #tpu.memory_space<vmem>>, %arg4: memref<1x1024xf32, #tpu.memory_space<vmem>>, %arg5: memref<256x1024xf32, #tpu.memory_space<vmem>>) attributes {dimension_semantics = [#tpu.dimension_semantics<arbitrary>, #tpu.dimension_semantics<arbitrary>], iteration_bounds = array<i64: 8, 1>, scalar_prefetch = 0 : i64, scratch_operands = 0 : i64, tpu.core_type = #tpu.core_type<tc>, window_params = [{transform_indices = @transform_0, window_bounds = array<i64: 256, 1024>}, {transform_indices = @transform_1, window_bounds = array<i64: 1024, 1024>}, {pipeline_mode = #tpu.pipeline_mode<synchronous>, transform_indices = @transform_2, window_bounds = array<i64: 1, 1024>}, {transform_indices = @transform_3, window_bounds = array<i64: 256, 1024>}]} {
    %eq3A = arith.constant 0 : i32
    %eq3A_0 = arith.cmpi eq, %arg1, %eq3A : i32
    %convert_element_type3A = arith.extui %eq3A_0 : i1 to i32
    %cond3A = arith.constant 0 : i32
    %cond3A_1 = arith.cmpi ne, %convert_element_type3A, %cond3A : i32
    scf.if %cond3A_1 {
      %broadcast_in_dim3A = arith.constant 0.000000e+00 : f32
      %broadcast_in_dim3A_18 = vector.broadcast %broadcast_in_dim3A : f32 to vector<256x1024xf32>
      %swap3A_19 = arith.constant 0 : index
      %swap3A_20 = arith.constant 0 : index
      %swap3A_21 = vector.load %arg5[%swap3A_19, %swap3A_20] : memref<256x1024xf32, #tpu.memory_space<vmem>>, vector<256x1024xf32>
      tpu.vector_store %arg5[%swap3A_19, %swap3A_20], %broadcast_in_dim3A_18 {strides = array<i32>} : memref<256x1024xf32, #tpu.memory_space<vmem>>, vector<256x1024xf32>,
    } else {
    }
    %get3A = arith.constant 0 : index
    %get3A_2 = arith.constant 0 : index
    %get3A_3 = vector.load %arg5[%get3A, %get3A_2] : memref<256x1024xf32, #tpu.memory_space<vmem>>, vector<256x1024xf32>
    %get3A_4 = arith.constant 0 : index
    %get3A_5 = arith.constant 0 : index
    %get3A_6 = vector.load %arg2[%get3A_4, %get3A_5] : memref<256x1024xf32, #tpu.memory_space<vmem>>, vector<256x1024xf32>
    %get3A_7 = arith.constant 0 : index
    %get3A_8 = arith.constant 0 : index
    %get3A_9 = vector.load %arg3[%get3A_7, %get3A_8] : memref<1024x1024xf32, #tpu.memory_space<vmem>>, vector<1024x1024xf32>
    %dot_general3A = arith.constant dense<0.000000e+00> : vector<256x1024xf32>
    %dot_general3A_10 = tpu.matmul %get3A_6, %get3A_9, %dot_general3A {dimension_numbers = #tpu.dot_dimension_numbers<[1], [0], [0], [1], [0, 0, 1, 1], [], []>, transpose_lhs_hint = false} : vector<256x1024xf32>, vector<1024x1024xf32>, vector<256x1024xf32> -> vector<256x1024xf32>
    %add3A = arith.addf %get3A_3, %dot_general3A_10 : vector<256x1024xf32>
    %swap3A = arith.constant 0 : index
    %swap3A_11 = arith.constant 0 : index
    %swap3A_12 = vector.load %arg5[%swap3A, %swap3A_11] : memref<256x1024xf32, #tpu.memory_space<vmem>>, vector<256x1024xf32>
    tpu.vector_store %arg5[%swap3A, %swap3A_11], %add3A {strides = array<i32>} : memref<256x1024xf32, #tpu.memory_space<vmem>>, vector<256x1024xf32>,
    %eq3A_13 = arith.constant 0 : i32
    %eq3A_14 = arith.cmpi eq, %arg1, %eq3A_13 : i32
    %convert_element_type3A_15 = arith.extui %eq3A_14 : i1 to i32
    %cond3A_16 = arith.constant 0 : i32
    %cond3A_17 = arith.cmpi ne, %convert_element_type3A_15, %cond3A_16 : i32
    scf.if %cond3A_17 {
      %get3A_18 = arith.constant 0 : index
      %get3A_19 = arith.constant 0 : index
      %get3A_20 = vector.load %arg5[%get3A_18, %get3A_19] : memref<256x1024xf32, #tpu.memory_space<vmem>>, vector<256x1024xf32>
      %get3A_21 = arith.constant 0 : index
      %get3A_22 = arith.constant 0 : index
      %get3A_23 = vector.load %arg4[%get3A_21, %get3A_22] : memref<1x1024xf32, #tpu.memory_space<vmem>>, vector<1x1024xf32>
      %add3A_24 = vector.broadcast %get3A_23 : vector<1x1024xf32> to vector<256x1024xf32>
      %add3A_25 = arith.addf %get3A_20, %add3A_24 : vector<256x1024xf32>
      %max3A = arith.constant 0.000000e+00 : f32
      %max3A_26 = vector.broadcast %max3A : f32 to vector<256x1024xf32>
      %max3A_27 = arith.maximumf %add3A_25, %max3A_26 : vector<256x1024xf32>
      %swap3A_28 = arith.constant 0 : index
      %swap3A_29 = arith.constant 0 : index
      %swap3A_30 = vector.load %arg5[%swap3A_28, %swap3A_29] : memref<256x1024xf32, #tpu.memory_space<vmem>>, vector<256x1024xf32>
      tpu.vector_store %arg5[%swap3A_28, %swap3A_29], %max3A_27 {strides = array<i32>} : memref<256x1024xf32, #tpu.memory_space<vmem>>, vector<256x1024xf32>,
    } else {
    }
    return
  }
  func.func @transform_0(%arg0: i32, %arg1: i32) -> (i32, i32) {
    %c0_i32 = arith.constant 0 : i32
    return %arg0, %arg1 : i32, i32
  }
  func.func @transform_1(%arg0: i32, %arg1: i32) -> (i32, i32) {
    %c0_i32 = arith.constant 0 : i32
    %c0_i32_0 = arith.constant 0 : i32
    return %arg1, %c0_i32 : i32, i32
  }
  func.func @transform_2(%arg0: i32, %arg1: i32) -> (i32, i32) {
    %c0_i32 = arith.constant 0 : i32
    %c0_i32_0 = arith.constant 0 : i32
    %c0_i32_1 = arith.constant 0 : i32
    return %c0_i32, %c0_i32_0 : i32, i32
  }
  func.func @transform_3(%arg0: i32, %arg1: i32) -> (i32, i32) {
    %c0_i32 = arith.constant 0 : i32
    %c0_i32_0 = arith.constant 0 : i32
    return %arg0, %c0_i32 : i32, i32
  }
}

module attributes {stable_mosaic.version = 14 : i64} {
  func.func @_mm_body(%arg0: i32, %arg1: i32, %arg2: memref<256x1024xf32, #tpu.memory_space<vmem>>, %arg3: memref<1024x512xf32, #tpu.memory_space<vmem>>, %arg4: memref<1x512xf32, #tpu.memory_space<vmem>>, %arg5: memref<256x512xf32, #tpu.memory_space<vmem>>) attributes {dimension_semantics = [#tpu.dimension_semantics<arbitrary>, #tpu.dimension_semantics<arbitrary>], iteration_bounds = array<i64: 8, 1>, scalar_prefetch = 0 : i64, scratch_operands = 0 : i64, tpu.core_type = #tpu.core_type<tc>, window_params = [{transform_indices = @transform_0, window_bounds = array<i64: 256, 1024>}, {transform_indices = @transform_1, window_bounds = array<i64: 1024, 512>}, {pipeline_mode = #tpu.pipeline_mode<synchronous>, transform_indices = @transform_2, window_bounds = array<i64: 1, 512>}, {transform_indices = @transform_3, window_bounds = array<i64: 256, 512>}]} {
    %eq3A = arith.constant 0 : i32
    %eq3A_0 = arith.cmpi eq, %arg1, %eq3A : i32
    %convert_element_type3A = arith.extui %eq3A_0 : i1 to i32
    %cond3A = arith.constant 0 : i32
    %cond3A_1 = arith.cmpi ne, %convert_element_type3A, %cond3A : i32
    scf.if %cond3A_1 {
      %broadcast_in_dim3A = arith.constant 0.000000e+00 : f32
      %broadcast_in_dim3A_18 = vector.broadcast %broadcast_in_dim3A : f32 to vector<256x512xf32>
      %swap3A_19 = arith.constant 0 : index
      %swap3A_20 = arith.constant 0 : index
      %swap3A_21 = vector.load %arg5[%swap3A_19, %swap3A_20] : memref<256x512xf32, #tpu.memory_space<vmem>>, vector<256x512xf32>
      tpu.vector_store %arg5[%swap3A_19, %swap3A_20], %broadcast_in_dim3A_18 {strides = array<i32>} : memref<256x512xf32, #tpu.memory_space<vmem>>, vector<256x512xf32>,
    } else {
    }
    %get3A = arith.constant 0 : index
    %get3A_2 = arith.constant 0 : index
    %get3A_3 = vector.load %arg5[%get3A, %get3A_2] : memref<256x512xf32, #tpu.memory_space<vmem>>, vector<256x512xf32>
    %get3A_4 = arith.constant 0 : index
    %get3A_5 = arith.constant 0 : index
    %get3A_6 = vector.load %arg2[%get3A_4, %get3A_5] : memref<256x1024xf32, #tpu.memory_space<vmem>>, vector<256x1024xf32>
    %get3A_7 = arith.constant 0 : index
    %get3A_8 = arith.constant 0 : index
    %get3A_9 = vector.load %arg3[%get3A_7, %get3A_8] : memref<1024x512xf32, #tpu.memory_space<vmem>>, vector<1024x512xf32>
    %dot_general3A = arith.constant dense<0.000000e+00> : vector<256x512xf32>
    %dot_general3A_10 = tpu.matmul %get3A_6, %get3A_9, %dot_general3A {dimension_numbers = #tpu.dot_dimension_numbers<[1], [0], [0], [1], [0, 0, 1, 1], [], []>, transpose_lhs_hint = false} : vector<256x1024xf32>, vector<1024x512xf32>, vector<256x512xf32> -> vector<256x512xf32>
    %add3A = arith.addf %get3A_3, %dot_general3A_10 : vector<256x512xf32>
    %swap3A = arith.constant 0 : index
    %swap3A_11 = arith.constant 0 : index
    %swap3A_12 = vector.load %arg5[%swap3A, %swap3A_11] : memref<256x512xf32, #tpu.memory_space<vmem>>, vector<256x512xf32>
    tpu.vector_store %arg5[%swap3A, %swap3A_11], %add3A {strides = array<i32>} : memref<256x512xf32, #tpu.memory_space<vmem>>, vector<256x512xf32>,
    %eq3A_13 = arith.constant 0 : i32
    %eq3A_14 = arith.cmpi eq, %arg1, %eq3A_13 : i32
    %convert_element_type3A_15 = arith.extui %eq3A_14 : i1 to i32
    %cond3A_16 = arith.constant 0 : i32
    %cond3A_17 = arith.cmpi ne, %convert_element_type3A_15, %cond3A_16 : i32
    scf.if %cond3A_17 {
      %get3A_18 = arith.constant 0 : index
      %get3A_19 = arith.constant 0 : index
      %get3A_20 = vector.load %arg5[%get3A_18, %get3A_19] : memref<256x512xf32, #tpu.memory_space<vmem>>, vector<256x512xf32>
      %get3A_21 = arith.constant 0 : index
      %get3A_22 = arith.constant 0 : index
      %get3A_23 = vector.load %arg4[%get3A_21, %get3A_22] : memref<1x512xf32, #tpu.memory_space<vmem>>, vector<1x512xf32>
      %add3A_24 = vector.broadcast %get3A_23 : vector<1x512xf32> to vector<256x512xf32>
      %add3A_25 = arith.addf %get3A_20, %add3A_24 : vector<256x512xf32>
      %swap3A_26 = arith.constant 0 : index
      %swap3A_27 = arith.constant 0 : index
      %swap3A_28 = vector.load %arg5[%swap3A_26, %swap3A_27] : memref<256x512xf32, #tpu.memory_space<vmem>>, vector<256x512xf32>
      tpu.vector_store %arg5[%swap3A_26, %swap3A_27], %add3A_25 {strides = array<i32>} : memref<256x512xf32, #tpu.memory_space<vmem>>, vector<256x512xf32>,
    } else {
    }
    return
  }
  func.func @transform_0(%arg0: i32, %arg1: i32) -> (i32, i32) {
    %c0_i32 = arith.constant 0 : i32
    return %arg0, %arg1 : i32, i32
  }
  func.func @transform_1(%arg0: i32, %arg1: i32) -> (i32, i32) {
    %c0_i32 = arith.constant 0 : i32
    %c0_i32_0 = arith.constant 0 : i32
    return %arg1, %c0_i32 : i32, i32
  }
  func.func @transform_2(%arg0: i32, %arg1: i32) -> (i32, i32) {
    %c0_i32 = arith.constant 0 : i32
    %c0_i32_0 = arith.constant 0 : i32
    %c0_i32_1 = arith.constant 0 : i32
    return %c0_i32, %c0_i32_0 : i32, i32
  }
  func.func @transform_3(%arg0: i32, %arg1: i32) -> (i32, i32) {
    %c0_i32 = arith.constant 0 : i32
    %c0_i32_0 = arith.constant 0 : i32
    return %arg0, %c0_i32 : i32, i32
  }
}

</mosaic_0001>

<sc_bundles>
// kernel: gather_offload_async_start.1
scs
__scs_entry_jumppad:
0x0: {  	(pc) =	sbr.rel $0x88, $3  }
0x1: {  	(tag) =	ssettag $0x0;
	lr =	simm.s32 $0x1  }
0x2: {  	[smem:$0x3F97] =	sst lr;
	_ =	strace $0xD0000000  }
0x3: {  	_ = 	snop  }
0x4: {  	_ = 	snop  }
0x5: {  	_ = 	snop  }
0x6: {  	_ = 	snop  }
0x7: {  	_ = 	snop  }
__scs_overlays_trampoline_lowered:
0x8: {  	[smem:$0x3FA6] =	sst s0  }
0x9: {  	[smem:$0x3FA7] =	sst s1  }
0xa: {  	[smem:$0x3FA8] =	sst s2  }
0xb: {  	[smem:$0x3FA9] =	sst s3  }
0xc: {  	[smem:$0x3FAA] =	sst s4  }
0xd: {  	[smem:$0x3FAB] =	sst s5  }
0xe: {  	[smem:$0x3FAC] =	sst s6  }
0xf: {  	[smem:$0x3FAD] =	sst s7  }
0x10: {  	[smem:$0x3FAE] =	sst s8  }
0x11: {  	[smem:$0x3FAF] =	sst s9;
	s0 =	simm.s32 @!p0 $0x0  }
0x12: {  	s1 =	sld [smem:$0x3F95];
	s0 =	simm.s32 @p0 $0x1  }
0x13: {  	[smem:$0x3FB0] =	sst s0;
	s0 =	simm.s32 @!p1 $0x0  }
0x14: {  	s2 =	sld [smem:$0x3F94];
	s0 =	simm.s32 @p1 $0x1  }
0x15: {  	[smem:$0x3FB1] =	sst s0;
	s0 =	simm.s32 @!p2 $0x0  }
0x16: {  	s3 =	sld [smem:$0x3FDB];
	s0 =	simm.s32 @p2 $0x1  }
0x17: {  	s4 =	simm.s32 $0x1BF5;
	[smem:$0x3FB3] =	sst s0  }
0x18: {  	s0 =	sld [smem:$0x3F96];
	_ =	swait.ge [sflag:s4], $0x0  }
0x19: {  	s7 =	sld [smem:$0x3F97]  }
0x1a: {  	s8 =	sadd.s32 $0xFFFFE003, lr  }
0x1b: {  	s9 =	sadd.s32 $0xFFFFFEF7, lr;
	s5 =	simm.s32 $0xFFFFFFFF;
	p2 =	slt.u32 s8, $0xFFFFF086  }
0x1c: {  	p1 =	slt.u32 s9, $0xF7A;
	s5 =	simm.s32 @!p2 $0x0  }
0x1d: {  	s5 =	simm.s32 @p1 $0x1;
	p0 =	seq.s32 s7, s2  }
0x1e: {  	s7 =	smul.u32 @!p0 $0xF7A, s2;
	p2 =	seq.s32 @!p0 s5, $0x0  }
0x1f: {  	s9 =	smul.u32 $0xF7A, s1;
	s8 =	simm.s32 @!p0 $0x1BF5;
	p2 =	por !p2, p0  }
0x20: {  	[sflag:s8] =	ssyncset.s32 @!p0 $0xFFFFF086;
	s6 =	sadd.s32 @!p0 s3, s7;
	s7 =	simm.s32 @!p0 $0x108  }
0x21: {  	s3 =	sadd.s32 s3, s9;
	s6 =	sadd.s32 @!p0 $0x88, s6;
	s7 =	simm.s32 @p2 $0x1082  }
0x22: {  	[simem:s7], [sflag:s8] =	dma.local @!p0 [hbm:s6], $0xF7A  }
0x23: {  	s9 =	sor.u32 $0xD0000000, s2;
	s6 =	simm.s32 $0x108;
	_ =	swait.ge @!p0 [sflag:s8], $0x0  }
0x24: {  	s3 =	sadd.s32 $0x88, s3;
	s6 =	simm.s32 @!p1 $0x1082;
	[sflag:s4] =	ssyncset.s32 $0xFFFFF086  }
0x25: {  	[simem:s6], [sflag:s4] =	dma.local [hbm:s3], $0xF7A  }
0x26: {  	[smem:$0x3F97] =	sst s1;
	(tag) =	ssettag s2;
	_ =	strace s9  }
0x27: {  	s1 =	sld [smem:$0x3FA7]  }
0x28: {  	s2 =	sld [smem:$0x3FA8]  }
0x29: {  	s4 =	sld [smem:$0x3FAA]  }
0x2a: {  	p0 =	seq.s32 s5, $0x0;
	s5 =	sld [smem:$0x3FAB]  }
0x2b: {  	s6 =	sld [smem:$0x3FAC]  }
0x2c: {  	s7 =	sld [smem:$0x3FAD]  }
0x2d: {  	s3 =	simm.s32 $0x108;
	s8 =	sld [smem:$0x3FAE]  }
0x2e: {  	s3 =	simm.s32 @!p0 $0x1082;
	s9 =	sld [smem:$0x3FAF]  }
0x2f: {  	lr =	sadd.s32 s0, s3;
	s0 =	sld [smem:$0x3FA6]  }
0x30: {  	s3 =	sld [smem:$0x3FA9]  }
0x31: {  	[smem:$0x3FB2] =	sst s10  }
0x32: {  	s10 =	sld [smem:$0x3FB0];
	_ =	sdelay $0x3  }
0x33: {  	p0 =	seq.s32 s10, $0x1;
	s10 =	sld [smem:$0x3FB2];
	_ =	sdelay $0x3  }
0x34: {  	[smem:$0x3FB2] =	sst s10  }
0x35: {  	s10 =	sld [smem:$0x3FB1];
	_ =	sdelay $0x3  }
0x36: {  	p1 =	seq.s32 s10, $0x1;
	s10 =	sld [smem:$0x3FB2];
	_ =	sdelay $0x3  }
0x37: {  	[smem:$0x3FB2] =	sst s10  }
0x38: {  	s10 =	sld [smem:$0x3FB3]  }
0x39: {  	_ = 	snop;
	(pc) =	sbr.ind lr, $3  }
0x3a: {  	_ = 	snop  }
0x3b: {  	_ = 	snop  }
0x3c: {  	p2 =	seq.s32 s10, $0x1;
	s10 =	sld [smem:$0x3FB2]  }
0x3d: {  	_ =	shalt  }
0x3e: {  	_ =	shalt  }
0x3f: {  	_ =	shalt  }
0x40: {  	_ =	shalt  }
0x41: {  	_ =	shalt  }
0x42: {  	_ =	shalt  }
0x43: {  	_ =	shalt  }
0x44: {  	_ =	shalt  }
0x45: {  	_ =	shalt  }
0x46: {  	_ =	shalt  }
0x47: {  	_ =	shalt  }
0x48: {  	_ =	shalt  }
0x49: {  	_ =	shalt  }
0x4a: {  	_ =	shalt  }
0x4b: {  	_ =	shalt  }
0x4c: {  	_ =	shalt  }
0x4d: {  	_ =	shalt  }
0x4e: {  	_ =	shalt  }
0x4f: {  	_ =	shalt  }
0x50: {  	_ =	shalt  }
0x51: {  	_ =	shalt  }
0x52: {  	_ =	shalt  }
0x53: {  	_ =	shalt  }
0x54: {  	_ =	shalt  }
0x55: {  	_ =	shalt  }
0x56: {  	_ =	shalt  }
0x57: {  	_ =	shalt  }
0x58: {  	_ =	shalt  }
0x59: {  	_ =	shalt  }
0x5a: {  	_ =	shalt  }
0x5b: {  	_ =	shalt  }
0x5c: {  	_ =	shalt  }
0x5d: {  	_ =	shalt  }
0x5e: {  	_ =	shalt  }
0x5f: {  	_ =	shalt  }
0x60: {  	_ =	shalt  }
0x61: {  	_ =	shalt  }
0x62: {  	_ =	shalt  }
0x63: {  	_ =	shalt  }
0x64: {  	_ =	shalt  }
0x65: {  	_ =	shalt  }
0x66: {  	_ =	shalt  }
0x67: {  	_ =	shalt  }
0x68: {  	_ =	shalt  }
0x69: {  	_ =	shalt  }
0x6a: {  	_ =	shalt  }
0x6b: {  	_ =	shalt  }
0x6c: {  	_ =	shalt  }
0x6d: {  	_ =	shalt  }
0x6e: {  	_ =	shalt  }
0x6f: {  	_ =	shalt  }
0x70: {  	_ =	shalt  }
0x71: {  	_ =	shalt  }
0x72: {  	_ =	shalt  }
0x73: {  	_ =	shalt  }
0x74: {  	_ =	shalt  }
0x75: {  	_ =	shalt  }
0x76: {  	_ =	shalt  }
0x77: {  	_ =	shalt  }
0x78: {  	_ =	shalt  }
0x79: {  	_ =	shalt  }
0x7a: {  	_ =	shalt  }
0x7b: {  	_ =	shalt  }
0x7c: {  	_ =	shalt  }
0x7d: {  	_ =	shalt  }
0x7e: {  	_ =	shalt  }
0x7f: {  	_ =	shalt  }
0x80: {  	_ =	shalt  }
0x81: {  	_ =	shalt  }
0x82: {  	_ =	shalt  }
0x83: {  	_ =	shalt  }
0x84: {  	_ =	shalt  }
0x85: {  	_ =	shalt  }
0x86: {  	_ =	shalt  }
0x87: {  	_ =	shalt  }
.Lfunc_end0:
.L_simem_size_0:
called_computation.3_lowered:
.L_overlay_start_0:
0x88: {  	s0 =	sld [smem:$0x3FD9]  }
0x89: {  	s1 =	sld [smem:$0x3FFE];
	_ =	sdelay $0x3  }
0x8a: {  	s0 =	sadd.s32 s1, s0  }
0x8b: {  	[smem:$0x3FBE] =	sst s0  }
0x8c: {  	_ = 	snop  }
0x8d: {  	(tm) =	ssettm $0x1  }
0x8e: {  	s15 =	sld [smem:$0x3FFB];
	_ =	sdelay $0x3  }
0x8f: {  	_ =	strace s15  }
0x90: {  	s0 =	sld [smem:$0x3FFC];
	_ =	sdelay $0x3  }
0x91: {  	_ =	strace s0  }
0x92: {  	s0 =	sld [smem:$0x3FFD];
	_ =	sdelay $0x3  }
0x93: {  	_ =	strace s0  }
0x94: {  	_ =	strace $0x8FFFFFFF  }
0x95: {  	s16 =	sld [smem:$0x3FDB];
	_ =	sdelay $0x1  }
0x96: {  	s17 =	simm.s32 $_scs_section_size  }
0x97: {  	s2 =	simm.s32 $_size__tile_overlayer_lowered;
	s3 =	simm.s32 $_tile_overlayer_lowered  }
0x98: {  	s20 =	simm.s32 $0x1BFF;
	s19 =	sshll.u32 s3, $0x1;
	s0 =	sadd.s32 s17, s16  }
0x99: {  	s4 =	simm.s32 $0x0;
	s18 =	sshll.u32 s2, $0x1;
	s2 =	sadd.s32 s19, s0  }
0x9a: {  	[timem:s4], [sflag:s20] =	dma.local [hbm:s2], s18  }
0x9b: {  	_ =	swait.ge [sflag:s20], s18  }
0x9c: {  	s1 =	ssub.s32 $0x0, s18;
	[sflag:s20] =	ssyncset.done $0x0  }
0x9d: {  	[sflag:s20] =	ssyncadd.s32 s1;
	_ =	sdelay $0x1  }
0x9e: {  	s21 =	simm.s32 $0x1B8B  }
0x9f: {  	_ =	swait.ge [sflag:s21], $0x1  }
0xa0: {  	[sflag:s21] =	ssyncset.done $0x0  }
0xa1: {  	s23 =	simm.s32 $0x1B8E;
	s22 =	sld [smem:$0x3FFE];
	[sflag:s21] =	ssyncadd.s32 $0xFFFFFFFF  }
0xa2: {  	s24 =	simm.s32 $execute0_lowered;
	[smem:$0x3FD2] =	sst s23  }
0xa3: {  	s2 =	sshll.u32 s24, $0x1;
	_ =	strace $0x80000061;
	[dreg:$0x1] =	wrdreg $0xFFFFFFFF  }
0xa4: {  	s25 =	simm.s32 $_size_execute0_lowered;
	s0 =	sadd.s32 s0, s2;
	[dreg:$0x0] =	wrdreg $0x0  }
0xa5: {  	s2 =	sshll.u32 s25, $0x1;
	[dreg:$0x2] =	wrdreg s0  }
0xa6: {  	[dreg:$0x3] =	wrdreg s2  }
0xa7: {  	[dreg:$0x4] =	wrdreg $0xC0  }
0xa8: {  	_ =	task [dreg:s4], $0x5FFFF  }
0xa9: {  	[dreg:$0x1] =	wrdreg $0xFFFFFFFF  }
0xaa: {  	[dreg:$0x0] =	wrdreg $0x60  }
0xab: {  	[dreg:$0x2] =	wrdreg s22  }
0xac: {  	[dreg:$0x3] =	wrdreg $0x9  }
0xad: {  	_ =	task.clear_ibuf [dreg:s4], $0x4FFFF;
	_ =	strace $0x90000061  }
0xae: {  	s26 =	simm.s32 $0x9;
	_ =	strace $0x80000063  }
0xaf: {  	_ =	swait.ge [sflag:s26], $0x1  }
0xb0: {  	[sflag:s26] =	ssyncadd.s32 $0xFFFFFFFF  }
0xb1: {  	_ =	strace $0x90000063  }
0xb2: {  	_ =	sfence  }
0xb3: {  	s28 =	sld [smem:$0x0];
	_ =	sdelay $0x1  }
0xb4: {  	s29 =	srdreg.scid  }
0xb5: {  	s30 =	sshll.u32 s29, $0xD;
	s31 =	sshrl.u32 s29, $0x2  }
0xb6: {  	s1 =	sand.u32 $0x1, s29;
	s2 =	sand.u32 $0x4000, s30;
	s0 =	sadd.s32 s31, s28  }
0xb7: {  	s1 =	sor.u32 s2, s1;
	s0 =	sshll.u32 s0, $0x11  }
0xb8: {  	s0 =	sor.u32 s0, s1  }
0xb9: {  	s0 =	sadd.s32 $0x8F2B, s0  }
0xba: {  	[sflag:s0] =	ssyncadd.remote.s32 $0x1  }
0xbb: {  	_ =	sfence.sel $0xFFFF  }
0xbc: {  	[dreg:$0x0] =	wrdreg $0xFFFFFFFF;
	(pc) =	sbr.abs _section_cstart, $3  }
0xbd: {  	[dreg:$0x1] =	wrdreg $0xFFFFFFFF  }
0xbe: {  	_ =	task.clear_ibuf [dreg:s4], $0x2FFFF;
	_ =	strace $0x9FFFFFFF  }
0xbf: {  	(tm) =	ssettm $0x7FFFFFFF  }
tec
execute0_lowered:
.L_overlay_start_1:
0x0: {  	(tag) =	ssettag $0x1  }
0x1: {  	s8 =	rddreg [dreg:$0x0]  }
0x2: {  	s0 =	rddreg [dreg:$0x1];
	_ =	strace $0x80000062  }
0x3: {  	s1 =	stileid.u32;
	s5 =	simm.s32 $0x1;
	s6 =	simm.s32 $0x500  }
0x4: {  	s9 =	simm.s32 $0x1;
	s10 =	simm.s32 $0x3;
	s13 =	simm.s32 $0x0  }
0x5: {  	s12 =	simm.s32 $0x0;
	s2 =	sadd.s32 $0x2BF400, s8;
	s4 =	smul.u32 $0x50, s1  }
0x6: {  	s3 =	sadd.s32 $0x2C2C00, s8;
	p0 =	slt.u32 s1, $0xA;
	[sflag:s5] =	ssyncpa.u1 $0x0  }
.Ltmp0:
0x7: {  	s6 =	simm.s32 @!p0 $0x0;
	s7 =	ssub.s32 $0x7D0, s4;
	(pc) =	sbr.rel .LBB2_1-.Ltmp0, $4  }
0x8: {  	s9 =	simm.s32 @!p0 $0x0;
	p0 =	sne.s32 s7, s6;
	s7 =	simm.s32 $0x1  }
0x9: {  	s8 =	sadd.s32 $0x94A00, s8;
	s6 =	simm.s32 $0x2;
	s7 =	simm.s32 @!p0 $0x0  }
0xa: {  	s11 =	smov.u32 s4;
	[sflag:s6] =	ssyncpa.u1 $0x0;
	s7 =	sadd.s32 s9, s7  }
0xb: {  	vm0 =	vmmov $0xffff;
	[sflag:s10] =	ssyncpa.u1 $0x0;
	s10 =	simm.s32 $0x0;
	s9 =	sadd.s32 $0x1, s7  }
.LBB2_4:
0xc: {  	v2 =	vnsel vm1, $0x0, v2  }
0xd: {  	vm1 =	vgt.s32 v0, $0x0;
	v2 =	vmin.u32 v2, $0x15F8F  }
0xe: {  	v0 =	vnsel vm1, $0x0, v0  }
0xf: {  	v0 =	vmin.u32 v0, $0x15F8F  }
0x10: {  	[tilespmem:s18], [sflag:$0x1] =	stream.indirect_vreg.gather [hbm4b:s2+s10], $0x1, v1, vm0, $0x4038;
	[tilespmem:$0x140] =	vst v63  }
0x11: {  	(ifvalue) =	ssetifvalue $0x7FFFFFFF  }
0x12: {  	[tilespmem:s15], [sflag:$0x1] =	stream.indirect_vreg.gather [hbm4b:s2+s10], $0x1, v2, vm0, $0x4038;
	[tilespmem:$0x140] =	vst v63  }
0x13: {  	s29 =	sadd.s32 $0x10, s15;
	(ifvalue) =	ssetifvalue $0x7FFFFFFF  }
0x14: {  	[tilespmem:s29], [sflag:$0x1] =	stream.indirect_vreg.gather [hbm4b:s2+s10], $0x1, v0, vm0, $0x4038;
	[tilespmem:$0x140] =	vst v63  }
0x15: {  	_ =	swait.ge [sflag:s5], $0x50  }
0x16: {  	s30 =	sshrl.u32 s13, $0x3;
	[sflag:s5] =	ssyncset.done $0x0  }
0x17: {  	s31 =	sand.u32 $0x7, s13;
	s15 =	sadd.s32 s8, s30;
	[sflag:s5] =	ssyncadd.s32 $0xFFFFFFB0  }
0x18: {  	[hbm4b:s15+s31] =	stream.linear.scatter [tilespmem:s14], [sflag:$0x3], $0x50, $0x38;
	[tilespmem:$0x140] =	vst v63  }
.LBB2_5:
0x19: {  	s15 =	sadd.s32 $0x500, s11  }
0x1a: {  	p1 =	sgt.s32 s15, $0x7CF  }
0x1b: {  	s15 =	smov.u32 @p1 s4;
	p1 =	sne.s32 s12, s9  }
.Ltmp1:
0x1c: {  	p0 =	slt.u32 s12, $0x2;
	(pc) =	sbr.rel @!p1 .LBB2_6-.Ltmp1, $4  }
0x1d: {  	s14 =	simm.s32 @!p0 $0x3  }
0x1e: {  	_ =	swait.ge @!p0 [sflag:s14], $0x50  }
0x1f: {  	s16 =	sadd.s32 $0x1, s12;
	s13 =	smov.u32 s11;
	[sflag:s14] =	ssyncset.done @!p0 $0x0  }
0x20: {  	s12 =	smov.u32 s16;
	s11 =	smov.u32 s15;
	[sflag:s14] =	ssyncadd.s32 @!p0 $0xFFFFFFB0  }
.LBB2_1:
0x21: {  	p0 =	sge.u32 s12, s7  }
0x22: {  	s14 =	sxor.u32 @!p0 $0x1, s12  }
0x23: {  	s14 =	smul.u32 @!p0 $0x140, s14  }
0x24: {  	s31 =	sadd.s32 $0xFFFFFFFF, s12;
	s15 =	sshrl.u32 @!p0 s11, $0x3  }
0x25: {  	s16 =	sand.u32 @!p0 $0x7, s11;
	s15 =	sadd.s32 @!p0 s3, s15;
	s14 =	sshra.s32 @!p0 s14, $0x2  }
0x26: {  	[tilespmem:s14], [sflag:$0x2] =	stream.linear.gather @!p0 [hbm4b:s15+s16], $0x50, $0x38;
	[tilespmem:$0x140] =	vst v63  }
0x27: {  	p0 =	sge.u32 s31, s7  }
.Ltmp2:
0x28: {  	_ = 	snop;
	(pc) =	sbr.rel @p0 .LBB2_5-.Ltmp2, $1  }
0x29: {  	_ =	sdelay $0x3  }
0x2a: {  	s14 =	sand.u32 $0x1, s12  }
0x2b: {  	_ =	swait.ge [sflag:s6], $0x50;
	p0 =	seq.s32 s14, $0x1;
	s14 =	simm.s32 $0x50  }
0x2c: {  	[sflag:s6] =	ssyncset.done $0x0;
	s14 =	simm.s32 @!p0 $0x0  }
0x2d: {  	[sflag:s6] =	ssyncadd.s32 $0xFFFFFFB0;
	(ifvalue) =	ssetifvalue $0x7FFFFFFF;
	v0 =	vld.msk [tilespmem:s14+$0x0 ss:$0x1], $0xffff;
	_ =	sdelay $0x4  }
0x2e: {  	s15 =	sadd.s32 $0x10, s14;
	vm1 =	vgt.s32 v0, $0x0  }
0x2f: {  	v2 =	vld.msk [tilespmem:s15+$0x0 ss:$0x1], $0xffff;
	v1 =	vnsel vm1, $0x0, v0  }
0x30: {  	v1 =	vmin.u32 v1, $0x15F8F;
	_ =	sdelay $0x2  }
0x31: {  	s17 =	simm.s32 $0x20;
	s14 =	sor.u32 $0xA0, s14;
	s16 =	sadd.s32 $0x10, s15  }
0x32: {  	s15 =	sadd.s32 $0x10, s14;
	s18 =	smov.u32 s14;
	v0 =	vld.msk [tilespmem:s16+$0x0 ss:$0x1], $0xffff;
	vm1 =	vgt.s32 v2, $0x0;
	(ifvalue) =	ssetifvalue $0x7FFFFFFF  }
.LBB2_3:
0x33: {  	[tilespmem:s18], [sflag:$0x1] =	stream.indirect_vreg.gather [hbm4b:s2+s10], $0x1, v1, vm0, $0x4038;
	[tilespmem:$0x140] =	vst v63  }
0x34: {  	s17 =	sadd.s32 $0x10, s17  }
0x35: {  	v2 =	vnsel vm1, $0x0, v2;
	p0 =	slt.u32 s17, $0x40  }
.Ltmp3:
0x36: {  	s18 =	smov.u32 s15;
	v1 =	vmin.u32 v2, $0x15F8F;
	(pc) =	sbr.rel @p0 .LBB2_3-.Ltmp3, $3  }
0x37: {  	_ =	sdelay $0x1  }
0x38: {  	s16 =	sadd.s32 $0x10, s16  }
0x39: {  	vm1 =	vgt.s32 v0, $0x0;
	s15 =	sadd.s32 $0x10, s15;
	v2 =	vmov v0;
	(ifvalue) =	ssetifvalue $0x7FFFFFFF;
	v0 =	vld.msk [tilespmem:s16+$0x0 ss:$0x1], $0xffff  }
.Ltmp4:
0x3a: {  	_ = 	snop;
	(pc) =	sbr.rel .LBB2_4-.Ltmp4, $1  }
0x3b: {  	_ =	sdelay $0x3  }
.LBB2_6:
0x3c: {  	_ =	sfence.sel $0x180000  }
0x3d: {  	s2 =	simm.s32 $0x2;
	[bflag:$0x0] =	sbarrier.arrive $0xFFFF  }
0x3e: {  	s30 =	simm.s32 $0x3;
	[sflag:s2] =	ssyncpa.u1 $0x1  }
0x3f: {  	s31 =	simm.s32 $0x1;
	[sflag:s30] =	ssyncpa.u1 $0x1  }
0x40: {  	[sflag:s31] =	ssyncpa.u1 $0x1  }
0x41: {  	p0 =	sne.s32 s1, $0x0;
	_ =	strace $0x90000062  }
0x42: {  	s0 =	sadd.s32 @!p0 $0x100000, s0;
	[bflag:$0x2] =	sbarrier.arrive $0xFFFF  }
0x43: {  	[sflag:s0] =	ssyncadd.tile.s32 @!p0 $0x1;
	_ =	shalt  }
.Lfunc_end2:
_tile_overlayer_lowered:
.L_overlay_start_2:
0x44: {  	(tag) =	ssettag $0x2  }
0x45: {  	s0 =	rddreg [dreg:$0x0];
	s2 =	stileid.u32  }
0x46: {  	s1 =	rddreg [dreg:$0x1];
	p0 =	sne.s32 s2, $0x0  }
0x47: {  	s3 =	rddreg [dreg:$0x2];
	[bflag:$0x3] =	sbarrier.arrive $0xFFFF;
	s2 =	simm.s32 @!p0 $0x1C01  }
0x48: {  	[timem:s3], [sflag:s2] =	dma.local @!p0 [hbm:s0], s1  }
0x49: {  	s0 =	simm.s32 @!p0 $0x1  }
0x4a: {  	_ =	swait.ge @!p0 [sflag:s0], s1  }
0x4b: {  	s1 =	ssub.s32 @!p0 $0x0, s1;
	[sflag:s0] =	ssyncset.done @!p0 $0x0  }
0x4c: {  	[sflag:s0] =	ssyncadd.s32 @!p0 s1  }
0x4d: {  	[bflag:$0x3] =	sbarrier.arrive $0xFFFF  }
0x4e: {  	_ =	shalt  }

// kernel: gather_offload_async_start.2
scs
__scs_entry_jumppad:
0x0: {  	(pc) =	sbr.rel $0x88, $3  }
0x1: {  	(tag) =	ssettag $0x0;
	lr =	simm.s32 $0x1  }
0x2: {  	[smem:$0x3F97] =	sst lr;
	_ =	strace $0xD0000000  }
0x3: {  	_ = 	snop  }
0x4: {  	_ = 	snop  }
0x5: {  	_ = 	snop  }
0x6: {  	_ = 	snop  }
0x7: {  	_ = 	snop  }
__scs_overlays_trampoline_lowered:
0x8: {  	[smem:$0x3FA6] =	sst s0  }
0x9: {  	[smem:$0x3FA7] =	sst s1  }
0xa: {  	[smem:$0x3FA8] =	sst s2  }
0xb: {  	[smem:$0x3FA9] =	sst s3  }
0xc: {  	[smem:$0x3FAA] =	sst s4  }
0xd: {  	[smem:$0x3FAB] =	sst s5  }
0xe: {  	[smem:$0x3FAC] =	sst s6  }
0xf: {  	[smem:$0x3FAD] =	sst s7  }
0x10: {  	[smem:$0x3FAE] =	sst s8  }
0x11: {  	[smem:$0x3FAF] =	sst s9;
	s0 =	simm.s32 @!p0 $0x0  }
0x12: {  	s1 =	sld [smem:$0x3F95];
	s0 =	simm.s32 @p0 $0x1  }
0x13: {  	[smem:$0x3FB0] =	sst s0;
	s0 =	simm.s32 @!p1 $0x0  }
0x14: {  	s2 =	sld [smem:$0x3F94];
	s0 =	simm.s32 @p1 $0x1  }
0x15: {  	[smem:$0x3FB1] =	sst s0;
	s0 =	simm.s32 @!p2 $0x0  }
0x16: {  	s3 =	sld [smem:$0x3FDB];
	s0 =	simm.s32 @p2 $0x1  }
0x17: {  	s4 =	simm.s32 $0x1BF5;
	[smem:$0x3FB3] =	sst s0  }
0x18: {  	s0 =	sld [smem:$0x3F96];
	_ =	swait.ge [sflag:s4], $0x0  }
0x19: {  	s7 =	sld [smem:$0x3F97]  }
0x1a: {  	s8 =	sadd.s32 $0xFFFFE003, lr  }
0x1b: {  	s9 =	sadd.s32 $0xFFFFFEF7, lr;
	s5 =	simm.s32 $0xFFFFFFFF;
	p2 =	slt.u32 s8, $0xFFFFF086  }
0x1c: {  	p1 =	slt.u32 s9, $0xF7A;
	s5 =	simm.s32 @!p2 $0x0  }
0x1d: {  	s5 =	simm.s32 @p1 $0x1;
	p0 =	seq.s32 s7, s2  }
0x1e: {  	s7 =	smul.u32 @!p0 $0xF7A, s2;
	p2 =	seq.s32 @!p0 s5, $0x0  }
0x1f: {  	s9 =	smul.u32 $0xF7A, s1;
	s8 =	simm.s32 @!p0 $0x1BF5;
	p2 =	por !p2, p0  }
0x20: {  	[sflag:s8] =	ssyncset.s32 @!p0 $0xFFFFF086;
	s6 =	sadd.s32 @!p0 s3, s7;
	s7 =	simm.s32 @!p0 $0x108  }
0x21: {  	s3 =	sadd.s32 s3, s9;
	s6 =	sadd.s32 @!p0 $0x88, s6;
	s7 =	simm.s32 @p2 $0x1082  }
0x22: {  	[simem:s7], [sflag:s8] =	dma.local @!p0 [hbm:s6], $0xF7A  }
0x23: {  	s9 =	sor.u32 $0xD0000000, s2;
	s6 =	simm.s32 $0x108;
	_ =	swait.ge @!p0 [sflag:s8], $0x0  }
0x24: {  	s3 =	sadd.s32 $0x88, s3;
	s6 =	simm.s32 @!p1 $0x1082;
	[sflag:s4] =	ssyncset.s32 $0xFFFFF086  }
0x25: {  	[simem:s6], [sflag:s4] =	dma.local [hbm:s3], $0xF7A  }
0x26: {  	[smem:$0x3F97] =	sst s1;
	(tag) =	ssettag s2;
	_ =	strace s9  }
0x27: {  	s1 =	sld [smem:$0x3FA7]  }
0x28: {  	s2 =	sld [smem:$0x3FA8]  }
0x29: {  	s4 =	sld [smem:$0x3FAA]  }
0x2a: {  	p0 =	seq.s32 s5, $0x0;
	s5 =	sld [smem:$0x3FAB]  }
0x2b: {  	s6 =	sld [smem:$0x3FAC]  }
0x2c: {  	s7 =	sld [smem:$0x3FAD]  }
0x2d: {  	s3 =	simm.s32 $0x108;
	s8 =	sld [smem:$0x3FAE]  }
0x2e: {  	s3 =	simm.s32 @!p0 $0x1082;
	s9 =	sld [smem:$0x3FAF]  }
0x2f: {  	lr =	sadd.s32 s0, s3;
	s0 =	sld [smem:$0x3FA6]  }
0x30: {  	s3 =	sld [smem:$0x3FA9]  }
0x31: {  	[smem:$0x3FB2] =	sst s10  }
0x32: {  	s10 =	sld [smem:$0x3FB0];
	_ =	sdelay $0x3  }
0x33: {  	p0 =	seq.s32 s10, $0x1;
	s10 =	sld [smem:$0x3FB2];
	_ =	sdelay $0x3  }
0x34: {  	[smem:$0x3FB2] =	sst s10  }
0x35: {  	s10 =	sld [smem:$0x3FB1];
	_ =	sdelay $0x3  }
0x36: {  	p1 =	seq.s32 s10, $0x1;
	s10 =	sld [smem:$0x3FB2];
	_ =	sdelay $0x3  }
0x37: {  	[smem:$0x3FB2] =	sst s10  }
0x38: {  	s10 =	sld [smem:$0x3FB3]  }
0x39: {  	_ = 	snop;
	(pc) =	sbr.ind lr, $3  }
0x3a: {  	_ = 	snop  }
0x3b: {  	_ = 	snop  }
0x3c: {  	p2 =	seq.s32 s10, $0x1;
	s10 =	sld [smem:$0x3FB2]  }
0x3d: {  	_ =	shalt  }
0x3e: {  	_ =	shalt  }
0x3f: {  	_ =	shalt  }
0x40: {  	_ =	shalt  }
0x41: {  	_ =	shalt  }
0x42: {  	_ =	shalt  }
0x43: {  	_ =	shalt  }
0x44: {  	_ =	shalt  }
0x45: {  	_ =	shalt  }
0x46: {  	_ =	shalt  }
0x47: {  	_ =	shalt  }
0x48: {  	_ =	shalt  }
0x49: {  	_ =	shalt  }
0x4a: {  	_ =	shalt  }
0x4b: {  	_ =	shalt  }
0x4c: {  	_ =	shalt  }
0x4d: {  	_ =	shalt  }
0x4e: {  	_ =	shalt  }
0x4f: {  	_ =	shalt  }
0x50: {  	_ =	shalt  }
0x51: {  	_ =	shalt  }
0x52: {  	_ =	shalt  }
0x53: {  	_ =	shalt  }
0x54: {  	_ =	shalt  }
0x55: {  	_ =	shalt  }
0x56: {  	_ =	shalt  }
0x57: {  	_ =	shalt  }
0x58: {  	_ =	shalt  }
0x59: {  	_ =	shalt  }
0x5a: {  	_ =	shalt  }
0x5b: {  	_ =	shalt  }
0x5c: {  	_ =	shalt  }
0x5d: {  	_ =	shalt  }
0x5e: {  	_ =	shalt  }
0x5f: {  	_ =	shalt  }
0x60: {  	_ =	shalt  }
0x61: {  	_ =	shalt  }
0x62: {  	_ =	shalt  }
0x63: {  	_ =	shalt  }
0x64: {  	_ =	shalt  }
0x65: {  	_ =	shalt  }
0x66: {  	_ =	shalt  }
0x67: {  	_ =	shalt  }
0x68: {  	_ =	shalt  }
0x69: {  	_ =	shalt  }
0x6a: {  	_ =	shalt  }
0x6b: {  	_ =	shalt  }
0x6c: {  	_ =	shalt  }
0x6d: {  	_ =	shalt  }
0x6e: {  	_ =	shalt  }
0x6f: {  	_ =	shalt  }
0x70: {  	_ =	shalt  }
0x71: {  	_ =	shalt  }
0x72: {  	_ =	shalt  }
0x73: {  	_ =	shalt  }
0x74: {  	_ =	shalt  }
0x75: {  	_ =	shalt  }
0x76: {  	_ =	shalt  }
0x77: {  	_ =	shalt  }
0x78: {  	_ =	shalt  }
0x79: {  	_ =	shalt  }
0x7a: {  	_ =	shalt  }
0x7b: {  	_ =	shalt  }
0x7c: {  	_ =	shalt  }
0x7d: {  	_ =	shalt  }
0x7e: {  	_ =	shalt  }
0x7f: {  	_ =	shalt  }
0x80: {  	_ =	shalt  }
0x81: {  	_ =	shalt  }
0x82: {  	_ =	shalt  }
0x83: {  	_ =	shalt  }
0x84: {  	_ =	shalt  }
0x85: {  	_ =	shalt  }
0x86: {  	_ =	shalt  }
0x87: {  	_ =	shalt  }
.Lfunc_end0:
.L_simem_size_0:
called_computation.4_lowered:
.L_overlay_start_0:
0x88: {  	s0 =	sld [smem:$0x3FD9]  }
0x89: {  	s1 =	sld [smem:$0x3FFE];
	_ =	sdelay $0x3  }
0x8a: {  	s0 =	sadd.s32 s1, s0  }
0x8b: {  	[smem:$0x3FBE] =	sst s0  }
0x8c: {  	_ = 	snop  }
0x8d: {  	(tm) =	ssettm $0x1  }
0x8e: {  	s15 =	sld [smem:$0x3FFB];
	_ =	sdelay $0x3  }
0x8f: {  	_ =	strace s15  }
0x90: {  	s0 =	sld [smem:$0x3FFC];
	_ =	sdelay $0x3  }
0x91: {  	_ =	strace s0  }
0x92: {  	s0 =	sld [smem:$0x3FFD];
	_ =	sdelay $0x3  }
0x93: {  	_ =	strace s0  }
0x94: {  	_ =	strace $0x8FFFFFFF  }
0x95: {  	s16 =	sld [smem:$0x3FDB];
	_ =	sdelay $0x1  }
0x96: {  	s17 =	simm.s32 $_scs_section_size  }
0x97: {  	s2 =	simm.s32 $_size__tile_overlayer_lowered;
	s3 =	simm.s32 $_tile_overlayer_lowered  }
0x98: {  	s20 =	simm.s32 $0x1BFF;
	s19 =	sshll.u32 s3, $0x1;
	s0 =	sadd.s32 s17, s16  }
0x99: {  	s4 =	simm.s32 $0x0;
	s18 =	sshll.u32 s2, $0x1;
	s2 =	sadd.s32 s19, s0  }
0x9a: {  	[timem:s4], [sflag:s20] =	dma.local [hbm:s2], s18  }
0x9b: {  	_ =	swait.ge [sflag:s20], s18  }
0x9c: {  	s1 =	ssub.s32 $0x0, s18;
	[sflag:s20] =	ssyncset.done $0x0  }
0x9d: {  	[sflag:s20] =	ssyncadd.s32 s1;
	_ =	sdelay $0x1  }
0x9e: {  	s21 =	simm.s32 $0x1B8B  }
0x9f: {  	_ =	swait.ge [sflag:s21], $0x1  }
0xa0: {  	[sflag:s21] =	ssyncset.done $0x0  }
0xa1: {  	s23 =	simm.s32 $0x1B8E;
	s22 =	sld [smem:$0x3FFE];
	[sflag:s21] =	ssyncadd.s32 $0xFFFFFFFF  }
0xa2: {  	s24 =	simm.s32 $execute0_lowered;
	[smem:$0x3FD2] =	sst s23  }
0xa3: {  	s2 =	sshll.u32 s24, $0x1;
	_ =	strace $0x8000004C;
	[dreg:$0x1] =	wrdreg $0xFFFFFFFF  }
0xa4: {  	s25 =	simm.s32 $_size_execute0_lowered;
	s0 =	sadd.s32 s0, s2;
	[dreg:$0x0] =	wrdreg $0x0  }
0xa5: {  	s2 =	sshll.u32 s25, $0x1;
	[dreg:$0x2] =	wrdreg s0  }
0xa6: {  	[dreg:$0x3] =	wrdreg s2  }
0xa7: {  	[dreg:$0x4] =	wrdreg $0xC0  }
0xa8: {  	_ =	task [dreg:s4], $0x5FFFF  }
0xa9: {  	[dreg:$0x1] =	wrdreg $0xFFFFFFFF  }
0xaa: {  	[dreg:$0x0] =	wrdreg $0x60  }
0xab: {  	[dreg:$0x2] =	wrdreg s22  }
0xac: {  	[dreg:$0x3] =	wrdreg $0xA  }
0xad: {  	_ =	task.clear_ibuf [dreg:s4], $0x4FFFF;
	_ =	strace $0x9000004C  }
0xae: {  	s26 =	simm.s32 $0xA;
	_ =	strace $0x8000004E  }
0xaf: {  	_ =	swait.ge [sflag:s26], $0x1  }
0xb0: {  	[sflag:s26] =	ssyncadd.s32 $0xFFFFFFFF  }
0xb1: {  	_ =	strace $0x9000004E  }
0xb2: {  	_ =	sfence  }
0xb3: {  	s28 =	sld [smem:$0x0];
	_ =	sdelay $0x1  }
0xb4: {  	s29 =	srdreg.scid  }
0xb5: {  	s30 =	sshll.u32 s29, $0xD;
	s31 =	sshrl.u32 s29, $0x2  }
0xb6: {  	s1 =	sand.u32 $0x1, s29;
	s2 =	sand.u32 $0x4000, s30;
	s0 =	sadd.s32 s31, s28  }
0xb7: {  	s1 =	sor.u32 s2, s1;
	s0 =	sshll.u32 s0, $0x11  }
0xb8: {  	s0 =	sor.u32 s0, s1  }
0xb9: {  	s0 =	sadd.s32 $0x8F2B, s0  }
0xba: {  	[sflag:s0] =	ssyncadd.remote.s32 $0x1  }
0xbb: {  	_ =	sfence.sel $0xFFFF  }
0xbc: {  	[dreg:$0x0] =	wrdreg $0xFFFFFFFF;
	(pc) =	sbr.abs _section_cstart, $3  }
0xbd: {  	[dreg:$0x1] =	wrdreg $0xFFFFFFFF  }
0xbe: {  	_ =	task.clear_ibuf [dreg:s4], $0x2FFFF;
	_ =	strace $0x9FFFFFFF  }
0xbf: {  	(tm) =	ssettm $0x7FFFFFFF  }
tec
execute0_lowered:
.L_overlay_start_1:
0x0: {  	(tag) =	ssettag $0x1  }
0x1: {  	s8 =	rddreg [dreg:$0x0]  }
0x2: {  	s0 =	rddreg [dreg:$0x1];
	_ =	strace $0x8000004D  }
0x3: {  	s1 =	stileid.u32;
	s5 =	simm.s32 $0x1;
	s6 =	simm.s32 $0x500  }
0x4: {  	s9 =	simm.s32 $0x1;
	s10 =	simm.s32 $0x3;
	s13 =	simm.s32 $0x0  }
0x5: {  	s12 =	simm.s32 $0x0;
	s2 =	sadd.s32 $0x60DE00, s8;
	s4 =	smul.u32 $0x50, s1  }
0x6: {  	s3 =	sadd.s32 $0x2C2C00, s8;
	p0 =	slt.u32 s1, $0xA;
	[sflag:s5] =	ssyncpa.u1 $0x0  }
.Ltmp0:
0x7: {  	s6 =	simm.s32 @!p0 $0x0;
	s7 =	ssub.s32 $0x7D0, s4;
	(pc) =	sbr.rel .LBB2_1-.Ltmp0, $4  }
0x8: {  	s9 =	simm.s32 @!p0 $0x0;
	p0 =	sne.s32 s7, s6;
	s7 =	simm.s32 $0x1  }
0x9: {  	s8 =	sadd.s32 $0x2C6800, s8;
	s6 =	simm.s32 $0x2;
	s7 =	simm.s32 @!p0 $0x0  }
0xa: {  	s11 =	smov.u32 s4;
	[sflag:s6] =	ssyncpa.u1 $0x0;
	s7 =	sadd.s32 s9, s7  }
0xb: {  	vm0 =	vmmov $0xffff;
	[sflag:s10] =	ssyncpa.u1 $0x0;
	s10 =	simm.s32 $0x0;
	s9 =	sadd.s32 $0x1, s7  }
.LBB2_4:
0xc: {  	v2 =	vnsel vm1, $0x0, v2  }
0xd: {  	vm1 =	vgt.s32 v0, $0x0;
	v2 =	vmin.u32 v2, $0x15F8F  }
0xe: {  	v0 =	vnsel vm1, $0x0, v0  }
0xf: {  	v0 =	vmin.u32 v0, $0x15F8F  }
0x10: {  	[tilespmem:s18], [sflag:$0x1] =	stream.indirect_vreg.gather [hbm4b:s2+s10], $0x1, v1, vm0, $0x4038;
	[tilespmem:$0x140] =	vst v63  }
0x11: {  	(ifvalue) =	ssetifvalue $0x7FFFFFFF  }
0x12: {  	[tilespmem:s15], [sflag:$0x1] =	stream.indirect_vreg.gather [hbm4b:s2+s10], $0x1, v2, vm0, $0x4038;
	[tilespmem:$0x140] =	vst v63  }
0x13: {  	s29 =	sadd.s32 $0x10, s15;
	(ifvalue) =	ssetifvalue $0x7FFFFFFF  }
0x14: {  	[tilespmem:s29], [sflag:$0x1] =	stream.indirect_vreg.gather [hbm4b:s2+s10], $0x1, v0, vm0, $0x4038;
	[tilespmem:$0x140] =	vst v63  }
0x15: {  	_ =	swait.ge [sflag:s5], $0x50  }
0x16: {  	s30 =	sshrl.u32 s13, $0x3;
	[sflag:s5] =	ssyncset.done $0x0  }
0x17: {  	s31 =	sand.u32 $0x7, s13;
	s15 =	sadd.s32 s8, s30;
	[sflag:s5] =	ssyncadd.s32 $0xFFFFFFB0  }
0x18: {  	[hbm4b:s15+s31] =	stream.linear.scatter [tilespmem:s14], [sflag:$0x3], $0x50, $0x38;
	[tilespmem:$0x140] =	vst v63  }
.LBB2_5:
0x19: {  	s15 =	sadd.s32 $0x500, s11  }
0x1a: {  	p1 =	sgt.s32 s15, $0x7CF  }
0x1b: {  	s15 =	smov.u32 @p1 s4;
	p1 =	sne.s32 s12, s9  }
.Ltmp1:
0x1c: {  	p0 =	slt.u32 s12, $0x2;
	(pc) =	sbr.rel @!p1 .LBB2_6-.Ltmp1, $4  }
0x1d: {  	s14 =	simm.s32 @!p0 $0x3  }
0x1e: {  	_ =	swait.ge @!p0 [sflag:s14], $0x50  }
0x1f: {  	s16 =	sadd.s32 $0x1, s12;
	s13 =	smov.u32 s11;
	[sflag:s14] =	ssyncset.done @!p0 $0x0  }
0x20: {  	s12 =	smov.u32 s16;
	s11 =	smov.u32 s15;
	[sflag:s14] =	ssyncadd.s32 @!p0 $0xFFFFFFB0  }
.LBB2_1:
0x21: {  	p0 =	sge.u32 s12, s7  }
0x22: {  	s14 =	sxor.u32 @!p0 $0x1, s12  }
0x23: {  	s14 =	smul.u32 @!p0 $0x140, s14  }
0x24: {  	s31 =	sadd.s32 $0xFFFFFFFF, s12;
	s15 =	sshrl.u32 @!p0 s11, $0x3  }
0x25: {  	s16 =	sand.u32 @!p0 $0x7, s11;
	s15 =	sadd.s32 @!p0 s3, s15;
	s14 =	sshra.s32 @!p0 s14, $0x2  }
0x26: {  	[tilespmem:s14], [sflag:$0x2] =	stream.linear.gather @!p0 [hbm4b:s15+s16], $0x50, $0x38;
	[tilespmem:$0x140] =	vst v63  }
0x27: {  	p0 =	sge.u32 s31, s7  }
.Ltmp2:
0x28: {  	_ = 	snop;
	(pc) =	sbr.rel @p0 .LBB2_5-.Ltmp2, $1  }
0x29: {  	_ =	sdelay $0x3  }
0x2a: {  	s14 =	sand.u32 $0x1, s12  }
0x2b: {  	_ =	swait.ge [sflag:s6], $0x50;
	p0 =	seq.s32 s14, $0x1;
	s14 =	simm.s32 $0x50  }
0x2c: {  	[sflag:s6] =	ssyncset.done $0x0;
	s14 =	simm.s32 @!p0 $0x0  }
0x2d: {  	[sflag:s6] =	ssyncadd.s32 $0xFFFFFFB0;
	(ifvalue) =	ssetifvalue $0x7FFFFFFF;
	v0 =	vld.msk [tilespmem:s14+$0x0 ss:$0x1], $0xffff;
	_ =	sdelay $0x4  }
0x2e: {  	s15 =	sadd.s32 $0x10, s14;
	vm1 =	vgt.s32 v0, $0x0  }
0x2f: {  	v2 =	vld.msk [tilespmem:s15+$0x0 ss:$0x1], $0xffff;
	v1 =	vnsel vm1, $0x0, v0  }
0x30: {  	v1 =	vmin.u32 v1, $0x15F8F;
	_ =	sdelay $0x2  }
0x31: {  	s17 =	simm.s32 $0x20;
	s14 =	sor.u32 $0xA0, s14;
	s16 =	sadd.s32 $0x10, s15  }
0x32: {  	s15 =	sadd.s32 $0x10, s14;
	s18 =	smov.u32 s14;
	v0 =	vld.msk [tilespmem:s16+$0x0 ss:$0x1], $0xffff;
	vm1 =	vgt.s32 v2, $0x0;
	(ifvalue) =	ssetifvalue $0x7FFFFFFF  }
.LBB2_3:
0x33: {  	[tilespmem:s18], [sflag:$0x1] =	stream.indirect_vreg.gather [hbm4b:s2+s10], $0x1, v1, vm0, $0x4038;
	[tilespmem:$0x140] =	vst v63  }
0x34: {  	s17 =	sadd.s32 $0x10, s17  }
0x35: {  	v2 =	vnsel vm1, $0x0, v2;
	p0 =	slt.u32 s17, $0x40  }
.Ltmp3:
0x36: {  	s18 =	smov.u32 s15;
	v1 =	vmin.u32 v2, $0x15F8F;
	(pc) =	sbr.rel @p0 .LBB2_3-.Ltmp3, $3  }
0x37: {  	_ =	sdelay $0x1  }
0x38: {  	s16 =	sadd.s32 $0x10, s16  }
0x39: {  	vm1 =	vgt.s32 v0, $0x0;
	s15 =	sadd.s32 $0x10, s15;
	v2 =	vmov v0;
	(ifvalue) =	ssetifvalue $0x7FFFFFFF;
	v0 =	vld.msk [tilespmem:s16+$0x0 ss:$0x1], $0xffff  }
.Ltmp4:
0x3a: {  	_ = 	snop;
	(pc) =	sbr.rel .LBB2_4-.Ltmp4, $1  }
0x3b: {  	_ =	sdelay $0x3  }
.LBB2_6:
0x3c: {  	_ =	sfence.sel $0x180000  }
0x3d: {  	s2 =	simm.s32 $0x2;
	[bflag:$0x0] =	sbarrier.arrive $0xFFFF  }
0x3e: {  	s30 =	simm.s32 $0x3;
	[sflag:s2] =	ssyncpa.u1 $0x1  }
0x3f: {  	s31 =	simm.s32 $0x1;
	[sflag:s30] =	ssyncpa.u1 $0x1  }
0x40: {  	[sflag:s31] =	ssyncpa.u1 $0x1  }
0x41: {  	p0 =	sne.s32 s1, $0x0;
	_ =	strace $0x9000004D  }
0x42: {  	s0 =	sadd.s32 @!p0 $0x100000, s0;
	[bflag:$0x2] =	sbarrier.arrive $0xFFFF  }
0x43: {  	[sflag:s0] =	ssyncadd.tile.s32 @!p0 $0x1;
	_ =	shalt  }
.Lfunc_end2:
_tile_overlayer_lowered:
.L_overlay_start_2:
0x44: {  	(tag) =	ssettag $0x2  }
0x45: {  	s0 =	rddreg [dreg:$0x0];
	s2 =	stileid.u32  }
0x46: {  	s1 =	rddreg [dreg:$0x1];
	p0 =	sne.s32 s2, $0x0  }
0x47: {  	s3 =	rddreg [dreg:$0x2];
	[bflag:$0x3] =	sbarrier.arrive $0xFFFF;
	s2 =	simm.s32 @!p0 $0x1C01  }
0x48: {  	[timem:s3], [sflag:s2] =	dma.local @!p0 [hbm:s0], s1  }
0x49: {  	s0 =	simm.s32 @!p0 $0x1  }
0x4a: {  	_ =	swait.ge @!p0 [sflag:s0], s1  }
0x4b: {  	s1 =	ssub.s32 @!p0 $0x0, s1;
	[sflag:s0] =	ssyncset.done @!p0 $0x0  }
0x4c: {  	[sflag:s0] =	ssyncadd.s32 @!p0 s1  }
0x4d: {  	[bflag:$0x3] =	sbarrier.arrive $0xFFFF  }
0x4e: {  	_ =	shalt  }

// kernel: gather_offload_async_start.3
scs
__scs_entry_jumppad:
0x0: {  	(pc) =	sbr.rel $0x88, $3  }
0x1: {  	(tag) =	ssettag $0x0;
	lr =	simm.s32 $0x1  }
0x2: {  	[smem:$0x3F97] =	sst lr;
	_ =	strace $0xD0000000  }
0x3: {  	_ = 	snop  }
0x4: {  	_ = 	snop  }
0x5: {  	_ = 	snop  }
0x6: {  	_ = 	snop  }
0x7: {  	_ = 	snop  }
__scs_overlays_trampoline_lowered:
0x8: {  	[smem:$0x3FA6] =	sst s0  }
0x9: {  	[smem:$0x3FA7] =	sst s1  }
0xa: {  	[smem:$0x3FA8] =	sst s2  }
0xb: {  	[smem:$0x3FA9] =	sst s3  }
0xc: {  	[smem:$0x3FAA] =	sst s4  }
0xd: {  	[smem:$0x3FAB] =	sst s5  }
0xe: {  	[smem:$0x3FAC] =	sst s6  }
0xf: {  	[smem:$0x3FAD] =	sst s7  }
0x10: {  	[smem:$0x3FAE] =	sst s8  }
0x11: {  	[smem:$0x3FAF] =	sst s9;
	s0 =	simm.s32 @!p0 $0x0  }
0x12: {  	s1 =	sld [smem:$0x3F95];
	s0 =	simm.s32 @p0 $0x1  }
0x13: {  	[smem:$0x3FB0] =	sst s0;
	s0 =	simm.s32 @!p1 $0x0  }
0x14: {  	s2 =	sld [smem:$0x3F94];
	s0 =	simm.s32 @p1 $0x1  }
0x15: {  	[smem:$0x3FB1] =	sst s0;
	s0 =	simm.s32 @!p2 $0x0  }
0x16: {  	s3 =	sld [smem:$0x3FDB];
	s0 =	simm.s32 @p2 $0x1  }
0x17: {  	s4 =	simm.s32 $0x1BF5;
	[smem:$0x3FB3] =	sst s0  }
0x18: {  	s0 =	sld [smem:$0x3F96];
	_ =	swait.ge [sflag:s4], $0x0  }
0x19: {  	s7 =	sld [smem:$0x3F97]  }
0x1a: {  	s8 =	sadd.s32 $0xFFFFE003, lr  }
0x1b: {  	s9 =	sadd.s32 $0xFFFFFEF7, lr;
	s5 =	simm.s32 $0xFFFFFFFF;
	p2 =	slt.u32 s8, $0xFFFFF086  }
0x1c: {  	p1 =	slt.u32 s9, $0xF7A;
	s5 =	simm.s32 @!p2 $0x0  }
0x1d: {  	s5 =	simm.s32 @p1 $0x1;
	p0 =	seq.s32 s7, s2  }
0x1e: {  	s7 =	smul.u32 @!p0 $0xF7A, s2;
	p2 =	seq.s32 @!p0 s5, $0x0  }
0x1f: {  	s9 =	smul.u32 $0xF7A, s1;
	s8 =	simm.s32 @!p0 $0x1BF5;
	p2 =	por !p2, p0  }
0x20: {  	[sflag:s8] =	ssyncset.s32 @!p0 $0xFFFFF086;
	s6 =	sadd.s32 @!p0 s3, s7;
	s7 =	simm.s32 @!p0 $0x108  }
0x21: {  	s3 =	sadd.s32 s3, s9;
	s6 =	sadd.s32 @!p0 $0x88, s6;
	s7 =	simm.s32 @p2 $0x1082  }
0x22: {  	[simem:s7], [sflag:s8] =	dma.local @!p0 [hbm:s6], $0xF7A  }
0x23: {  	s9 =	sor.u32 $0xD0000000, s2;
	s6 =	simm.s32 $0x108;
	_ =	swait.ge @!p0 [sflag:s8], $0x0  }
0x24: {  	s3 =	sadd.s32 $0x88, s3;
	s6 =	simm.s32 @!p1 $0x1082;
	[sflag:s4] =	ssyncset.s32 $0xFFFFF086  }
0x25: {  	[simem:s6], [sflag:s4] =	dma.local [hbm:s3], $0xF7A  }
0x26: {  	[smem:$0x3F97] =	sst s1;
	(tag) =	ssettag s2;
	_ =	strace s9  }
0x27: {  	s1 =	sld [smem:$0x3FA7]  }
0x28: {  	s2 =	sld [smem:$0x3FA8]  }
0x29: {  	s4 =	sld [smem:$0x3FAA]  }
0x2a: {  	p0 =	seq.s32 s5, $0x0;
	s5 =	sld [smem:$0x3FAB]  }
0x2b: {  	s6 =	sld [smem:$0x3FAC]  }
0x2c: {  	s7 =	sld [smem:$0x3FAD]  }
0x2d: {  	s3 =	simm.s32 $0x108;
	s8 =	sld [smem:$0x3FAE]  }
0x2e: {  	s3 =	simm.s32 @!p0 $0x1082;
	s9 =	sld [smem:$0x3FAF]  }
0x2f: {  	lr =	sadd.s32 s0, s3;
	s0 =	sld [smem:$0x3FA6]  }
0x30: {  	s3 =	sld [smem:$0x3FA9]  }
0x31: {  	[smem:$0x3FB2] =	sst s10  }
0x32: {  	s10 =	sld [smem:$0x3FB0];
	_ =	sdelay $0x3  }
0x33: {  	p0 =	seq.s32 s10, $0x1;
	s10 =	sld [smem:$0x3FB2];
	_ =	sdelay $0x3  }
0x34: {  	[smem:$0x3FB2] =	sst s10  }
0x35: {  	s10 =	sld [smem:$0x3FB1];
	_ =	sdelay $0x3  }
0x36: {  	p1 =	seq.s32 s10, $0x1;
	s10 =	sld [smem:$0x3FB2];
	_ =	sdelay $0x3  }
0x37: {  	[smem:$0x3FB2] =	sst s10  }
0x38: {  	s10 =	sld [smem:$0x3FB3]  }
0x39: {  	_ = 	snop;
	(pc) =	sbr.ind lr, $3  }
0x3a: {  	_ = 	snop  }
0x3b: {  	_ = 	snop  }
0x3c: {  	p2 =	seq.s32 s10, $0x1;
	s10 =	sld [smem:$0x3FB2]  }
0x3d: {  	_ =	shalt  }
0x3e: {  	_ =	shalt  }
0x3f: {  	_ =	shalt  }
0x40: {  	_ =	shalt  }
0x41: {  	_ =	shalt  }
0x42: {  	_ =	shalt  }
0x43: {  	_ =	shalt  }
0x44: {  	_ =	shalt  }
0x45: {  	_ =	shalt  }
0x46: {  	_ =	shalt  }
0x47: {  	_ =	shalt  }
0x48: {  	_ =	shalt  }
0x49: {  	_ =	shalt  }
0x4a: {  	_ =	shalt  }
0x4b: {  	_ =	shalt  }
0x4c: {  	_ =	shalt  }
0x4d: {  	_ =	shalt  }
0x4e: {  	_ =	shalt  }
0x4f: {  	_ =	shalt  }
0x50: {  	_ =	shalt  }
0x51: {  	_ =	shalt  }
0x52: {  	_ =	shalt  }
0x53: {  	_ =	shalt  }
0x54: {  	_ =	shalt  }
0x55: {  	_ =	shalt  }
0x56: {  	_ =	shalt  }
0x57: {  	_ =	shalt  }
0x58: {  	_ =	shalt  }
0x59: {  	_ =	shalt  }
0x5a: {  	_ =	shalt  }
0x5b: {  	_ =	shalt  }
0x5c: {  	_ =	shalt  }
0x5d: {  	_ =	shalt  }
0x5e: {  	_ =	shalt  }
0x5f: {  	_ =	shalt  }
0x60: {  	_ =	shalt  }
0x61: {  	_ =	shalt  }
0x62: {  	_ =	shalt  }
0x63: {  	_ =	shalt  }
0x64: {  	_ =	shalt  }
0x65: {  	_ =	shalt  }
0x66: {  	_ =	shalt  }
0x67: {  	_ =	shalt  }
0x68: {  	_ =	shalt  }
0x69: {  	_ =	shalt  }
0x6a: {  	_ =	shalt  }
0x6b: {  	_ =	shalt  }
0x6c: {  	_ =	shalt  }
0x6d: {  	_ =	shalt  }
0x6e: {  	_ =	shalt  }
0x6f: {  	_ =	shalt  }
0x70: {  	_ =	shalt  }
0x71: {  	_ =	shalt  }
0x72: {  	_ =	shalt  }
0x73: {  	_ =	shalt  }
0x74: {  	_ =	shalt  }
0x75: {  	_ =	shalt  }
0x76: {  	_ =	shalt  }
0x77: {  	_ =	shalt  }
0x78: {  	_ =	shalt  }
0x79: {  	_ =	shalt  }
0x7a: {  	_ =	shalt  }
0x7b: {  	_ =	shalt  }
0x7c: {  	_ =	shalt  }
0x7d: {  	_ =	shalt  }
0x7e: {  	_ =	shalt  }
0x7f: {  	_ =	shalt  }
0x80: {  	_ =	shalt  }
0x81: {  	_ =	shalt  }
0x82: {  	_ =	shalt  }
0x83: {  	_ =	shalt  }
0x84: {  	_ =	shalt  }
0x85: {  	_ =	shalt  }
0x86: {  	_ =	shalt  }
0x87: {  	_ =	shalt  }
.Lfunc_end0:
.L_simem_size_0:
called_computation.5_lowered:
.L_overlay_start_0:
0x88: {  	s0 =	sld [smem:$0x3FD9]  }
0x89: {  	s1 =	sld [smem:$0x3FFE];
	_ =	sdelay $0x3  }
0x8a: {  	s0 =	sadd.s32 s1, s0  }
0x8b: {  	[smem:$0x3FBE] =	sst s0  }
0x8c: {  	_ = 	snop  }
0x8d: {  	s0 =	sld [smem:$0x3FD0];
	(tm) =	ssettm $0x1  }
0x8e: {  	s16 =	sld [smem:$0x3FFB];
	_ =	sdelay $0x3  }
0x8f: {  	_ =	strace s16  }
0x90: {  	s1 =	sld [smem:$0x3FFC];
	_ =	sdelay $0x3  }
0x91: {  	_ =	strace s1  }
0x92: {  	s1 =	sld [smem:$0x3FFD];
	_ =	sdelay $0x3  }
0x93: {  	_ =	strace s1  }
0x94: {  	_ =	strace $0x8FFFFFFF  }
0x95: {  	s17 =	sld [smem:$0x3FDB];
	_ =	sdelay $0x1  }
0x96: {  	s2 =	simm.s32 $_scs_section_size  }
0x97: {  	s3 =	simm.s32 $_size__tile_overlayer_lowered;
	s4 =	simm.s32 $_tile_overlayer_lowered  }
0x98: {  	s20 =	simm.s32 $0x1BFF;
	s19 =	sshll.u32 s4, $0x1;
	s1 =	sadd.s32 s2, s17  }
0x99: {  	s5 =	simm.s32 $0x0;
	s18 =	sshll.u32 s3, $0x1;
	s3 =	sadd.s32 s19, s1  }
0x9a: {  	[timem:s5], [sflag:s20] =	dma.local [hbm:s3], s18  }
0x9b: {  	_ =	swait.ge [sflag:s20], s18  }
0x9c: {  	s2 =	ssub.s32 $0x0, s18;
	[sflag:s20] =	ssyncset.done $0x0  }
0x9d: {  	[sflag:s20] =	ssyncadd.s32 s2;
	_ =	sdelay $0x1  }
0x9e: {  	s21 =	simm.s32 $0x1B8B  }
0x9f: {  	_ =	swait.ge [sflag:s21], $0x1  }
0xa0: {  	[sflag:s21] =	ssyncset.done $0x0  }
0xa1: {  	s23 =	simm.s32 $0x1B8E;
	s22 =	sld [smem:$0x3FFE];
	[sflag:s21] =	ssyncadd.s32 $0xFFFFFFFF  }
0xa2: {  	s24 =	simm.s32 $execute0_lowered;
	[smem:$0x3FD2] =	sst s23  }
0xa3: {  	s3 =	sshll.u32 s24, $0x1;
	_ =	strace $0x8000005E;
	[dreg:$0x1] =	wrdreg $0xFFFFFFFF  }
0xa4: {  	s25 =	simm.s32 $_size_execute0_lowered;
	s1 =	sadd.s32 s1, s3;
	[dreg:$0x0] =	wrdreg $0x0  }
0xa5: {  	s3 =	sshll.u32 s25, $0x1;
	[dreg:$0x2] =	wrdreg s1  }
0xa6: {  	[dreg:$0x3] =	wrdreg s3  }
0xa7: {  	[dreg:$0x4] =	wrdreg $0xC0  }
0xa8: {  	_ =	task [dreg:s5], $0x5FFFF  }
0xa9: {  	[dreg:$0x1] =	wrdreg $0xFFFFFFFF  }
0xaa: {  	[dreg:$0x0] =	wrdreg $0x60  }
0xab: {  	[dreg:$0x2] =	wrdreg s22  }
0xac: {  	[dreg:$0x3] =	wrdreg s0  }
0xad: {  	[dreg:$0x4] =	wrdreg $0xA  }
0xae: {  	_ =	task.clear_ibuf [dreg:s5], $0x5FFFF;
	_ =	strace $0x9000005E  }
0xaf: {  	s26 =	simm.s32 $0xA;
	_ =	strace $0x80000060  }
0xb0: {  	_ =	swait.ge [sflag:s26], $0x1  }
0xb1: {  	[sflag:s26] =	ssyncadd.s32 $0xFFFFFFFF  }
0xb2: {  	_ =	strace $0x90000060  }
0xb3: {  	_ =	sfence  }
0xb4: {  	s28 =	sld [smem:$0x0];
	_ =	sdelay $0x1  }
0xb5: {  	s29 =	srdreg.scid  }
0xb6: {  	s30 =	sshll.u32 s29, $0xD;
	s31 =	sshrl.u32 s29, $0x2  }
0xb7: {  	s2 =	sand.u32 $0x4000, s30;
	s1 =	sand.u32 $0x1, s29;
	s0 =	sadd.s32 s31, s28  }
0xb8: {  	s1 =	sor.u32 s2, s1;
	s0 =	sshll.u32 s0, $0x11  }
0xb9: {  	s0 =	sor.u32 s0, s1  }
0xba: {  	s0 =	sadd.s32 $0x8F2B, s0  }
0xbb: {  	[sflag:s0] =	ssyncadd.remote.s32 $0x1  }
0xbc: {  	_ =	sfence.sel $0xFFFF  }
0xbd: {  	[dreg:$0x0] =	wrdreg $0xFFFFFFFF;
	(pc) =	sbr.abs _section_cstart, $3  }
0xbe: {  	[dreg:$0x1] =	wrdreg $0xFFFFFFFF  }
0xbf: {  	_ =	task.clear_ibuf [dreg:s5], $0x2FFFF;
	_ =	strace $0x9FFFFFFF  }
0xc0: {  	(tm) =	ssettm $0x7FFFFFFF  }
0xc1: {  	_ =	shalt  }
tec
execute0_lowered:
.L_overlay_start_1:
0x0: {  	(tag) =	ssettag $0x1  }
0x1: {  	s0 =	stileid.u32  }
0x2: {  	s3 =	simm.s32 $0x200;
	s7 =	rddreg [dreg:$0x0];
	s10 =	simm.s32 $0x1  }
0x3: {  	s6 =	simm.s32 $0x2;
	s1 =	smin.u32 s0, $0x4;
	p0 =	slt.u32 s0, $0x4  }
0x4: {  	s11 =	simm.s32 $0x4;
	s2 =	sshll.u32 s1, $0x9;
	s3 =	simm.s32 @!p0 $0x0  }
0x5: {  	s12 =	simm.s32 $0xFFFFF800;
	s13 =	simm.s32 $0xFFFFFE00;
	s1 =	sadd.s32 s3, s2  }
0x6: {  	s14 =	simm.s32 $0xFFFFFFFF;
	s18 =	simm.s32 $0x0;
	s4 =	smin.u32 s1, $0x7D0  }
0x7: {  	s15 =	simm.s32 $0x0;
	s17 =	simm.s32 $0x0;
	s9 =	ssub.s32 s4, s2  }
0x8: {  	s5 =	sadd.s32 $0x2C2000, s7;
	s3 =	rddreg [dreg:$0x1];
	p0 =	sgt.s32 s9, $0x0  }
0x9: {  	s1 =	rddreg [dreg:$0x2];
	_ =	strace $0x8000005F;
	s9 =	simm.s32 @!p0 $0x0  }
.Ltmp0:
0xa: {  	[sflag:s10] =	ssyncpa.u1 $0x0;
	s8 =	sand.u32 $0x1D0, s9;
	(pc) =	sbr.rel .LBB2_1-.Ltmp0, $4  }
0xb: {  	s7 =	sadd.s32 $0x2C2C00, s7;
	[sflag:s6] =	ssyncpa.u1 $0x0;
	p0 =	sne.s32 s8, $0x0  }
0xc: {  	s9 =	sshrl.u32 s9, $0x9;
	s8 =	simm.s32 $0x3;
	s10 =	simm.s32 @!p0 $0x0  }
0xd: {  	s16 =	smov.u32 s2;
	[sflag:s8] =	ssyncpa.u1 $0x0;
	s9 =	sadd.s32 s10, s9  }
0xe: {  	v0 =	vlaneseq.u32;
	vm0 =	vmmov $0xffff;
	[sflag:s11] =	ssyncpa.u1 $0x0;
	s11 =	simm.s32 $0x0;
	s10 =	sadd.s32 $0x2, s9  }
.LBB2_7:
0xf: {  	p0 =	slt.u32 s17, $0x3  }
0x10: {  	s18 =	simm.s32 @!p0 $0x4  }
0x11: {  	_ =	swait.ge @!p0 [sflag:s18], $0x80  }
0x12: {  	s19 =	sadd.s32 $0x200, s16;
	[sflag:s18] =	ssyncset.done @!p0 $0x0  }
0x13: {  	s20 =	smov.u32 s2;
	[sflag:s18] =	ssyncadd.s32 @!p0 $0xFFFFFF80;
	p0 =	slt.s32 s19, s4  }
0x14: {  	s20 =	smov.u32 @p0 s19;
	p0 =	sne.s32 s17, s10  }
.Ltmp1:
0x15: {  	_ = 	snop;
	(pc) =	sbr.rel @!p0 .LBB2_8-.Ltmp1, $4  }
0x16: {  	_ = 	snop  }
0x17: {  	s31 =	sadd.s32 $0x1, s17;
	s12 =	sadd.s32 $0x800, s12  }
0x18: {  	s13 =	sadd.s32 $0x200, s13;
	s14 =	sadd.s32 $0x1, s14;
	s18 =	smov.u32 s15  }
0x19: {  	s15 =	smov.u32 s16;
	s17 =	smov.u32 s31;
	s16 =	smov.u32 s20  }
.LBB2_1:
0x1a: {  	p0 =	sge.u32 s17, s9  }
0x1b: {  	s19 =	smulhi.u32 @!p0 $0xAAAAAAAB, s17;
	_ =	sdelay $0x1  }
0x1c: {  	s19 =	sshrl.u32 @!p0 s19, $0x1  }
0x1d: {  	s19 =	smul.u32 @!p0 $0x3, s19;
	_ =	sdelay $0x1  }
0x1e: {  	s31 =	sadd.s32 $0xFFFFFFFF, s17;
	s20 =	sshrl.u32 @!p0 s16, $0x3;
	s19 =	ssub.s32 @!p0 s17, s19  }
0x1f: {  	s21 =	sand.u32 @!p0 $0x7, s16;
	s20 =	sadd.s32 @!p0 s7, s20;
	s19 =	sshll.u32 @!p0 s19, $0x9  }
0x20: {  	[tilespmem:s19], [sflag:$0x2] =	stream.linear.gather @!p0 [hbm4b:s20+s21], $0x200, $0x38;
	[tilespmem:$0xB00] =	vst v63  }
0x21: {  	p0 =	sge.u32 s31, s9  }
.Ltmp2:
0x22: {  	_ = 	snop;
	(pc) =	sbr.rel @p0 .LBB2_5-.Ltmp2, $1  }
0x23: {  	_ =	sdelay $0x3  }
0x24: {  	s19 =	smulhi.u32 $0xAAAAAAAB, s14;
	_ =	sdelay $0x1  }
0x25: {  	s19 =	sshrl.u32 s19, $0x1  }
0x26: {  	s19 =	smul.u32 $0xFFFFE800, s19;
	_ =	sdelay $0x1  }
0x27: {  	_ =	swait.ge [sflag:s6], $0x200;
	s19 =	sshra.s32 s19, $0x2  }
0x28: {  	[sflag:s6] =	ssyncset.done $0x0;
	s20 =	sadd.s32 s19, s13  }
0x29: {  	[sflag:s6] =	ssyncadd.s32 $0xFFFFFE00;
	(ifvalue) =	ssetifvalue $0x7FFFFFFF;
	v1 =	vld.msk [tilespmem:s20+$0x0 ss:$0x1], $0xffff  }
0x2a: {  	s21 =	sadd.s32 $0x10, s20  }
0x2b: {  	v2 =	vld.msk [tilespmem:s21+$0x0 ss:$0x1], $0xffff;
	_ =	sdelay $0x1  }
0x2c: {  	s19 =	ssub.s32 $0x7D0, s15  }
0x2d: {  	p0 =	slt.s32 s19, $0x200;
	vm1 =	vgt.s32 v1, $0x0  }
0x2e: {  	s19 =	simm.s32 @!p0 $0x200;
	v1 =	vnsel vm1, $0x0, v1  }
0x2f: {  	p0 =	sgt.s32 s19, $0x0;
	s22 =	smov.u32 s19;
	vm1 =	vgt.s32 v2, $0x0;
	v1 =	vmin.u32 v1, $0x15F8F  }
0x30: {  	s22 =	simm.s32 @!p0 $0x0;
	v2 =	vnsel vm1, $0x0, v2;
	v4 =	vshll.u32 v1, $0x2  }
0x31: {  	s22 =	smin.u32 s22, $0x10;
	v3 =	vshrl.u32 v1, $0x7;
	v1 =	vand.u32 $0x1FE00, v1;
	v4 =	vand.u32 $0x1FC, v4  }
0x32: {  	v5 =	vmin.u32 v2, $0x15F8F;
	v2 =	vmov s22;
	v1 =	vor.u32 v1, v4  }
0x33: {  	vm1 =	vgt.u32 v2, v0;
	v1 =	vshrl.u32 v1, $0x2  }
0x34: {  	s30 =	sshrl.u32 s12, $0x2;
	s23 =	sadd.s32 $0xFFFFFFF0, s19;
	v1 =	vnsel vm1, $0x7FFFFFFF, v1  }
0x35: {  	s19 =	sadd.s32 $0x10, s21;
	p0 =	sgt.s32 s23, $0x0;
	s25 =	smov.u32 s23;
	v3 =	vand.u32 $0x3, v3  }
0x36: {  	s31 =	sand.u32 $0x200, s30;
	s25 =	simm.s32 @!p0 $0x0;
	v2 =	vld.msk [tilespmem:s19+$0x0 ss:$0x1], $0xffff;
	v4 =	vshrl.u32 v5, $0x7;
	[tilespmem:s20+$0x0] =	vst v3;
	v3 =	vshll.u32 v5, $0x2  }
0x37: {  	s24 =	simm.s32 $0x30;
	s25 =	smin.u32 s25, $0x10;
	s22 =	sadd.s32 $0x600, s31;
	v5 =	vand.u32 $0x1FE00, v5;
	v4 =	vand.u32 $0x3, v4;
	v6 =	vand.u32 $0x1FC, v3  }
0x38: {  	s20 =	sadd.s32 $0x10, s19;
	v3 =	vmov s25;
	[tilespmem:s21+$0x0] =	vst v4;
	v4 =	vor.u32 v5, v6;
	(ifvalue) =	ssetifvalue $0x7FFFFFFF;
	s21 =	sadd.s32 $0x10, s22  }
.LBB2_3:
0x39: {  	[tilespmem:s22], [sflag:$0x3] =	stream.indirect_vreg.gather [hbm4b:s5+s11], $0x1, v1, vm0, $0x4038;
	[tilespmem:$0xB00] =	vst v63  }
0x3a: {  	s24 =	sadd.s32 $0x10, s24  }
0x3b: {  	vm1 =	vgt.s32 v2, $0x0;
	vm2 =	vgt.u32 v3, v0;
	v3 =	vshrl.u32 v4, $0x2;
	v1 =	vmovc v2;
	v2 =	vld.msk [tilespmem:s20+$0x0 ss:$0x1], $0xffff;
	p0 =	slt.u32 s24, $0x1F0  }
.Ltmp3:
0x3c: {  	s23 =	sadd.s32 $0xFFFFFFF0, s23;
	v4 =	vnsel vm1, $0x0, v1;
	v1 =	vnsel vm2, $0x7FFFFFFF, v3;
	(pc) =	sbr.rel @p0 .LBB2_3-.Ltmp3, $4  }
0x3d: {  	s25 =	smov.u32 s19;
	p1 =	sgt.s32 s23, $0x0;
	s26 =	smov.u32 s23;
	v3 =	vmin.u32 v4, $0x15F8F  }
0x3e: {  	s19 =	smov.u32 s20;
	s22 =	smov.u32 s21;
	s26 =	simm.s32 @!p1 $0x0;
	v4 =	vshrl.u32 v3, $0x7;
	v5 =	vshll.u32 v3, $0x2  }
0x3f: {  	s26 =	smin.u32 s26, $0x10;
	v6 =	vand.u32 $0x3, v4;
	v4 =	vand.u32 $0x1FE00, v3;
	v5 =	vand.u32 $0x1FC, v5  }
0x40: {  	s20 =	sadd.s32 $0x10, s20;
	s21 =	sadd.s32 $0x10, s21;
	v3 =	vmov s26;
	v4 =	vor.u32 v4, v5;
	[tilespmem:s25+$0x0] =	vst v6;
	(ifvalue) =	ssetifvalue $0x7FFFFFFF  }
0x41: {  	v5 =	vld.msk [tilespmem:s20+$0x0 ss:$0x1], $0xffff;
	_ =	sdelay $0x1  }
0x42: {  	s23 =	sadd.s32 $0xFFFFFFF0, s23;
	vm1 =	vgt.s32 v2, $0x0  }
0x43: {  	p0 =	sgt.s32 s23, $0x0;
	s24 =	smov.u32 s23;
	v2 =	vnsel vm1, $0x0, v2;
	vm1 =	vgt.u32 v3, v0;
	v3 =	vshrl.u32 v4, $0x2  }
0x44: {  	s24 =	simm.s32 @!p0 $0x0;
	v2 =	vmin.u32 v2, $0x15F8F;
	v3 =	vnsel vm1, $0x7FFFFFFF, v3  }
0x45: {  	s24 =	smin.u32 s24, $0x10;
	v60 =	vshll.u32 v2, $0x2;
	v7 =	vand.u32 $0x1FE00, v2;
	vm1 =	vgt.s32 v5, $0x0  }
0x46: {  	s23 =	sadd.s32 $0xFFFFFFF0, s23;
	v2 =	vshrl.u32 v2, $0x7;
	v6 =	vmov s24;
	v5 =	vnsel vm1, $0x0, v5  }
0x47: {  	p0 =	sgt.s32 s23, $0x0;
	v4 =	vand.u32 $0x1FC, v60;
	v2 =	vand.u32 $0x3, v2;
	v5 =	vmin.u32 v5, $0x15F8F  }
0x48: {  	s23 =	simm.s32 @!p0 $0x0;
	v4 =	vor.u32 v7, v4;
	vm1 =	vgt.u32 v6, v0;
	v61 =	vshll.u32 v5, $0x2  }
0x49: {  	s23 =	smin.u32 s23, $0x10;
	v4 =	vshrl.u32 v4, $0x2;
	v62 =	vand.u32 $0x1FE00, v5;
	v6 =	vand.u32 $0x1FC, v61  }
0x4a: {  	v63 =	vmov s23;
	v4 =	vnsel vm1, $0x7FFFFFFF, v4;
	v6 =	vor.u32 v62, v6  }
0x4b: {  	[tilespmem:s22], [sflag:$0x3] =	stream.indirect_vreg.gather [hbm4b:s5+s11], $0x1, v1, vm0, $0x4038;
	[tilespmem:s19+$0x0] =	vst v2;
	vm1 =	vgt.u32 v63, v0;
	v2 =	vshrl.u32 v6, $0x2  }
0x4c: {  	(ifvalue) =	ssetifvalue $0x7FFFFFFF;
	v1 =	vshrl.u32 v5, $0x7;
	v2 =	vnsel vm1, $0x7FFFFFFF, v2  }
0x4d: {  	[tilespmem:s21], [sflag:$0x3] =	stream.indirect_vreg.gather [hbm4b:s5+s11], $0x1, v3, vm0, $0x4038;
	v1 =	vand.u32 $0x3, v1;
	[tilespmem:$0xB00] =	vst v63  }
0x4e: {  	s31 =	sadd.s32 $0x10, s21;
	[tilespmem:s20+$0x0] =	vst v1;
	(ifvalue) =	ssetifvalue $0x7FFFFFFF  }
0x4f: {  	[tilespmem:s31], [sflag:$0x3] =	stream.indirect_vreg.gather [hbm4b:s5+s11], $0x1, v4, vm0, $0x4038;
	[tilespmem:$0xB00] =	vst v63  }
0x50: {  	s19 =	sadd.s32 $0x10, s31;
	(ifvalue) =	ssetifvalue $0x7FFFFFFF  }
0x51: {  	[tilespmem:s19], [sflag:$0x3] =	stream.indirect_vreg.gather [hbm4b:s5+s11], $0x1, v2, vm0, $0x4038;
	[tilespmem:$0xB00] =	vst v63  }
.LBB2_5:
0x52: {  	p0 =	slt.u32 s17, $0x2  }
0x53: {  	p1 =	sge.u32 @!p0 s17, s10  }
0x54: {  	p0 =	por p0, p1  }
.Ltmp4:
0x55: {  	_ = 	snop;
	(pc) =	sbr.rel @p0 .LBB2_7-.Ltmp4, $1  }
0x56: {  	_ =	sdelay $0x3  }
0x57: {  	s19 =	sadd.s32 $0xFFFFFFFE, s17  }
0x58: {  	s20 =	smulhi.u32 $0xAAAAAAAB, s19  }
0x59: {  	_ =	swait.ge [sflag:s8], $0x200  }
0x5a: {  	s21 =	sand.u32 $0x1, s17;
	[sflag:s8] =	ssyncset.done $0x0;
	s20 =	sshrl.u32 s20, $0x1  }
0x5b: {  	s28 =	sshll.u32 s21, $0x9;
	[sflag:s8] =	ssyncadd.s32 $0xFFFFFE00;
	s20 =	smul.u32 $0x3, s20  }
0x5c: {  	v1 =	vld [tilespmem:s28+$0x600]  }
0x5d: {  	v3 =	vld [tilespmem:s28+$0x680];
	s20 =	ssub.s32 s19, s20  }
0x5e: {  	v6 =	vld [tilespmem:s28+$0x700];
	s20 =	sshll.u32 s20, $0x9  }
0x5f: {  	v2 =	vld [tilespmem:s20+$0x0]  }
0x60: {  	v4 =	vld [tilespmem:s20+$0x80]  }
0x61: {  	v5 =	vld [tilespmem:s20+$0x100]  }
0x62: {  	v7 =	vld [tilespmem:s20+$0x180];
	_ =	sdelay $0x1  }
0x63: {  	v8 =	vld [tilespmem:s28+$0x780]  }
0x64: {  	v2 =	vshll.u32 v2, $0x3;
	v4 =	vshll.u32 v4, $0x3  }
0x65: {  	v1 =	vshrl.u32 v1, v2;
	v2 =	vshrl.u32 v3, v4;
	v3 =	vshll.u32 v5, $0x3  }
0x66: {  	v21 =	vshll.u32 v7, $0x3;
	v2 =	vshll.u32 v2, $0x8;
	v3 =	vshrl.u32 v6, v3  }
0x67: {  	v1 =	vand.u32 $0xFF, v1;
	v2 =	vand.u32 $0xFF00, v2;
	v3 =	vshll.u32 v3, $0x10  }
0x68: {  	v1 =	vor.u32 v1, v2;
	v2 =	vand.u32 $0xFF0000, v3;
	v3 =	vshrl.u32 v8, v21  }
0x69: {  	v1 =	vor.u32 v2, v1;
	v2 =	vshll.u32 v3, $0x18  }
0x6a: {  	s21 =	sshll.u32 s21, $0x7;
	v1 =	vor.u32 v2, v1  }
0x6b: {  	[tilespmem:s21+$0xA00] =	vst v1  }
0x6c: {  	v1 =	vld [tilespmem:s28+$0x610]  }
0x6d: {  	v2 =	vld [tilespmem:s20+$0x10]  }
0x6e: {  	v3 =	vld [tilespmem:s28+$0x690]  }
0x6f: {  	v22 =	vld [tilespmem:s20+$0x90]  }
0x70: {  	v23 =	vld [tilespmem:s20+$0x110]  }
0x71: {  	v24 =	vld [tilespmem:s28+$0x710]  }
0x72: {  	v25 =	vld [tilespmem:s20+$0x190];
	_ =	sdelay $0x1  }
0x73: {  	v26 =	vld [tilespmem:s28+$0x790]  }
0x74: {  	v2 =	vshll.u32 v2, $0x3;
	v4 =	vshll.u32 v22, $0x3  }
0x75: {  	v1 =	vshrl.u32 v1, v2;
	v2 =	vshrl.u32 v3, v4;
	v3 =	vshll.u32 v23, $0x3  }
0x76: {  	v27 =	vshll.u32 v25, $0x3;
	v2 =	vshll.u32 v2, $0x8;
	v3 =	vshrl.u32 v24, v3  }
0x77: {  	v1 =	vand.u32 $0xFF, v1;
	v2 =	vand.u32 $0xFF00, v2;
	v3 =	vshll.u32 v3, $0x10  }
0x78: {  	v1 =	vor.u32 v1, v2;
	v2 =	vand.u32 $0xFF0000, v3;
	v3 =	vshrl.u32 v26, v27  }
0x79: {  	v1 =	vor.u32 v2, v1;
	v2 =	vshll.u32 v3, $0x18  }
0x7a: {  	v1 =	vor.u32 v2, v1  }
0x7b: {  	[tilespmem:s21+$0xA10] =	vst v1  }
0x7c: {  	v1 =	vld [tilespmem:s28+$0x620]  }
0x7d: {  	v2 =	vld [tilespmem:s20+$0x20]  }
0x7e: {  	v3 =	vld [tilespmem:s28+$0x6A0]  }
0x7f: {  	v28 =	vld [tilespmem:s20+$0xA0]  }
0x80: {  	v29 =	vld [tilespmem:s20+$0x120]  }
0x81: {  	v30 =	vld [tilespmem:s28+$0x720]  }
0x82: {  	v31 =	vld [tilespmem:s20+$0x1A0];
	_ =	sdelay $0x1  }
0x83: {  	v32 =	vld [tilespmem:s28+$0x7A0]  }
0x84: {  	v2 =	vshll.u32 v2, $0x3;
	v4 =	vshll.u32 v28, $0x3  }
0x85: {  	v1 =	vshrl.u32 v1, v2;
	v2 =	vshrl.u32 v3, v4;
	v3 =	vshll.u32 v29, $0x3  }
0x86: {  	v33 =	vshll.u32 v31, $0x3;
	v2 =	vshll.u32 v2, $0x8;
	v3 =	vshrl.u32 v30, v3  }
0x87: {  	v1 =	vand.u32 $0xFF, v1;
	v2 =	vand.u32 $0xFF00, v2;
	v3 =	vshll.u32 v3, $0x10  }
0x88: {  	v1 =	vor.u32 v1, v2;
	v2 =	vand.u32 $0xFF0000, v3;
	v3 =	vshrl.u32 v32, v33  }
0x89: {  	v1 =	vor.u32 v2, v1;
	v2 =	vshll.u32 v3, $0x18  }
0x8a: {  	v1 =	vor.u32 v2, v1  }
0x8b: {  	[tilespmem:s21+$0xA20] =	vst v1  }
0x8c: {  	v1 =	vld [tilespmem:s28+$0x630]  }
0x8d: {  	v2 =	vld [tilespmem:s20+$0x30]  }
0x8e: {  	v3 =	vld [tilespmem:s28+$0x6B0]  }
0x8f: {  	v34 =	vld [tilespmem:s20+$0xB0]  }
0x90: {  	v35 =	vld [tilespmem:s20+$0x130]  }
0x91: {  	v36 =	vld [tilespmem:s28+$0x730]  }
0x92: {  	v37 =	vld [tilespmem:s20+$0x1B0];
	_ =	sdelay $0x1  }
0x93: {  	v38 =	vld [tilespmem:s28+$0x7B0]  }
0x94: {  	v2 =	vshll.u32 v2, $0x3;
	v4 =	vshll.u32 v34, $0x3  }
0x95: {  	v1 =	vshrl.u32 v1, v2;
	v2 =	vshrl.u32 v3, v4;
	v3 =	vshll.u32 v35, $0x3  }
0x96: {  	v39 =	vshll.u32 v37, $0x3;
	v2 =	vshll.u32 v2, $0x8;
	v3 =	vshrl.u32 v36, v3  }
0x97: {  	v1 =	vand.u32 $0xFF, v1;
	v2 =	vand.u32 $0xFF00, v2;
	v3 =	vshll.u32 v3, $0x10  }
0x98: {  	v1 =	vor.u32 v1, v2;
	v2 =	vand.u32 $0xFF0000, v3;
	v3 =	vshrl.u32 v38, v39  }
0x99: {  	v1 =	vor.u32 v2, v1;
	v2 =	vshll.u32 v3, $0x18  }
0x9a: {  	v1 =	vor.u32 v2, v1  }
0x9b: {  	[tilespmem:s21+$0xA30] =	vst v1  }
0x9c: {  	v1 =	vld [tilespmem:s28+$0x640]  }
0x9d: {  	v2 =	vld [tilespmem:s20+$0x40]  }
0x9e: {  	v3 =	vld [tilespmem:s28+$0x6C0]  }
0x9f: {  	v40 =	vld [tilespmem:s20+$0xC0]  }
0xa0: {  	v41 =	vld [tilespmem:s20+$0x140]  }
0xa1: {  	v42 =	vld [tilespmem:s28+$0x740]  }
0xa2: {  	v43 =	vld [tilespmem:s20+$0x1C0];
	_ =	sdelay $0x1  }
0xa3: {  	v44 =	vld [tilespmem:s28+$0x7C0]  }
0xa4: {  	v2 =	vshll.u32 v2, $0x3;
	v4 =	vshll.u32 v40, $0x3  }
0xa5: {  	v1 =	vshrl.u32 v1, v2;
	v2 =	vshrl.u32 v3, v4;
	v3 =	vshll.u32 v41, $0x3  }
0xa6: {  	v45 =	vshll.u32 v43, $0x3;
	v2 =	vshll.u32 v2, $0x8;
	v3 =	vshrl.u32 v42, v3  }
0xa7: {  	v1 =	vand.u32 $0xFF, v1;
	v2 =	vand.u32 $0xFF00, v2;
	v3 =	vshll.u32 v3, $0x10  }
0xa8: {  	v1 =	vor.u32 v1, v2;
	v2 =	vand.u32 $0xFF0000, v3;
	v3 =	vshrl.u32 v44, v45  }
0xa9: {  	v1 =	vor.u32 v2, v1;
	v2 =	vshll.u32 v3, $0x18  }
0xaa: {  	v1 =	vor.u32 v2, v1  }
0xab: {  	[tilespmem:s21+$0xA40] =	vst v1  }
0xac: {  	v1 =	vld [tilespmem:s28+$0x650]  }
0xad: {  	v2 =	vld [tilespmem:s20+$0x50]  }
0xae: {  	v3 =	vld [tilespmem:s28+$0x6D0]  }
0xaf: {  	v46 =	vld [tilespmem:s20+$0xD0]  }
0xb0: {  	v47 =	vld [tilespmem:s20+$0x150]  }
0xb1: {  	v48 =	vld [tilespmem:s28+$0x750]  }
0xb2: {  	v49 =	vld [tilespmem:s20+$0x1D0];
	_ =	sdelay $0x1  }
0xb3: {  	v50 =	vld [tilespmem:s28+$0x7D0]  }
0xb4: {  	v2 =	vshll.u32 v2, $0x3;
	v4 =	vshll.u32 v46, $0x3  }
0xb5: {  	v1 =	vshrl.u32 v1, v2;
	v2 =	vshrl.u32 v3, v4;
	v3 =	vshll.u32 v47, $0x3  }
0xb6: {  	v51 =	vshll.u32 v49, $0x3;
	v2 =	vshll.u32 v2, $0x8;
	v3 =	vshrl.u32 v48, v3  }
0xb7: {  	v1 =	vand.u32 $0xFF, v1;
	v2 =	vand.u32 $0xFF00, v2;
	v3 =	vshll.u32 v3, $0x10  }
0xb8: {  	v1 =	vor.u32 v1, v2;
	v2 =	vand.u32 $0xFF0000, v3;
	v3 =	vshrl.u32 v50, v51  }
0xb9: {  	v1 =	vor.u32 v2, v1;
	v2 =	vshll.u32 v3, $0x18  }
0xba: {  	v1 =	vor.u32 v2, v1  }
0xbb: {  	[tilespmem:s21+$0xA50] =	vst v1  }
0xbc: {  	v1 =	vld [tilespmem:s28+$0x660]  }
0xbd: {  	v2 =	vld [tilespmem:s20+$0x60]  }
0xbe: {  	v3 =	vld [tilespmem:s28+$0x6E0]  }
0xbf: {  	v52 =	vld [tilespmem:s20+$0xE0]  }
0xc0: {  	v53 =	vld [tilespmem:s20+$0x160]  }
0xc1: {  	v54 =	vld [tilespmem:s28+$0x760]  }
0xc2: {  	v55 =	vld [tilespmem:s20+$0x1E0];
	_ =	sdelay $0x1  }
0xc3: {  	v56 =	vld [tilespmem:s28+$0x7E0]  }
0xc4: {  	v2 =	vshll.u32 v2, $0x3;
	v4 =	vshll.u32 v52, $0x3  }
0xc5: {  	v1 =	vshrl.u32 v1, v2;
	v2 =	vshrl.u32 v3, v4;
	v3 =	vshll.u32 v53, $0x3  }
0xc6: {  	v57 =	vshll.u32 v55, $0x3;
	v2 =	vshll.u32 v2, $0x8;
	v3 =	vshrl.u32 v54, v3  }
0xc7: {  	v1 =	vand.u32 $0xFF, v1;
	v2 =	vand.u32 $0xFF00, v2;
	v3 =	vshll.u32 v3, $0x10  }
0xc8: {  	v1 =	vor.u32 v1, v2;
	v2 =	vand.u32 $0xFF0000, v3;
	v3 =	vshrl.u32 v56, v57  }
0xc9: {  	v1 =	vor.u32 v2, v1;
	v2 =	vshll.u32 v3, $0x18  }
0xca: {  	v1 =	vor.u32 v2, v1  }
0xcb: {  	[tilespmem:s21+$0xA60] =	vst v1  }
0xcc: {  	v1 =	vld [tilespmem:s28+$0x670]  }
0xcd: {  	v2 =	vld [tilespmem:s20+$0x70]  }
0xce: {  	v3 =	vld [tilespmem:s28+$0x6F0]  }
0xcf: {  	v58 =	vld [tilespmem:s20+$0xF0]  }
0xd0: {  	v59 =	vld [tilespmem:s20+$0x170]  }
0xd1: {  	v60 =	vld [tilespmem:s28+$0x770]  }
0xd2: {  	v61 =	vld [tilespmem:s20+$0x1F0];
	_ =	sdelay $0x1  }
0xd3: {  	v62 =	vld [tilespmem:s28+$0x7F0]  }
0xd4: {  	v2 =	vshll.u32 v2, $0x3;
	v4 =	vshll.u32 v58, $0x3  }
0xd5: {  	v1 =	vshrl.u32 v1, v2;
	v2 =	vshrl.u32 v3, v4;
	v3 =	vshll.u32 v59, $0x3  }
0xd6: {  	v63 =	vshll.u32 v61, $0x3;
	v3 =	vshrl.u32 v60, v3;
	v2 =	vshll.u32 v2, $0x8  }
0xd7: {  	v1 =	vand.u32 $0xFF, v1;
	v2 =	vand.u32 $0xFF00, v2;
	v3 =	vshll.u32 v3, $0x10  }
.Ltmp5:
0xd8: {  	v1 =	vor.u32 v1, v2;
	v2 =	vshrl.u32 v62, v63;
	v3 =	vand.u32 $0xFF0000, v3;
	(pc) =	sbr.rel .LBB2_7-.Ltmp5, $4  }
0xd9: {  	v1 =	vor.u32 v3, v1;
	v2 =	vshll.u32 v2, $0x18  }
0xda: {  	s29 =	sshrl.u32 s18, $0x2;
	s30 =	sshrl.u32 s18, $0x5;
	v1 =	vor.u32 v2, v1  }
0xdb: {  	s18 =	sadd.s32 s30, s3;
	s31 =	sor.u32 $0xA00, s21;
	s19 =	sand.u32 $0x7, s29;
	[tilespmem:s21+$0xA70] =	vst v1  }
0xdc: {  	[hbm4b:s18+s19] =	stream.linear.scatter [tilespmem:s31], [sflag:$0x4], $0x80, $0x38;
	[tilespmem:$0xB00] =	vst v63  }
.LBB2_8:
0xdd: {  	_ =	sfence.sel $0x180000  }
0xde: {  	s2 =	simm.s32 $0x2;
	[bflag:$0x0] =	sbarrier.arrive $0xFFFF  }
0xdf: {  	s29 =	simm.s32 $0x3;
	[sflag:s2] =	ssyncpa.u1 $0x1  }
0xe0: {  	s30 =	simm.s32 $0x4;
	[sflag:s29] =	ssyncpa.u1 $0x1  }
0xe1: {  	s31 =	simm.s32 $0x1;
	[sflag:s30] =	ssyncpa.u1 $0x1  }
0xe2: {  	[sflag:s31] =	ssyncpa.u1 $0x1  }
0xe3: {  	p0 =	sne.s32 s0, $0x0;
	_ =	strace $0x9000005F  }
0xe4: {  	s0 =	sadd.s32 @!p0 $0x100000, s1;
	[bflag:$0x2] =	sbarrier.arrive $0xFFFF  }
0xe5: {  	[sflag:s0] =	ssyncadd.tile.s32 @!p0 $0x1;
	_ =	shalt  }
.Lfunc_end2:
_tile_overlayer_lowered:
.L_overlay_start_2:
0xe6: {  	(tag) =	ssettag $0x2  }
0xe7: {  	s0 =	rddreg [dreg:$0x0];
	s2 =	stileid.u32  }
0xe8: {  	s1 =	rddreg [dreg:$0x1];
	p0 =	sne.s32 s2, $0x0  }
0xe9: {  	s3 =	rddreg [dreg:$0x2];
	[bflag:$0x3] =	sbarrier.arrive $0xFFFF;
	s2 =	simm.s32 @!p0 $0x1C01  }
0xea: {  	[timem:s3], [sflag:s2] =	dma.local @!p0 [hbm:s0], s1  }
0xeb: {  	s0 =	simm.s32 @!p0 $0x1  }
0xec: {  	_ =	swait.ge @!p0 [sflag:s0], s1  }
0xed: {  	s1 =	ssub.s32 @!p0 $0x0, s1;
	[sflag:s0] =	ssyncset.done @!p0 $0x0  }
0xee: {  	[sflag:s0] =	ssyncadd.s32 @!p0 s1  }
0xef: {  	[bflag:$0x3] =	sbarrier.arrive $0xFFFF  }
0xf0: {  	_ =	shalt  }

// kernel: gather_offload_async_start.4
scs
__scs_entry_jumppad:
0x0: {  	(pc) =	sbr.rel $0x88, $3  }
0x1: {  	(tag) =	ssettag $0x0;
	lr =	simm.s32 $0x1  }
0x2: {  	[smem:$0x3F97] =	sst lr;
	_ =	strace $0xD0000000  }
0x3: {  	_ = 	snop  }
0x4: {  	_ = 	snop  }
0x5: {  	_ = 	snop  }
0x6: {  	_ = 	snop  }
0x7: {  	_ = 	snop  }
__scs_overlays_trampoline_lowered:
0x8: {  	[smem:$0x3FA6] =	sst s0  }
0x9: {  	[smem:$0x3FA7] =	sst s1  }
0xa: {  	[smem:$0x3FA8] =	sst s2  }
0xb: {  	[smem:$0x3FA9] =	sst s3  }
0xc: {  	[smem:$0x3FAA] =	sst s4  }
0xd: {  	[smem:$0x3FAB] =	sst s5  }
0xe: {  	[smem:$0x3FAC] =	sst s6  }
0xf: {  	[smem:$0x3FAD] =	sst s7  }
0x10: {  	[smem:$0x3FAE] =	sst s8  }
0x11: {  	[smem:$0x3FAF] =	sst s9;
	s0 =	simm.s32 @!p0 $0x0  }
0x12: {  	s1 =	sld [smem:$0x3F95];
	s0 =	simm.s32 @p0 $0x1  }
0x13: {  	[smem:$0x3FB0] =	sst s0;
	s0 =	simm.s32 @!p1 $0x0  }
0x14: {  	s2 =	sld [smem:$0x3F94];
	s0 =	simm.s32 @p1 $0x1  }
0x15: {  	[smem:$0x3FB1] =	sst s0;
	s0 =	simm.s32 @!p2 $0x0  }
0x16: {  	s3 =	sld [smem:$0x3FDB];
	s0 =	simm.s32 @p2 $0x1  }
0x17: {  	s4 =	simm.s32 $0x1BF5;
	[smem:$0x3FB3] =	sst s0  }
0x18: {  	s0 =	sld [smem:$0x3F96];
	_ =	swait.ge [sflag:s4], $0x0  }
0x19: {  	s7 =	sld [smem:$0x3F97]  }
0x1a: {  	s8 =	sadd.s32 $0xFFFFE003, lr  }
0x1b: {  	s9 =	sadd.s32 $0xFFFFFEF7, lr;
	s5 =	simm.s32 $0xFFFFFFFF;
	p2 =	slt.u32 s8, $0xFFFFF086  }
0x1c: {  	p1 =	slt.u32 s9, $0xF7A;
	s5 =	simm.s32 @!p2 $0x0  }
0x1d: {  	s5 =	simm.s32 @p1 $0x1;
	p0 =	seq.s32 s7, s2  }
0x1e: {  	s7 =	smul.u32 @!p0 $0xF7A, s2;
	p2 =	seq.s32 @!p0 s5, $0x0  }
0x1f: {  	s9 =	smul.u32 $0xF7A, s1;
	s8 =	simm.s32 @!p0 $0x1BF5;
	p2 =	por !p2, p0  }
0x20: {  	[sflag:s8] =	ssyncset.s32 @!p0 $0xFFFFF086;
	s6 =	sadd.s32 @!p0 s3, s7;
	s7 =	simm.s32 @!p0 $0x108  }
0x21: {  	s3 =	sadd.s32 s3, s9;
	s6 =	sadd.s32 @!p0 $0x88, s6;
	s7 =	simm.s32 @p2 $0x1082  }
0x22: {  	[simem:s7], [sflag:s8] =	dma.local @!p0 [hbm:s6], $0xF7A  }
0x23: {  	s9 =	sor.u32 $0xD0000000, s2;
	s6 =	simm.s32 $0x108;
	_ =	swait.ge @!p0 [sflag:s8], $0x0  }
0x24: {  	s3 =	sadd.s32 $0x88, s3;
	s6 =	simm.s32 @!p1 $0x1082;
	[sflag:s4] =	ssyncset.s32 $0xFFFFF086  }
0x25: {  	[simem:s6], [sflag:s4] =	dma.local [hbm:s3], $0xF7A  }
0x26: {  	[smem:$0x3F97] =	sst s1;
	(tag) =	ssettag s2;
	_ =	strace s9  }
0x27: {  	s1 =	sld [smem:$0x3FA7]  }
0x28: {  	s2 =	sld [smem:$0x3FA8]  }
0x29: {  	s4 =	sld [smem:$0x3FAA]  }
0x2a: {  	p0 =	seq.s32 s5, $0x0;
	s5 =	sld [smem:$0x3FAB]  }
0x2b: {  	s6 =	sld [smem:$0x3FAC]  }
0x2c: {  	s7 =	sld [smem:$0x3FAD]  }
0x2d: {  	s3 =	simm.s32 $0x108;
	s8 =	sld [smem:$0x3FAE]  }
0x2e: {  	s3 =	simm.s32 @!p0 $0x1082;
	s9 =	sld [smem:$0x3FAF]  }
0x2f: {  	lr =	sadd.s32 s0, s3;
	s0 =	sld [smem:$0x3FA6]  }
0x30: {  	s3 =	sld [smem:$0x3FA9]  }
0x31: {  	[smem:$0x3FB2] =	sst s10  }
0x32: {  	s10 =	sld [smem:$0x3FB0];
	_ =	sdelay $0x3  }
0x33: {  	p0 =	seq.s32 s10, $0x1;
	s10 =	sld [smem:$0x3FB2];
	_ =	sdelay $0x3  }
0x34: {  	[smem:$0x3FB2] =	sst s10  }
0x35: {  	s10 =	sld [smem:$0x3FB1];
	_ =	sdelay $0x3  }
0x36: {  	p1 =	seq.s32 s10, $0x1;
	s10 =	sld [smem:$0x3FB2];
	_ =	sdelay $0x3  }
0x37: {  	[smem:$0x3FB2] =	sst s10  }
0x38: {  	s10 =	sld [smem:$0x3FB3]  }
0x39: {  	_ = 	snop;
	(pc) =	sbr.ind lr, $3  }
0x3a: {  	_ = 	snop  }
0x3b: {  	_ = 	snop  }
0x3c: {  	p2 =	seq.s32 s10, $0x1;
	s10 =	sld [smem:$0x3FB2]  }
0x3d: {  	_ =	shalt  }
0x3e: {  	_ =	shalt  }
0x3f: {  	_ =	shalt  }
0x40: {  	_ =	shalt  }
0x41: {  	_ =	shalt  }
0x42: {  	_ =	shalt  }
0x43: {  	_ =	shalt  }
0x44: {  	_ =	shalt  }
0x45: {  	_ =	shalt  }
0x46: {  	_ =	shalt  }
0x47: {  	_ =	shalt  }
0x48: {  	_ =	shalt  }
0x49: {  	_ =	shalt  }
0x4a: {  	_ =	shalt  }
0x4b: {  	_ =	shalt  }
0x4c: {  	_ =	shalt  }
0x4d: {  	_ =	shalt  }
0x4e: {  	_ =	shalt  }
0x4f: {  	_ =	shalt  }
0x50: {  	_ =	shalt  }
0x51: {  	_ =	shalt  }
0x52: {  	_ =	shalt  }
0x53: {  	_ =	shalt  }
0x54: {  	_ =	shalt  }
0x55: {  	_ =	shalt  }
0x56: {  	_ =	shalt  }
0x57: {  	_ =	shalt  }
0x58: {  	_ =	shalt  }
0x59: {  	_ =	shalt  }
0x5a: {  	_ =	shalt  }
0x5b: {  	_ =	shalt  }
0x5c: {  	_ =	shalt  }
0x5d: {  	_ =	shalt  }
0x5e: {  	_ =	shalt  }
0x5f: {  	_ =	shalt  }
0x60: {  	_ =	shalt  }
0x61: {  	_ =	shalt  }
0x62: {  	_ =	shalt  }
0x63: {  	_ =	shalt  }
0x64: {  	_ =	shalt  }
0x65: {  	_ =	shalt  }
0x66: {  	_ =	shalt  }
0x67: {  	_ =	shalt  }
0x68: {  	_ =	shalt  }
0x69: {  	_ =	shalt  }
0x6a: {  	_ =	shalt  }
0x6b: {  	_ =	shalt  }
0x6c: {  	_ =	shalt  }
0x6d: {  	_ =	shalt  }
0x6e: {  	_ =	shalt  }
0x6f: {  	_ =	shalt  }
0x70: {  	_ =	shalt  }
0x71: {  	_ =	shalt  }
0x72: {  	_ =	shalt  }
0x73: {  	_ =	shalt  }
0x74: {  	_ =	shalt  }
0x75: {  	_ =	shalt  }
0x76: {  	_ =	shalt  }
0x77: {  	_ =	shalt  }
0x78: {  	_ =	shalt  }
0x79: {  	_ =	shalt  }
0x7a: {  	_ =	shalt  }
0x7b: {  	_ =	shalt  }
0x7c: {  	_ =	shalt  }
0x7d: {  	_ =	shalt  }
0x7e: {  	_ =	shalt  }
0x7f: {  	_ =	shalt  }
0x80: {  	_ =	shalt  }
0x81: {  	_ =	shalt  }
0x82: {  	_ =	shalt  }
0x83: {  	_ =	shalt  }
0x84: {  	_ =	shalt  }
0x85: {  	_ =	shalt  }
0x86: {  	_ =	shalt  }
0x87: {  	_ =	shalt  }
.Lfunc_end0:
.L_simem_size_0:
called_computation.6_lowered:
.L_overlay_start_0:
0x88: {  	s0 =	sld [smem:$0x3FD9]  }
0x89: {  	s1 =	sld [smem:$0x3FFE];
	_ =	sdelay $0x3  }
0x8a: {  	s0 =	sadd.s32 s1, s0  }
0x8b: {  	[smem:$0x3FBE] =	sst s0  }
0x8c: {  	_ = 	snop  }
0x8d: {  	(tm) =	ssettm $0x1  }
0x8e: {  	s15 =	sld [smem:$0x3FFB];
	_ =	sdelay $0x3  }
0x8f: {  	_ =	strace s15  }
0x90: {  	s0 =	sld [smem:$0x3FFC];
	_ =	sdelay $0x3  }
0x91: {  	_ =	strace s0  }
0x92: {  	s0 =	sld [smem:$0x3FFD];
	_ =	sdelay $0x3  }
0x93: {  	_ =	strace s0  }
0x94: {  	_ =	strace $0x8FFFFFFF  }
0x95: {  	s16 =	sld [smem:$0x3FDB];
	_ =	sdelay $0x1  }
0x96: {  	s17 =	simm.s32 $_scs_section_size  }
0x97: {  	s2 =	simm.s32 $_size__tile_overlayer_lowered;
	s3 =	simm.s32 $_tile_overlayer_lowered  }
0x98: {  	s20 =	simm.s32 $0x1BFF;
	s19 =	sshll.u32 s3, $0x1;
	s0 =	sadd.s32 s17, s16  }
0x99: {  	s4 =	simm.s32 $0x0;
	s18 =	sshll.u32 s2, $0x1;
	s2 =	sadd.s32 s19, s0  }
0x9a: {  	[timem:s4], [sflag:s20] =	dma.local [hbm:s2], s18  }
0x9b: {  	_ =	swait.ge [sflag:s20], s18  }
0x9c: {  	s1 =	ssub.s32 $0x0, s18;
	[sflag:s20] =	ssyncset.done $0x0  }
0x9d: {  	[sflag:s20] =	ssyncadd.s32 s1;
	_ =	sdelay $0x1  }
0x9e: {  	s21 =	simm.s32 $0x1B8B  }
0x9f: {  	_ =	swait.ge [sflag:s21], $0x1  }
0xa0: {  	[sflag:s21] =	ssyncset.done $0x0  }
0xa1: {  	s23 =	simm.s32 $0x1B8E;
	s22 =	sld [smem:$0x3FFE];
	[sflag:s21] =	ssyncadd.s32 $0xFFFFFFFF  }
0xa2: {  	s24 =	simm.s32 $execute0_lowered;
	[smem:$0x3FD2] =	sst s23  }
0xa3: {  	s2 =	sshll.u32 s24, $0x1;
	_ =	strace $0x80000058;
	[dreg:$0x1] =	wrdreg $0xFFFFFFFF  }
0xa4: {  	s25 =	simm.s32 $_size_execute0_lowered;
	s0 =	sadd.s32 s0, s2;
	[dreg:$0x0] =	wrdreg $0x0  }
0xa5: {  	s2 =	sshll.u32 s25, $0x1;
	[dreg:$0x2] =	wrdreg s0  }
0xa6: {  	[dreg:$0x3] =	wrdreg s2  }
0xa7: {  	[dreg:$0x4] =	wrdreg $0xC0  }
0xa8: {  	_ =	task [dreg:s4], $0x5FFFF  }
0xa9: {  	[dreg:$0x1] =	wrdreg $0xFFFFFFFF  }
0xaa: {  	[dreg:$0x0] =	wrdreg $0x60  }
0xab: {  	[dreg:$0x2] =	wrdreg s22  }
0xac: {  	[dreg:$0x3] =	wrdreg $0x9  }
0xad: {  	_ =	task.clear_ibuf [dreg:s4], $0x4FFFF;
	_ =	strace $0x90000058  }
0xae: {  	s26 =	simm.s32 $0x9;
	_ =	strace $0x8000005A  }
0xaf: {  	_ =	swait.ge [sflag:s26], $0x1  }
0xb0: {  	[sflag:s26] =	ssyncadd.s32 $0xFFFFFFFF  }
0xb1: {  	_ =	strace $0x9000005A  }
0xb2: {  	_ =	sfence  }
0xb3: {  	s28 =	sld [smem:$0x0];
	_ =	sdelay $0x1  }
0xb4: {  	s29 =	srdreg.scid  }
0xb5: {  	s30 =	sshll.u32 s29, $0xD;
	s31 =	sshrl.u32 s29, $0x2  }
0xb6: {  	s1 =	sand.u32 $0x1, s29;
	s2 =	sand.u32 $0x4000, s30;
	s0 =	sadd.s32 s31, s28  }
0xb7: {  	s1 =	sor.u32 s2, s1;
	s0 =	sshll.u32 s0, $0x11  }
0xb8: {  	s0 =	sor.u32 s0, s1  }
0xb9: {  	s0 =	sadd.s32 $0x8F2B, s0  }
0xba: {  	[sflag:s0] =	ssyncadd.remote.s32 $0x1  }
0xbb: {  	_ =	sfence.sel $0xFFFF  }
0xbc: {  	[dreg:$0x0] =	wrdreg $0xFFFFFFFF;
	(pc) =	sbr.abs _section_cstart, $3  }
0xbd: {  	[dreg:$0x1] =	wrdreg $0xFFFFFFFF  }
0xbe: {  	_ =	task.clear_ibuf [dreg:s4], $0x2FFFF;
	_ =	strace $0x9FFFFFFF  }
0xbf: {  	(tm) =	ssettm $0x7FFFFFFF  }
tec
execute0_lowered:
.L_overlay_start_1:
0x0: {  	(tag) =	ssettag $0x1  }
0x1: {  	s0 =	stileid.u32  }
0x2: {  	s1 =	smin.u32 s0, $0x9  }
0x3: {  	s1 =	sadd.s32 s0, s1  }
0x4: {  	p0 =	slt.u32 s0, $0x9;
	s2 =	smul.u32 $0x50, s1;
	s1 =	simm.s32 $0xA0  }
0x5: {  	s1 =	simm.s32 @!p0 $0x50  }
0x6: {  	s1 =	sadd.s32 s1, s2  }
0x7: {  	s3 =	smin.u32 s1, $0x7D0  }
0x8: {  	s7 =	ssub.s32 s3, s2  }
0x9: {  	p0 =	sgt.s32 s7, $0x0  }
0xa: {  	s7 =	simm.s32 @!p0 $0x0  }
0xb: {  	s31 =	smul.u32 $0xCCCD, s7  }
0xc: {  	s4 =	rddreg [dreg:$0x0];
	s6 =	simm.s32 $0x1  }
0xd: {  	s10 =	simm.s32 $0x3;
	s13 =	simm.s32 $0x0;
	s8 =	sshrl.u32 s31, $0x16  }
0xe: {  	s12 =	simm.s32 $0x0;
	s5 =	sadd.s32 $0x15FA00, s4;
	s9 =	smul.u32 $0x50, s8  }
.Ltmp0:
0xf: {  	s11 =	smov.u32 s2;
	s1 =	rddreg [dreg:$0x1];
	(pc) =	sbr.rel .LBB2_1-.Ltmp0, $4  }
0x10: {  	_ =	strace $0x80000059;
	p0 =	sne.s32 s7, s9;
	s9 =	simm.s32 $0x1  }
0x11: {  	[sflag:s6] =	ssyncpa.u1 $0x0;
	s7 =	simm.s32 $0x2;
	s9 =	simm.s32 @!p0 $0x0  }
0x12: {  	[sflag:s7] =	ssyncpa.u1 $0x0;
	p0 =	por $0x0, $0x0;
	s8 =	sadd.s32 s8, s9  }
0x13: {  	vm0 =	vmmov $0xff;
	vm1 =	vcmask $0x3F20;
	s9 =	sadd.s32 $0x2C6600, s4;
	[sflag:s10] =	ssyncpa.u1 $0x0;
	s10 =	sadd.s32 $0x1, s8  }
.LBB2_6:
0x14: {  	[hbm:s17] =	stream.linear.scatter [tilespmem:s14], [sflag:$0x3], $0x400, $0x38;
	[tilespmem:$0x50A0] =	vst v63  }
.LBB2_7:
0x15: {  	s13 =	sadd.s32 $0x50, s11  }
0x16: {  	s15 =	smov.u32 s2;
	p2 =	slt.s32 s13, s3  }
0x17: {  	s15 =	smov.u32 @p2 s13;
	p2 =	sne.s32 s12, s10  }
.Ltmp1:
0x18: {  	p1 =	slt.u32 s12, $0x2;
	(pc) =	sbr.rel @!p2 .LBB2_8-.Ltmp1, $4  }
0x19: {  	s14 =	simm.s32 @!p1 $0x3  }
0x1a: {  	s16 =	sadd.s32 $0x1, s12;
	_ =	swait.ge @!p1 [sflag:s14], $0x2800  }
0x1b: {  	p0 =	por !p0, !p0;
	s13 =	smov.u32 s11;
	[sflag:s14] =	ssyncset.done @!p1 $0x0  }
0x1c: {  	s12 =	smov.u32 s16;
	s11 =	smov.u32 s15;
	[sflag:s14] =	ssyncadd.s32 @!p1 $0xFFFFD800  }
.LBB2_1:
0x1d: {  	p1 =	sge.u32 s12, s8  }
0x1e: {  	s14 =	sxor.u32 @!p1 $0xFFFFFFFF, s12  }
0x1f: {  	s14 =	sand.u32 @!p1 $0x1, s14  }
0x20: {  	s14 =	smul.u32 @!p1 $0x140, s14  }
0x21: {  	s31 =	sadd.s32 $0xFFFFFFFF, s12;
	s15 =	sshrl.u32 @!p1 s11, $0x3  }
0x22: {  	s16 =	sand.u32 @!p1 $0x7, s11;
	s15 =	sadd.s32 @!p1 s9, s15;
	s14 =	sshrl.u32 @!p1 s14, $0x2  }
0x23: {  	[tilespmem:s14], [sflag:$0x2] =	stream.linear.gather @!p1 [hbm4b:s15+s16], $0x50, $0x38;
	[tilespmem:$0x50A0] =	vst v63  }
0x24: {  	p1 =	sge.u32 s31, s8  }
.Ltmp2:
0x25: {  	_ = 	snop;
	(pc) =	sbr.rel @p1 .LBB2_7-.Ltmp2, $1  }
0x26: {  	_ =	sdelay $0x3  }
0x27: {  	s14 =	simm.s32 $0x1  }
0x28: {  	s14 =	simm.s32 @!p0 $0x0  }
0x29: {  	s15 =	smul.u32 $0x140, s14  }
0x2a: {  	_ =	swait.ge [sflag:s7], $0x50  }
0x2b: {  	[sflag:s7] =	ssyncset.done $0x0;
	s16 =	sshrl.u32 s15, $0x2  }
0x2c: {  	[sflag:s7] =	ssyncadd.s32 $0xFFFFFFB0;
	s15 =	sadd.s32 $0x0, s16  }
0x2d: {  	v0 =	vld.msk [tilespmem:s15+$0x0 ss:$0x1], $0xffff;
	_ =	sdelay $0x4  }
0x2e: {  	vm2 =	vgt.s32 v0, $0x0  }
0x2f: {  	v0 =	vnsel vm2, $0x0, v0  }
0x30: {  	v0 =	vmin.u32 v0, $0x15F8F  }
0x31: {  	v0 =	vshll.u32 v0, $0x4  }
0x32: {  	s14 =	smul.u32 $0xA000, s14;
	_ =	sdelay $0x1  }
0x33: {  	s14 =	sshrl.u32 s14, $0x2  }
0x34: {  	s14 =	sor.u32 $0xA0, s14  }
0x35: {  	[tilespmem:s14], [sflag:$0x1] =	stream.indirect_vreg.gather [hbm:s5], $0x80, v0, vm0, $0x38;
	[tilespmem:$0x50A0] =	vst v63  }
0x36: {  	s17 =	sadd.s32 $0x10, s16;
	s15 =	sadd.s32 $0x400, s14  }
0x37: {  	[tilespmem:s15], [sflag:$0x1] =	stream.indirect_vreg.gather [hbm:s5], $0x80, v0, vm1, $0x38;
	[tilespmem:$0x50A0] =	vst v63  }
0x38: {  	s18 =	simm.s32 $0x80;
	v0 =	vld.msk [tilespmem:s17+$0x0 ss:$0x1], $0xffff;
	s17 =	smov.u32 s14  }
.LBB2_3:
0x39: {  	p1 =	sne.s32 s18, $0x100;
	_ =	sdelay $0x4  }
0x3a: {  	vm2 =	vgt.s32 v0, $0x0  }
0x3b: {  	v0 =	vnsel vm2, $0x0, v0  }
0x3c: {  	v0 =	vmin.u32 v0, $0x15F8F  }
0x3d: {  	v0 =	vshll.u32 v0, $0x4;
	_ =	sdelay $0x3  }
.Ltmp3:
0x3e: {  	s19 =	sshra.s32 s18, $0x2;
	s17 =	sadd.s32 $0x800, s17;
	(pc) =	sbr.rel @p1 .LBB2_3-.Ltmp3, $4  }
0x3f: {  	[tilespmem:s17], [sflag:$0x1] =	stream.indirect_vreg.gather [hbm:s5], $0x80, v0, vm0, $0x38;
	[tilespmem:$0x50A0] =	vst v63  }
0x40: {  	s19 =	sadd.s32 s19, s16;
	s20 =	sadd.s32 $0x400, s17  }
0x41: {  	[tilespmem:s20], [sflag:$0x1] =	stream.indirect_vreg.gather [hbm:s5], $0x80, v0, vm1, $0x38;
	[tilespmem:$0x50A0] =	vst v63  }
0x42: {  	s18 =	sadd.s32 $0x40, s18;
	v0 =	vld.msk [tilespmem:s19+$0x0 ss:$0x1], $0xffff  }
0x43: {  	_ =	sdelay $0x3  }
0x44: {  	vm2 =	vgt.s32 v0, $0x0  }
0x45: {  	v0 =	vnsel vm2, $0x0, v0  }
0x46: {  	v0 =	vmin.u32 v0, $0x15F8F  }
0x47: {  	v0 =	vshll.u32 v0, $0x4;
	_ =	sdelay $0x3  }
0x48: {  	s16 =	sadd.s32 $0x800, s17  }
0x49: {  	[tilespmem:s16], [sflag:$0x1] =	stream.indirect_vreg.gather [hbm:s5], $0x80, v0, vm0, $0x38;
	[tilespmem:$0x50A0] =	vst v63  }
0x4a: {  	s16 =	sadd.s32 $0x400, s16  }
0x4b: {  	[tilespmem:s16], [sflag:$0x1] =	stream.indirect_vreg.gather [hbm:s5], $0x80, v0, vm1, $0x38;
	[tilespmem:$0x50A0] =	vst v63  }
0x4c: {  	s13 =	sshll.u32 s13, $0x4;
	_ =	swait.ge [sflag:s6], $0x2800  }
0x4d: {  	s13 =	sadd.s32 s13, s4;
	[sflag:s6] =	ssyncset.done $0x0  }
0x4e: {  	s17 =	sadd.s32 $0x0, s13;
	s16 =	simm.s32 $0x80;
	[sflag:s6] =	ssyncadd.s32 $0xFFFFD800  }
.LBB2_5:
0x4f: {  	[hbm:s17] =	stream.linear.scatter [tilespmem:s14], [sflag:$0x3], $0x400, $0x38;
	[tilespmem:$0x50A0] =	vst v63  }
0x50: {  	s17 =	smov.u32 s16;
	s14 =	smov.u32 s15;
	p1 =	sne.s32 s16, $0x480  }
.Ltmp4:
0x51: {  	s16 =	sadd.s32 $0x80, s16;
	(pc) =	sbr.rel @p1 .LBB2_5-.Ltmp4, $2  }
0x52: {  	_ =	sdelay $0x2  }
0x53: {  	s15 =	sadd.s32 $0x400, s15;
	s17 =	sadd.s32 s17, s13  }
.Ltmp5:
0x54: {  	_ = 	snop;
	(pc) =	sbr.rel .LBB2_6-.Ltmp5, $1  }
0x55: {  	_ =	sdelay $0x3  }
.LBB2_8:
0x56: {  	_ =	sfence.sel $0x180000  }
0x57: {  	s2 =	simm.s32 $0x2;
	[bflag:$0x0] =	sbarrier.arrive $0xFFFF  }
0x58: {  	s30 =	simm.s32 $0x3;
	[sflag:s2] =	ssyncpa.u1 $0x1  }
0x59: {  	s31 =	simm.s32 $0x1;
	[sflag:s30] =	ssyncpa.u1 $0x1  }
0x5a: {  	[sflag:s31] =	ssyncpa.u1 $0x1  }
0x5b: {  	p0 =	sne.s32 s0, $0x0;
	_ =	strace $0x90000059  }
0x5c: {  	s0 =	sadd.s32 @!p0 $0x100000, s1;
	[bflag:$0x2] =	sbarrier.arrive $0xFFFF  }
0x5d: {  	[sflag:s0] =	ssyncadd.tile.s32 @!p0 $0x1;
	_ =	shalt  }
.Lfunc_end2:
_tile_overlayer_lowered:
.L_overlay_start_2:
0x5e: {  	(tag) =	ssettag $0x2  }
0x5f: {  	s0 =	rddreg [dreg:$0x0];
	s2 =	stileid.u32  }
0x60: {  	s1 =	rddreg [dreg:$0x1];
	p0 =	sne.s32 s2, $0x0  }
0x61: {  	s3 =	rddreg [dreg:$0x2];
	[bflag:$0x3] =	sbarrier.arrive $0xFFFF;
	s2 =	simm.s32 @!p0 $0x1C01  }
0x62: {  	[timem:s3], [sflag:s2] =	dma.local @!p0 [hbm:s0], s1  }
0x63: {  	s0 =	simm.s32 @!p0 $0x1  }
0x64: {  	_ =	swait.ge @!p0 [sflag:s0], s1  }
0x65: {  	s1 =	ssub.s32 @!p0 $0x0, s1;
	[sflag:s0] =	ssyncset.done @!p0 $0x0  }
0x66: {  	[sflag:s0] =	ssyncadd.s32 @!p0 s1  }
0x67: {  	[bflag:$0x3] =	sbarrier.arrive $0xFFFF  }
0x68: {  	_ =	shalt  }

// kernel: gather_offload_async_start.5
scs
__scs_entry_jumppad:
0x0: {  	(pc) =	sbr.rel $0x88, $3  }
0x1: {  	(tag) =	ssettag $0x0;
	lr =	simm.s32 $0x1  }
0x2: {  	[smem:$0x3F97] =	sst lr;
	_ =	strace $0xD0000000  }
0x3: {  	_ = 	snop  }
0x4: {  	_ = 	snop  }
0x5: {  	_ = 	snop  }
0x6: {  	_ = 	snop  }
0x7: {  	_ = 	snop  }
__scs_overlays_trampoline_lowered:
0x8: {  	[smem:$0x3FA6] =	sst s0  }
0x9: {  	[smem:$0x3FA7] =	sst s1  }
0xa: {  	[smem:$0x3FA8] =	sst s2  }
0xb: {  	[smem:$0x3FA9] =	sst s3  }
0xc: {  	[smem:$0x3FAA] =	sst s4  }
0xd: {  	[smem:$0x3FAB] =	sst s5  }
0xe: {  	[smem:$0x3FAC] =	sst s6  }
0xf: {  	[smem:$0x3FAD] =	sst s7  }
0x10: {  	[smem:$0x3FAE] =	sst s8  }
0x11: {  	[smem:$0x3FAF] =	sst s9;
	s0 =	simm.s32 @!p0 $0x0  }
0x12: {  	s1 =	sld [smem:$0x3F95];
	s0 =	simm.s32 @p0 $0x1  }
0x13: {  	[smem:$0x3FB0] =	sst s0;
	s0 =	simm.s32 @!p1 $0x0  }
0x14: {  	s2 =	sld [smem:$0x3F94];
	s0 =	simm.s32 @p1 $0x1  }
0x15: {  	[smem:$0x3FB1] =	sst s0;
	s0 =	simm.s32 @!p2 $0x0  }
0x16: {  	s3 =	sld [smem:$0x3FDB];
	s0 =	simm.s32 @p2 $0x1  }
0x17: {  	s4 =	simm.s32 $0x1BF5;
	[smem:$0x3FB3] =	sst s0  }
0x18: {  	s0 =	sld [smem:$0x3F96];
	_ =	swait.ge [sflag:s4], $0x0  }
0x19: {  	s7 =	sld [smem:$0x3F97]  }
0x1a: {  	s8 =	sadd.s32 $0xFFFFE003, lr  }
0x1b: {  	s9 =	sadd.s32 $0xFFFFFEF7, lr;
	s5 =	simm.s32 $0xFFFFFFFF;
	p2 =	slt.u32 s8, $0xFFFFF086  }
0x1c: {  	p1 =	slt.u32 s9, $0xF7A;
	s5 =	simm.s32 @!p2 $0x0  }
0x1d: {  	s5 =	simm.s32 @p1 $0x1;
	p0 =	seq.s32 s7, s2  }
0x1e: {  	s7 =	smul.u32 @!p0 $0xF7A, s2;
	p2 =	seq.s32 @!p0 s5, $0x0  }
0x1f: {  	s9 =	smul.u32 $0xF7A, s1;
	s8 =	simm.s32 @!p0 $0x1BF5;
	p2 =	por !p2, p0  }
0x20: {  	[sflag:s8] =	ssyncset.s32 @!p0 $0xFFFFF086;
	s6 =	sadd.s32 @!p0 s3, s7;
	s7 =	simm.s32 @!p0 $0x108  }
0x21: {  	s3 =	sadd.s32 s3, s9;
	s6 =	sadd.s32 @!p0 $0x88, s6;
	s7 =	simm.s32 @p2 $0x1082  }
0x22: {  	[simem:s7], [sflag:s8] =	dma.local @!p0 [hbm:s6], $0xF7A  }
0x23: {  	s9 =	sor.u32 $0xD0000000, s2;
	s6 =	simm.s32 $0x108;
	_ =	swait.ge @!p0 [sflag:s8], $0x0  }
0x24: {  	s3 =	sadd.s32 $0x88, s3;
	s6 =	simm.s32 @!p1 $0x1082;
	[sflag:s4] =	ssyncset.s32 $0xFFFFF086  }
0x25: {  	[simem:s6], [sflag:s4] =	dma.local [hbm:s3], $0xF7A  }
0x26: {  	[smem:$0x3F97] =	sst s1;
	(tag) =	ssettag s2;
	_ =	strace s9  }
0x27: {  	s1 =	sld [smem:$0x3FA7]  }
0x28: {  	s2 =	sld [smem:$0x3FA8]  }
0x29: {  	s4 =	sld [smem:$0x3FAA]  }
0x2a: {  	p0 =	seq.s32 s5, $0x0;
	s5 =	sld [smem:$0x3FAB]  }
0x2b: {  	s6 =	sld [smem:$0x3FAC]  }
0x2c: {  	s7 =	sld [smem:$0x3FAD]  }
0x2d: {  	s3 =	simm.s32 $0x108;
	s8 =	sld [smem:$0x3FAE]  }
0x2e: {  	s3 =	simm.s32 @!p0 $0x1082;
	s9 =	sld [smem:$0x3FAF]  }
0x2f: {  	lr =	sadd.s32 s0, s3;
	s0 =	sld [smem:$0x3FA6]  }
0x30: {  	s3 =	sld [smem:$0x3FA9]  }
0x31: {  	[smem:$0x3FB2] =	sst s10  }
0x32: {  	s10 =	sld [smem:$0x3FB0];
	_ =	sdelay $0x3  }
0x33: {  	p0 =	seq.s32 s10, $0x1;
	s10 =	sld [smem:$0x3FB2];
	_ =	sdelay $0x3  }
0x34: {  	[smem:$0x3FB2] =	sst s10  }
0x35: {  	s10 =	sld [smem:$0x3FB1];
	_ =	sdelay $0x3  }
0x36: {  	p1 =	seq.s32 s10, $0x1;
	s10 =	sld [smem:$0x3FB2];
	_ =	sdelay $0x3  }
0x37: {  	[smem:$0x3FB2] =	sst s10  }
0x38: {  	s10 =	sld [smem:$0x3FB3]  }
0x39: {  	_ = 	snop;
	(pc) =	sbr.ind lr, $3  }
0x3a: {  	_ = 	snop  }
0x3b: {  	_ = 	snop  }
0x3c: {  	p2 =	seq.s32 s10, $0x1;
	s10 =	sld [smem:$0x3FB2]  }
0x3d: {  	_ =	shalt  }
0x3e: {  	_ =	shalt  }
0x3f: {  	_ =	shalt  }
0x40: {  	_ =	shalt  }
0x41: {  	_ =	shalt  }
0x42: {  	_ =	shalt  }
0x43: {  	_ =	shalt  }
0x44: {  	_ =	shalt  }
0x45: {  	_ =	shalt  }
0x46: {  	_ =	shalt  }
0x47: {  	_ =	shalt  }
0x48: {  	_ =	shalt  }
0x49: {  	_ =	shalt  }
0x4a: {  	_ =	shalt  }
0x4b: {  	_ =	shalt  }
0x4c: {  	_ =	shalt  }
0x4d: {  	_ =	shalt  }
0x4e: {  	_ =	shalt  }
0x4f: {  	_ =	shalt  }
0x50: {  	_ =	shalt  }
0x51: {  	_ =	shalt  }
0x52: {  	_ =	shalt  }
0x53: {  	_ =	shalt  }
0x54: {  	_ =	shalt  }
0x55: {  	_ =	shalt  }
0x56: {  	_ =	shalt  }
0x57: {  	_ =	shalt  }
0x58: {  	_ =	shalt  }
0x59: {  	_ =	shalt  }
0x5a: {  	_ =	shalt  }
0x5b: {  	_ =	shalt  }
0x5c: {  	_ =	shalt  }
0x5d: {  	_ =	shalt  }
0x5e: {  	_ =	shalt  }
0x5f: {  	_ =	shalt  }
0x60: {  	_ =	shalt  }
0x61: {  	_ =	shalt  }
0x62: {  	_ =	shalt  }
0x63: {  	_ =	shalt  }
0x64: {  	_ =	shalt  }
0x65: {  	_ =	shalt  }
0x66: {  	_ =	shalt  }
0x67: {  	_ =	shalt  }
0x68: {  	_ =	shalt  }
0x69: {  	_ =	shalt  }
0x6a: {  	_ =	shalt  }
0x6b: {  	_ =	shalt  }
0x6c: {  	_ =	shalt  }
0x6d: {  	_ =	shalt  }
0x6e: {  	_ =	shalt  }
0x6f: {  	_ =	shalt  }
0x70: {  	_ =	shalt  }
0x71: {  	_ =	shalt  }
0x72: {  	_ =	shalt  }
0x73: {  	_ =	shalt  }
0x74: {  	_ =	shalt  }
0x75: {  	_ =	shalt  }
0x76: {  	_ =	shalt  }
0x77: {  	_ =	shalt  }
0x78: {  	_ =	shalt  }
0x79: {  	_ =	shalt  }
0x7a: {  	_ =	shalt  }
0x7b: {  	_ =	shalt  }
0x7c: {  	_ =	shalt  }
0x7d: {  	_ =	shalt  }
0x7e: {  	_ =	shalt  }
0x7f: {  	_ =	shalt  }
0x80: {  	_ =	shalt  }
0x81: {  	_ =	shalt  }
0x82: {  	_ =	shalt  }
0x83: {  	_ =	shalt  }
0x84: {  	_ =	shalt  }
0x85: {  	_ =	shalt  }
0x86: {  	_ =	shalt  }
0x87: {  	_ =	shalt  }
.Lfunc_end0:
.L_simem_size_0:
called_computation.7_lowered:
.L_overlay_start_0:
0x88: {  	s0 =	sld [smem:$0x3FD9]  }
0x89: {  	s1 =	sld [smem:$0x3FFE];
	_ =	sdelay $0x3  }
0x8a: {  	s0 =	sadd.s32 s1, s0  }
0x8b: {  	[smem:$0x3FBE] =	sst s0  }
0x8c: {  	_ = 	snop  }
0x8d: {  	(tm) =	ssettm $0x1  }
0x8e: {  	s15 =	sld [smem:$0x3FFB];
	_ =	sdelay $0x3  }
0x8f: {  	_ =	strace s15  }
0x90: {  	s0 =	sld [smem:$0x3FFC];
	_ =	sdelay $0x3  }
0x91: {  	_ =	strace s0  }
0x92: {  	s0 =	sld [smem:$0x3FFD];
	_ =	sdelay $0x3  }
0x93: {  	_ =	strace s0  }
0x94: {  	_ =	strace $0x8FFFFFFF  }
0x95: {  	s16 =	sld [smem:$0x3FDB];
	_ =	sdelay $0x1  }
0x96: {  	s17 =	simm.s32 $_scs_section_size  }
0x97: {  	s2 =	simm.s32 $_size__tile_overlayer_lowered;
	s3 =	simm.s32 $_tile_overlayer_lowered  }
0x98: {  	s20 =	simm.s32 $0x1BFF;
	s19 =	sshll.u32 s3, $0x1;
	s0 =	sadd.s32 s17, s16  }
0x99: {  	s4 =	simm.s32 $0x0;
	s18 =	sshll.u32 s2, $0x1;
	s2 =	sadd.s32 s19, s0  }
0x9a: {  	[timem:s4], [sflag:s20] =	dma.local [hbm:s2], s18  }
0x9b: {  	_ =	swait.ge [sflag:s20], s18  }
0x9c: {  	s1 =	ssub.s32 $0x0, s18;
	[sflag:s20] =	ssyncset.done $0x0  }
0x9d: {  	[sflag:s20] =	ssyncadd.s32 s1;
	_ =	sdelay $0x1  }
0x9e: {  	s21 =	simm.s32 $0x1B8B  }
0x9f: {  	_ =	swait.ge [sflag:s21], $0x1  }
0xa0: {  	[sflag:s21] =	ssyncset.done $0x0  }
0xa1: {  	s23 =	simm.s32 $0x1B8E;
	s22 =	sld [smem:$0x3FFE];
	[sflag:s21] =	ssyncadd.s32 $0xFFFFFFFF  }
0xa2: {  	s24 =	simm.s32 $execute0_lowered;
	[smem:$0x3FD2] =	sst s23  }
0xa3: {  	s2 =	sshll.u32 s24, $0x1;
	_ =	strace $0x8000005B;
	[dreg:$0x1] =	wrdreg $0xFFFFFFFF  }
0xa4: {  	s25 =	simm.s32 $_size_execute0_lowered;
	s0 =	sadd.s32 s0, s2;
	[dreg:$0x0] =	wrdreg $0x0  }
0xa5: {  	s2 =	sshll.u32 s25, $0x1;
	[dreg:$0x2] =	wrdreg s0  }
0xa6: {  	[dreg:$0x3] =	wrdreg s2  }
0xa7: {  	[dreg:$0x4] =	wrdreg $0xC0  }
0xa8: {  	_ =	task [dreg:s4], $0x5FFFF  }
0xa9: {  	[dreg:$0x1] =	wrdreg $0xFFFFFFFF  }
0xaa: {  	[dreg:$0x0] =	wrdreg $0x60  }
0xab: {  	[dreg:$0x2] =	wrdreg s22  }
0xac: {  	[dreg:$0x3] =	wrdreg $0x9  }
0xad: {  	_ =	task.clear_ibuf [dreg:s4], $0x4FFFF;
	_ =	strace $0x9000005B  }
0xae: {  	s26 =	simm.s32 $0x9;
	_ =	strace $0x8000005D  }
0xaf: {  	_ =	swait.ge [sflag:s26], $0x1  }
0xb0: {  	[sflag:s26] =	ssyncadd.s32 $0xFFFFFFFF  }
0xb1: {  	_ =	strace $0x9000005D  }
0xb2: {  	_ =	sfence  }
0xb3: {  	s28 =	sld [smem:$0x0];
	_ =	sdelay $0x1  }
0xb4: {  	s29 =	srdreg.scid  }
0xb5: {  	s30 =	sshll.u32 s29, $0xD;
	s31 =	sshrl.u32 s29, $0x2  }
0xb6: {  	s1 =	sand.u32 $0x1, s29;
	s2 =	sand.u32 $0x4000, s30;
	s0 =	sadd.s32 s31, s28  }
0xb7: {  	s1 =	sor.u32 s2, s1;
	s0 =	sshll.u32 s0, $0x11  }
0xb8: {  	s0 =	sor.u32 s0, s1  }
0xb9: {  	s0 =	sadd.s32 $0x8F2B, s0  }
0xba: {  	[sflag:s0] =	ssyncadd.remote.s32 $0x1  }
0xbb: {  	_ =	sfence.sel $0xFFFF  }
0xbc: {  	[dreg:$0x0] =	wrdreg $0xFFFFFFFF;
	(pc) =	sbr.abs _section_cstart, $3  }
0xbd: {  	[dreg:$0x1] =	wrdreg $0xFFFFFFFF  }
0xbe: {  	_ =	task.clear_ibuf [dreg:s4], $0x2FFFF;
	_ =	strace $0x9FFFFFFF  }
0xbf: {  	(tm) =	ssettm $0x7FFFFFFF  }
tec
execute0_lowered:
.L_overlay_start_1:
0x0: {  	(tag) =	ssettag $0x1  }
0x1: {  	s8 =	rddreg [dreg:$0x0]  }
0x2: {  	s0 =	rddreg [dreg:$0x1];
	_ =	strace $0x8000005C  }
0x3: {  	s1 =	stileid.u32;
	s5 =	simm.s32 $0x1;
	s6 =	simm.s32 $0x500  }
0x4: {  	s9 =	simm.s32 $0x1;
	s10 =	simm.s32 $0x3;
	s13 =	simm.s32 $0x0  }
0x5: {  	s12 =	simm.s32 $0x0;
	s2 =	sadd.s32 $0x2C2E00, s8;
	s4 =	smul.u32 $0x50, s1  }
0x6: {  	s3 =	sadd.s32 $0x2C6600, s8;
	p0 =	slt.u32 s1, $0xA;
	[sflag:s5] =	ssyncpa.u1 $0x0  }
.Ltmp0:
0x7: {  	s6 =	simm.s32 @!p0 $0x0;
	s7 =	ssub.s32 $0x7D0, s4;
	(pc) =	sbr.rel .LBB2_1-.Ltmp0, $4  }
0x8: {  	s9 =	simm.s32 @!p0 $0x0;
	p0 =	sne.s32 s7, s6;
	s7 =	simm.s32 $0x1  }
0x9: {  	s8 =	sadd.s32 $0x2C6800, s8;
	s6 =	simm.s32 $0x2;
	s7 =	simm.s32 @!p0 $0x0  }
0xa: {  	s11 =	smov.u32 s4;
	[sflag:s6] =	ssyncpa.u1 $0x0;
	s7 =	sadd.s32 s9, s7  }
0xb: {  	vm0 =	vmmov $0xffff;
	[sflag:s10] =	ssyncpa.u1 $0x0;
	s10 =	simm.s32 $0x0;
	s9 =	sadd.s32 $0x1, s7  }
.LBB2_4:
0xc: {  	v2 =	vnsel vm1, $0x0, v2  }
0xd: {  	vm1 =	vgt.s32 v0, $0x0;
	v2 =	vmin.u32 v2, $0x15F8F  }
0xe: {  	v0 =	vnsel vm1, $0x0, v0  }
0xf: {  	v0 =	vmin.u32 v0, $0x15F8F  }
0x10: {  	[tilespmem:s18], [sflag:$0x1] =	stream.indirect_vreg.gather [hbm4b:s2+s10], $0x1, v1, vm0, $0x4038;
	[tilespmem:$0x140] =	vst v63  }
0x11: {  	(ifvalue) =	ssetifvalue $0x7FFFFFFF  }
0x12: {  	[tilespmem:s15], [sflag:$0x1] =	stream.indirect_vreg.gather [hbm4b:s2+s10], $0x1, v2, vm0, $0x4038;
	[tilespmem:$0x140] =	vst v63  }
0x13: {  	s29 =	sadd.s32 $0x10, s15;
	(ifvalue) =	ssetifvalue $0x7FFFFFFF  }
0x14: {  	[tilespmem:s29], [sflag:$0x1] =	stream.indirect_vreg.gather [hbm4b:s2+s10], $0x1, v0, vm0, $0x4038;
	[tilespmem:$0x140] =	vst v63  }
0x15: {  	_ =	swait.ge [sflag:s5], $0x50  }
0x16: {  	s30 =	sshrl.u32 s13, $0x3;
	[sflag:s5] =	ssyncset.done $0x0  }
0x17: {  	s31 =	sand.u32 $0x7, s13;
	s15 =	sadd.s32 s8, s30;
	[sflag:s5] =	ssyncadd.s32 $0xFFFFFFB0  }
0x18: {  	[hbm4b:s15+s31] =	stream.linear.scatter [tilespmem:s14], [sflag:$0x3], $0x50, $0x38;
	[tilespmem:$0x140] =	vst v63  }
.LBB2_5:
0x19: {  	s15 =	sadd.s32 $0x500, s11  }
0x1a: {  	p1 =	sgt.s32 s15, $0x7CF  }
0x1b: {  	s15 =	smov.u32 @p1 s4;
	p1 =	sne.s32 s12, s9  }
.Ltmp1:
0x1c: {  	p0 =	slt.u32 s12, $0x2;
	(pc) =	sbr.rel @!p1 .LBB2_6-.Ltmp1, $4  }
0x1d: {  	s14 =	simm.s32 @!p0 $0x3  }
0x1e: {  	_ =	swait.ge @!p0 [sflag:s14], $0x50  }
0x1f: {  	s16 =	sadd.s32 $0x1, s12;
	s13 =	smov.u32 s11;
	[sflag:s14] =	ssyncset.done @!p0 $0x0  }
0x20: {  	s12 =	smov.u32 s16;
	s11 =	smov.u32 s15;
	[sflag:s14] =	ssyncadd.s32 @!p0 $0xFFFFFFB0  }
.LBB2_1:
0x21: {  	p0 =	sge.u32 s12, s7  }
0x22: {  	s14 =	sxor.u32 @!p0 $0x1, s12  }
0x23: {  	s14 =	smul.u32 @!p0 $0x140, s14  }
0x24: {  	s31 =	sadd.s32 $0xFFFFFFFF, s12;
	s15 =	sshrl.u32 @!p0 s11, $0x3  }
0x25: {  	s16 =	sand.u32 @!p0 $0x7, s11;
	s15 =	sadd.s32 @!p0 s3, s15;
	s14 =	sshra.s32 @!p0 s14, $0x2  }
0x26: {  	[tilespmem:s14], [sflag:$0x2] =	stream.linear.gather @!p0 [hbm4b:s15+s16], $0x50, $0x38;
	[tilespmem:$0x140] =	vst v63  }
0x27: {  	p0 =	sge.u32 s31, s7  }
.Ltmp2:
0x28: {  	_ = 	snop;
	(pc) =	sbr.rel @p0 .LBB2_5-.Ltmp2, $1  }
0x29: {  	_ =	sdelay $0x3  }
0x2a: {  	s14 =	sand.u32 $0x1, s12  }
0x2b: {  	_ =	swait.ge [sflag:s6], $0x50;
	p0 =	seq.s32 s14, $0x1;
	s14 =	simm.s32 $0x50  }
0x2c: {  	[sflag:s6] =	ssyncset.done $0x0;
	s14 =	simm.s32 @!p0 $0x0  }
0x2d: {  	[sflag:s6] =	ssyncadd.s32 $0xFFFFFFB0;
	(ifvalue) =	ssetifvalue $0x7FFFFFFF;
	v0 =	vld.msk [tilespmem:s14+$0x0 ss:$0x1], $0xffff;
	_ =	sdelay $0x4  }
0x2e: {  	s15 =	sadd.s32 $0x10, s14;
	vm1 =	vgt.s32 v0, $0x0  }
0x2f: {  	v2 =	vld.msk [tilespmem:s15+$0x0 ss:$0x1], $0xffff;
	v1 =	vnsel vm1, $0x0, v0  }
0x30: {  	v1 =	vmin.u32 v1, $0x15F8F;
	_ =	sdelay $0x2  }
0x31: {  	s17 =	simm.s32 $0x20;
	s14 =	sor.u32 $0xA0, s14;
	s16 =	sadd.s32 $0x10, s15  }
0x32: {  	s15 =	sadd.s32 $0x10, s14;
	s18 =	smov.u32 s14;
	v0 =	vld.msk [tilespmem:s16+$0x0 ss:$0x1], $0xffff;
	vm1 =	vgt.s32 v2, $0x0;
	(ifvalue) =	ssetifvalue $0x7FFFFFFF  }
.LBB2_3:
0x33: {  	[tilespmem:s18], [sflag:$0x1] =	stream.indirect_vreg.gather [hbm4b:s2+s10], $0x1, v1, vm0, $0x4038;
	[tilespmem:$0x140] =	vst v63  }
0x34: {  	s17 =	sadd.s32 $0x10, s17  }
0x35: {  	v2 =	vnsel vm1, $0x0, v2;
	p0 =	slt.u32 s17, $0x40  }
.Ltmp3:
0x36: {  	s18 =	smov.u32 s15;
	v1 =	vmin.u32 v2, $0x15F8F;
	(pc) =	sbr.rel @p0 .LBB2_3-.Ltmp3, $3  }
0x37: {  	_ =	sdelay $0x1  }
0x38: {  	s16 =	sadd.s32 $0x10, s16  }
0x39: {  	vm1 =	vgt.s32 v0, $0x0;
	s15 =	sadd.s32 $0x10, s15;
	v2 =	vmov v0;
	(ifvalue) =	ssetifvalue $0x7FFFFFFF;
	v0 =	vld.msk [tilespmem:s16+$0x0 ss:$0x1], $0xffff  }
.Ltmp4:
0x3a: {  	_ = 	snop;
	(pc) =	sbr.rel .LBB2_4-.Ltmp4, $1  }
0x3b: {  	_ =	sdelay $0x3  }
.LBB2_6:
0x3c: {  	_ =	sfence.sel $0x180000  }
0x3d: {  	s2 =	simm.s32 $0x2;
	[bflag:$0x0] =	sbarrier.arrive $0xFFFF  }
0x3e: {  	s30 =	simm.s32 $0x3;
	[sflag:s2] =	ssyncpa.u1 $0x1  }
0x3f: {  	s31 =	simm.s32 $0x1;
	[sflag:s30] =	ssyncpa.u1 $0x1  }
0x40: {  	[sflag:s31] =	ssyncpa.u1 $0x1  }
0x41: {  	p0 =	sne.s32 s1, $0x0;
	_ =	strace $0x9000005C  }
0x42: {  	s0 =	sadd.s32 @!p0 $0x100000, s0;
	[bflag:$0x2] =	sbarrier.arrive $0xFFFF  }
0x43: {  	[sflag:s0] =	ssyncadd.tile.s32 @!p0 $0x1;
	_ =	shalt  }
.Lfunc_end2:
_tile_overlayer_lowered:
.L_overlay_start_2:
0x44: {  	(tag) =	ssettag $0x2  }
0x45: {  	s0 =	rddreg [dreg:$0x0];
	s2 =	stileid.u32  }
0x46: {  	s1 =	rddreg [dreg:$0x1];
	p0 =	sne.s32 s2, $0x0  }
0x47: {  	s3 =	rddreg [dreg:$0x2];
	[bflag:$0x3] =	sbarrier.arrive $0xFFFF;
	s2 =	simm.s32 @!p0 $0x1C01  }
0x48: {  	[timem:s3], [sflag:s2] =	dma.local @!p0 [hbm:s0], s1  }
0x49: {  	s0 =	simm.s32 @!p0 $0x1  }
0x4a: {  	_ =	swait.ge @!p0 [sflag:s0], s1  }
0x4b: {  	s1 =	ssub.s32 @!p0 $0x0, s1;
	[sflag:s0] =	ssyncset.done @!p0 $0x0  }
0x4c: {  	[sflag:s0] =	ssyncadd.s32 @!p0 s1  }
0x4d: {  	[bflag:$0x3] =	sbarrier.arrive $0xFFFF  }
0x4e: {  	_ =	shalt  }

// kernel: gather_offload_async_start.6
scs
__scs_entry_jumppad:
0x0: {  	(pc) =	sbr.rel $0x88, $3  }
0x1: {  	(tag) =	ssettag $0x0;
	lr =	simm.s32 $0x1  }
0x2: {  	[smem:$0x3F97] =	sst lr;
	_ =	strace $0xD0000000  }
0x3: {  	_ = 	snop  }
0x4: {  	_ = 	snop  }
0x5: {  	_ = 	snop  }
0x6: {  	_ = 	snop  }
0x7: {  	_ = 	snop  }
__scs_overlays_trampoline_lowered:
0x8: {  	[smem:$0x3FA6] =	sst s0  }
0x9: {  	[smem:$0x3FA7] =	sst s1  }
0xa: {  	[smem:$0x3FA8] =	sst s2  }
0xb: {  	[smem:$0x3FA9] =	sst s3  }
0xc: {  	[smem:$0x3FAA] =	sst s4  }
0xd: {  	[smem:$0x3FAB] =	sst s5  }
0xe: {  	[smem:$0x3FAC] =	sst s6  }
0xf: {  	[smem:$0x3FAD] =	sst s7  }
0x10: {  	[smem:$0x3FAE] =	sst s8  }
0x11: {  	[smem:$0x3FAF] =	sst s9;
	s0 =	simm.s32 @!p0 $0x0  }
0x12: {  	s1 =	sld [smem:$0x3F95];
	s0 =	simm.s32 @p0 $0x1  }
0x13: {  	[smem:$0x3FB0] =	sst s0;
	s0 =	simm.s32 @!p1 $0x0  }
0x14: {  	s2 =	sld [smem:$0x3F94];
	s0 =	simm.s32 @p1 $0x1  }
0x15: {  	[smem:$0x3FB1] =	sst s0;
	s0 =	simm.s32 @!p2 $0x0  }
0x16: {  	s3 =	sld [smem:$0x3FDB];
	s0 =	simm.s32 @p2 $0x1  }
0x17: {  	s4 =	simm.s32 $0x1BF5;
	[smem:$0x3FB3] =	sst s0  }
0x18: {  	s0 =	sld [smem:$0x3F96];
	_ =	swait.ge [sflag:s4], $0x0  }
0x19: {  	s7 =	sld [smem:$0x3F97]  }
0x1a: {  	s8 =	sadd.s32 $0xFFFFE003, lr  }
0x1b: {  	s9 =	sadd.s32 $0xFFFFFEF7, lr;
	s5 =	simm.s32 $0xFFFFFFFF;
	p2 =	slt.u32 s8, $0xFFFFF086  }
0x1c: {  	p1 =	slt.u32 s9, $0xF7A;
	s5 =	simm.s32 @!p2 $0x0  }
0x1d: {  	s5 =	simm.s32 @p1 $0x1;
	p0 =	seq.s32 s7, s2  }
0x1e: {  	s7 =	smul.u32 @!p0 $0xF7A, s2;
	p2 =	seq.s32 @!p0 s5, $0x0  }
0x1f: {  	s9 =	smul.u32 $0xF7A, s1;
	s8 =	simm.s32 @!p0 $0x1BF5;
	p2 =	por !p2, p0  }
0x20: {  	[sflag:s8] =	ssyncset.s32 @!p0 $0xFFFFF086;
	s6 =	sadd.s32 @!p0 s3, s7;
	s7 =	simm.s32 @!p0 $0x108  }
0x21: {  	s3 =	sadd.s32 s3, s9;
	s6 =	sadd.s32 @!p0 $0x88, s6;
	s7 =	simm.s32 @p2 $0x1082  }
0x22: {  	[simem:s7], [sflag:s8] =	dma.local @!p0 [hbm:s6], $0xF7A  }
0x23: {  	s9 =	sor.u32 $0xD0000000, s2;
	s6 =	simm.s32 $0x108;
	_ =	swait.ge @!p0 [sflag:s8], $0x0  }
0x24: {  	s3 =	sadd.s32 $0x88, s3;
	s6 =	simm.s32 @!p1 $0x1082;
	[sflag:s4] =	ssyncset.s32 $0xFFFFF086  }
0x25: {  	[simem:s6], [sflag:s4] =	dma.local [hbm:s3], $0xF7A  }
0x26: {  	[smem:$0x3F97] =	sst s1;
	(tag) =	ssettag s2;
	_ =	strace s9  }
0x27: {  	s1 =	sld [smem:$0x3FA7]  }
0x28: {  	s2 =	sld [smem:$0x3FA8]  }
0x29: {  	s4 =	sld [smem:$0x3FAA]  }
0x2a: {  	p0 =	seq.s32 s5, $0x0;
	s5 =	sld [smem:$0x3FAB]  }
0x2b: {  	s6 =	sld [smem:$0x3FAC]  }
0x2c: {  	s7 =	sld [smem:$0x3FAD]  }
0x2d: {  	s3 =	simm.s32 $0x108;
	s8 =	sld [smem:$0x3FAE]  }
0x2e: {  	s3 =	simm.s32 @!p0 $0x1082;
	s9 =	sld [smem:$0x3FAF]  }
0x2f: {  	lr =	sadd.s32 s0, s3;
	s0 =	sld [smem:$0x3FA6]  }
0x30: {  	s3 =	sld [smem:$0x3FA9]  }
0x31: {  	[smem:$0x3FB2] =	sst s10  }
0x32: {  	s10 =	sld [smem:$0x3FB0];
	_ =	sdelay $0x3  }
0x33: {  	p0 =	seq.s32 s10, $0x1;
	s10 =	sld [smem:$0x3FB2];
	_ =	sdelay $0x3  }
0x34: {  	[smem:$0x3FB2] =	sst s10  }
0x35: {  	s10 =	sld [smem:$0x3FB1];
	_ =	sdelay $0x3  }
0x36: {  	p1 =	seq.s32 s10, $0x1;
	s10 =	sld [smem:$0x3FB2];
	_ =	sdelay $0x3  }
0x37: {  	[smem:$0x3FB2] =	sst s10  }
0x38: {  	s10 =	sld [smem:$0x3FB3]  }
0x39: {  	_ = 	snop;
	(pc) =	sbr.ind lr, $3  }
0x3a: {  	_ = 	snop  }
0x3b: {  	_ = 	snop  }
0x3c: {  	p2 =	seq.s32 s10, $0x1;
	s10 =	sld [smem:$0x3FB2]  }
0x3d: {  	_ =	shalt  }
0x3e: {  	_ =	shalt  }
0x3f: {  	_ =	shalt  }
0x40: {  	_ =	shalt  }
0x41: {  	_ =	shalt  }
0x42: {  	_ =	shalt  }
0x43: {  	_ =	shalt  }
0x44: {  	_ =	shalt  }
0x45: {  	_ =	shalt  }
0x46: {  	_ =	shalt  }
0x47: {  	_ =	shalt  }
0x48: {  	_ =	shalt  }
0x49: {  	_ =	shalt  }
0x4a: {  	_ =	shalt  }
0x4b: {  	_ =	shalt  }
0x4c: {  	_ =	shalt  }
0x4d: {  	_ =	shalt  }
0x4e: {  	_ =	shalt  }
0x4f: {  	_ =	shalt  }
0x50: {  	_ =	shalt  }
0x51: {  	_ =	shalt  }
0x52: {  	_ =	shalt  }
0x53: {  	_ =	shalt  }
0x54: {  	_ =	shalt  }
0x55: {  	_ =	shalt  }
0x56: {  	_ =	shalt  }
0x57: {  	_ =	shalt  }
0x58: {  	_ =	shalt  }
0x59: {  	_ =	shalt  }
0x5a: {  	_ =	shalt  }
0x5b: {  	_ =	shalt  }
0x5c: {  	_ =	shalt  }
0x5d: {  	_ =	shalt  }
0x5e: {  	_ =	shalt  }
0x5f: {  	_ =	shalt  }
0x60: {  	_ =	shalt  }
0x61: {  	_ =	shalt  }
0x62: {  	_ =	shalt  }
0x63: {  	_ =	shalt  }
0x64: {  	_ =	shalt  }
0x65: {  	_ =	shalt  }
0x66: {  	_ =	shalt  }
0x67: {  	_ =	shalt  }
0x68: {  	_ =	shalt  }
0x69: {  	_ =	shalt  }
0x6a: {  	_ =	shalt  }
0x6b: {  	_ =	shalt  }
0x6c: {  	_ =	shalt  }
0x6d: {  	_ =	shalt  }
0x6e: {  	_ =	shalt  }
0x6f: {  	_ =	shalt  }
0x70: {  	_ =	shalt  }
0x71: {  	_ =	shalt  }
0x72: {  	_ =	shalt  }
0x73: {  	_ =	shalt  }
0x74: {  	_ =	shalt  }
0x75: {  	_ =	shalt  }
0x76: {  	_ =	shalt  }
0x77: {  	_ =	shalt  }
0x78: {  	_ =	shalt  }
0x79: {  	_ =	shalt  }
0x7a: {  	_ =	shalt  }
0x7b: {  	_ =	shalt  }
0x7c: {  	_ =	shalt  }
0x7d: {  	_ =	shalt  }
0x7e: {  	_ =	shalt  }
0x7f: {  	_ =	shalt  }
0x80: {  	_ =	shalt  }
0x81: {  	_ =	shalt  }
0x82: {  	_ =	shalt  }
0x83: {  	_ =	shalt  }
0x84: {  	_ =	shalt  }
0x85: {  	_ =	shalt  }
0x86: {  	_ =	shalt  }
0x87: {  	_ =	shalt  }
.Lfunc_end0:
.L_simem_size_0:
called_computation.8_lowered:
.L_overlay_start_0:
0x88: {  	s0 =	sld [smem:$0x3FD9]  }
0x89: {  	s1 =	sld [smem:$0x3FFE];
	_ =	sdelay $0x3  }
0x8a: {  	s0 =	sadd.s32 s1, s0  }
0x8b: {  	[smem:$0x3FBE] =	sst s0  }
0x8c: {  	_ = 	snop  }
0x8d: {  	(tm) =	ssettm $0x1  }
0x8e: {  	s15 =	sld [smem:$0x3FFB];
	_ =	sdelay $0x3  }
0x8f: {  	_ =	strace s15  }
0x90: {  	s0 =	sld [smem:$0x3FFC];
	_ =	sdelay $0x3  }
0x91: {  	_ =	strace s0  }
0x92: {  	s0 =	sld [smem:$0x3FFD];
	_ =	sdelay $0x3  }
0x93: {  	_ =	strace s0  }
0x94: {  	_ =	strace $0x8FFFFFFF  }
0x95: {  	s16 =	sld [smem:$0x3FDB];
	_ =	sdelay $0x1  }
0x96: {  	s17 =	simm.s32 $_scs_section_size  }
0x97: {  	s2 =	simm.s32 $_size__tile_overlayer_lowered;
	s3 =	simm.s32 $_tile_overlayer_lowered  }
0x98: {  	s20 =	simm.s32 $0x1BFF;
	s19 =	sshll.u32 s3, $0x1;
	s0 =	sadd.s32 s17, s16  }
0x99: {  	s4 =	simm.s32 $0x0;
	s18 =	sshll.u32 s2, $0x1;
	s2 =	sadd.s32 s19, s0  }
0x9a: {  	[timem:s4], [sflag:s20] =	dma.local [hbm:s2], s18  }
0x9b: {  	_ =	swait.ge [sflag:s20], s18  }
0x9c: {  	s1 =	ssub.s32 $0x0, s18;
	[sflag:s20] =	ssyncset.done $0x0  }
0x9d: {  	[sflag:s20] =	ssyncadd.s32 s1;
	_ =	sdelay $0x1  }
0x9e: {  	s21 =	simm.s32 $0x1B8B  }
0x9f: {  	_ =	swait.ge [sflag:s21], $0x1  }
0xa0: {  	[sflag:s21] =	ssyncset.done $0x0  }
0xa1: {  	s23 =	simm.s32 $0x1B8E;
	s22 =	sld [smem:$0x3FFE];
	[sflag:s21] =	ssyncadd.s32 $0xFFFFFFFF  }
0xa2: {  	s24 =	simm.s32 $execute0_lowered;
	[smem:$0x3FD2] =	sst s23  }
0xa3: {  	s2 =	sshll.u32 s24, $0x1;
	_ =	strace $0x8000004F;
	[dreg:$0x1] =	wrdreg $0xFFFFFFFF  }
0xa4: {  	s25 =	simm.s32 $_size_execute0_lowered;
	s0 =	sadd.s32 s0, s2;
	[dreg:$0x0] =	wrdreg $0x0  }
0xa5: {  	s2 =	sshll.u32 s25, $0x1;
	[dreg:$0x2] =	wrdreg s0  }
0xa6: {  	[dreg:$0x3] =	wrdreg s2  }
0xa7: {  	[dreg:$0x4] =	wrdreg $0xC0  }
0xa8: {  	_ =	task [dreg:s4], $0x5FFFF  }
0xa9: {  	[dreg:$0x1] =	wrdreg $0xFFFFFFFF  }
0xaa: {  	[dreg:$0x0] =	wrdreg $0x60  }
0xab: {  	[dreg:$0x2] =	wrdreg s22  }
0xac: {  	[dreg:$0x3] =	wrdreg $0x9  }
0xad: {  	_ =	task.clear_ibuf [dreg:s4], $0x4FFFF;
	_ =	strace $0x9000004F  }
0xae: {  	s26 =	simm.s32 $0x9;
	_ =	strace $0x80000051  }
0xaf: {  	_ =	swait.ge [sflag:s26], $0x1  }
0xb0: {  	[sflag:s26] =	ssyncadd.s32 $0xFFFFFFFF  }
0xb1: {  	_ =	strace $0x90000051  }
0xb2: {  	_ =	sfence  }
0xb3: {  	s28 =	sld [smem:$0x0];
	_ =	sdelay $0x1  }
0xb4: {  	s29 =	srdreg.scid  }
0xb5: {  	s30 =	sshll.u32 s29, $0xD;
	s31 =	sshrl.u32 s29, $0x2  }
0xb6: {  	s1 =	sand.u32 $0x1, s29;
	s2 =	sand.u32 $0x4000, s30;
	s0 =	sadd.s32 s31, s28  }
0xb7: {  	s1 =	sor.u32 s2, s1;
	s0 =	sshll.u32 s0, $0x11  }
0xb8: {  	s0 =	sor.u32 s0, s1  }
0xb9: {  	s0 =	sadd.s32 $0x8F2B, s0  }
0xba: {  	[sflag:s0] =	ssyncadd.remote.s32 $0x1  }
0xbb: {  	_ =	sfence.sel $0xFFFF  }
0xbc: {  	[dreg:$0x0] =	wrdreg $0xFFFFFFFF;
	(pc) =	sbr.abs _section_cstart, $3  }
0xbd: {  	[dreg:$0x1] =	wrdreg $0xFFFFFFFF  }
0xbe: {  	_ =	task.clear_ibuf [dreg:s4], $0x2FFFF;
	_ =	strace $0x9FFFFFFF  }
0xbf: {  	(tm) =	ssettm $0x7FFFFFFF  }
tec
execute0_lowered:
.L_overlay_start_1:
0x0: {  	(tag) =	ssettag $0x1  }
0x1: {  	s8 =	rddreg [dreg:$0x0]  }
0x2: {  	s0 =	rddreg [dreg:$0x1];
	s1 =	stileid.u32  }
0x3: {  	_ =	strace $0x80000050;
	s5 =	simm.s32 $0x1;
	s6 =	simm.s32 $0x500  }
0x4: {  	s9 =	simm.s32 $0x1;
	s10 =	simm.s32 $0x3;
	s13 =	simm.s32 $0x0  }
0x5: {  	s12 =	simm.s32 $0x0;
	s2 =	sadd.s32 $0x60DE00, s8;
	s4 =	smul.u32 $0x50, s1  }
0x6: {  	s3 =	sadd.s32 $0x2C6600, s8;
	p0 =	slt.u32 s1, $0xA;
	[sflag:s5] =	ssyncpa.u1 $0x0  }
.Ltmp0:
0x7: {  	s6 =	simm.s32 @!p0 $0x0;
	s7 =	ssub.s32 $0x7D0, s4;
	(pc) =	sbr.rel .LBB2_1-.Ltmp0, $4  }
0x8: {  	s9 =	simm.s32 @!p0 $0x0;
	p0 =	sne.s32 s7, s6;
	s7 =	simm.s32 $0x1  }
0x9: {  	s8 =	sadd.s32 $0x2C6A00, s8;
	s6 =	simm.s32 $0x2;
	s7 =	simm.s32 @!p0 $0x0  }
0xa: {  	s11 =	smov.u32 s4;
	[sflag:s6] =	ssyncpa.u1 $0x0;
	s7 =	sadd.s32 s9, s7  }
0xb: {  	vm0 =	vmmov $0xffff;
	[sflag:s10] =	ssyncpa.u1 $0x0;
	s10 =	simm.s32 $0x0;
	s9 =	sadd.s32 $0x1, s7  }
.LBB2_4:
0xc: {  	v2 =	vnsel vm1, $0x0, v2  }
0xd: {  	vm1 =	vgt.s32 v0, $0x0;
	v2 =	vmin.u32 v2, $0x15F8F  }
0xe: {  	v0 =	vnsel vm1, $0x0, v0  }
0xf: {  	v0 =	vmin.u32 v0, $0x15F8F  }
0x10: {  	[tilespmem:s18], [sflag:$0x1] =	stream.indirect_vreg.gather [hbm4b:s2+s10], $0x1, v1, vm0, $0x4038;
	[tilespmem:$0x140] =	vst v63  }
0x11: {  	(ifvalue) =	ssetifvalue $0x7FFFFFFF  }
0x12: {  	[tilespmem:s15], [sflag:$0x1] =	stream.indirect_vreg.gather [hbm4b:s2+s10], $0x1, v2, vm0, $0x4038;
	[tilespmem:$0x140] =	vst v63  }
0x13: {  	s29 =	sadd.s32 $0x10, s15;
	(ifvalue) =	ssetifvalue $0x7FFFFFFF  }
0x14: {  	[tilespmem:s29], [sflag:$0x1] =	stream.indirect_vreg.gather [hbm4b:s2+s10], $0x1, v0, vm0, $0x4038;
	[tilespmem:$0x140] =	vst v63  }
0x15: {  	_ =	swait.ge [sflag:s5], $0x50  }
0x16: {  	s30 =	sshrl.u32 s13, $0x3;
	[sflag:s5] =	ssyncset.done $0x0  }
0x17: {  	s31 =	sand.u32 $0x7, s13;
	s15 =	sadd.s32 s8, s30;
	[sflag:s5] =	ssyncadd.s32 $0xFFFFFFB0  }
0x18: {  	[hbm4b:s15+s31] =	stream.linear.scatter [tilespmem:s14], [sflag:$0x3], $0x50, $0x38;
	[tilespmem:$0x140] =	vst v63  }
.LBB2_5:
0x19: {  	s15 =	sadd.s32 $0x500, s11  }
0x1a: {  	p1 =	sgt.s32 s15, $0x7CF  }
0x1b: {  	s15 =	smov.u32 @p1 s4;
	p1 =	sne.s32 s12, s9  }
.Ltmp1:
0x1c: {  	p0 =	slt.u32 s12, $0x2;
	(pc) =	sbr.rel @!p1 .LBB2_6-.Ltmp1, $4  }
0x1d: {  	s14 =	simm.s32 @!p0 $0x3  }
0x1e: {  	_ =	swait.ge @!p0 [sflag:s14], $0x50  }
0x1f: {  	s16 =	sadd.s32 $0x1, s12;
	s13 =	smov.u32 s11;
	[sflag:s14] =	ssyncset.done @!p0 $0x0  }
0x20: {  	s12 =	smov.u32 s16;
	s11 =	smov.u32 s15;
	[sflag:s14] =	ssyncadd.s32 @!p0 $0xFFFFFFB0  }
.LBB2_1:
0x21: {  	p0 =	sge.u32 s12, s7  }
0x22: {  	s14 =	sxor.u32 @!p0 $0x1, s12  }
0x23: {  	s14 =	smul.u32 @!p0 $0x140, s14  }
0x24: {  	s31 =	sadd.s32 $0xFFFFFFFF, s12;
	s15 =	sshrl.u32 @!p0 s11, $0x3  }
0x25: {  	s16 =	sand.u32 @!p0 $0x7, s11;
	s15 =	sadd.s32 @!p0 s3, s15;
	s14 =	sshra.s32 @!p0 s14, $0x2  }
0x26: {  	[tilespmem:s14], [sflag:$0x2] =	stream.linear.gather @!p0 [hbm4b:s15+s16], $0x50, $0x38;
	[tilespmem:$0x140] =	vst v63  }
0x27: {  	p0 =	sge.u32 s31, s7  }
.Ltmp2:
0x28: {  	_ = 	snop;
	(pc) =	sbr.rel @p0 .LBB2_5-.Ltmp2, $1  }
0x29: {  	_ =	sdelay $0x3  }
0x2a: {  	s14 =	sand.u32 $0x1, s12  }
0x2b: {  	_ =	swait.ge [sflag:s6], $0x50;
	p0 =	seq.s32 s14, $0x1;
	s14 =	simm.s32 $0x50  }
0x2c: {  	[sflag:s6] =	ssyncset.done $0x0;
	s14 =	simm.s32 @!p0 $0x0  }
0x2d: {  	[sflag:s6] =	ssyncadd.s32 $0xFFFFFFB0;
	(ifvalue) =	ssetifvalue $0x7FFFFFFF;
	v0 =	vld.msk [tilespmem:s14+$0x0 ss:$0x1], $0xffff;
	_ =	sdelay $0x4  }
0x2e: {  	s15 =	sadd.s32 $0x10, s14;
	vm1 =	vgt.s32 v0, $0x0  }
0x2f: {  	v2 =	vld.msk [tilespmem:s15+$0x0 ss:$0x1], $0xffff;
	v1 =	vnsel vm1, $0x0, v0  }
0x30: {  	v1 =	vmin.u32 v1, $0x15F8F;
	_ =	sdelay $0x2  }
0x31: {  	s17 =	simm.s32 $0x20;
	s14 =	sor.u32 $0xA0, s14;
	s16 =	sadd.s32 $0x10, s15  }
0x32: {  	s15 =	sadd.s32 $0x10, s14;
	s18 =	smov.u32 s14;
	v0 =	vld.msk [tilespmem:s16+$0x0 ss:$0x1], $0xffff;
	vm1 =	vgt.s32 v2, $0x0;
	(ifvalue) =	ssetifvalue $0x7FFFFFFF  }
.LBB2_3:
0x33: {  	[tilespmem:s18], [sflag:$0x1] =	stream.indirect_vreg.gather [hbm4b:s2+s10], $0x1, v1, vm0, $0x4038;
	[tilespmem:$0x140] =	vst v63  }
0x34: {  	s17 =	sadd.s32 $0x10, s17  }
0x35: {  	v2 =	vnsel vm1, $0x0, v2;
	p0 =	slt.u32 s17, $0x40  }
.Ltmp3:
0x36: {  	s18 =	smov.u32 s15;
	v1 =	vmin.u32 v2, $0x15F8F;
	(pc) =	sbr.rel @p0 .LBB2_3-.Ltmp3, $3  }
0x37: {  	_ =	sdelay $0x1  }
0x38: {  	s16 =	sadd.s32 $0x10, s16  }
0x39: {  	vm1 =	vgt.s32 v0, $0x0;
	s15 =	sadd.s32 $0x10, s15;
	v2 =	vmov v0;
	(ifvalue) =	ssetifvalue $0x7FFFFFFF;
	v0 =	vld.msk [tilespmem:s16+$0x0 ss:$0x1], $0xffff  }
.Ltmp4:
0x3a: {  	_ = 	snop;
	(pc) =	sbr.rel .LBB2_4-.Ltmp4, $1  }
0x3b: {  	_ =	sdelay $0x3  }
.LBB2_6:
0x3c: {  	_ =	sfence.sel $0x180000  }
0x3d: {  	s2 =	simm.s32 $0x2;
	[bflag:$0x0] =	sbarrier.arrive $0xFFFF  }
0x3e: {  	s30 =	simm.s32 $0x3;
	[sflag:s2] =	ssyncpa.u1 $0x1  }
0x3f: {  	s31 =	simm.s32 $0x1;
	[sflag:s30] =	ssyncpa.u1 $0x1  }
0x40: {  	[sflag:s31] =	ssyncpa.u1 $0x1  }
0x41: {  	p0 =	sne.s32 s1, $0x0;
	_ =	strace $0x90000050  }
0x42: {  	s0 =	sadd.s32 @!p0 $0x100000, s0;
	[bflag:$0x2] =	sbarrier.arrive $0xFFFF  }
0x43: {  	[sflag:s0] =	ssyncadd.tile.s32 @!p0 $0x1;
	_ =	shalt  }
.Lfunc_end2:
_tile_overlayer_lowered:
.L_overlay_start_2:
0x44: {  	(tag) =	ssettag $0x2  }
0x45: {  	s0 =	rddreg [dreg:$0x0];
	s2 =	stileid.u32  }
0x46: {  	s1 =	rddreg [dreg:$0x1];
	p0 =	sne.s32 s2, $0x0  }
0x47: {  	s3 =	rddreg [dreg:$0x2];
	[bflag:$0x3] =	sbarrier.arrive $0xFFFF;
	s2 =	simm.s32 @!p0 $0x1C01  }
0x48: {  	[timem:s3], [sflag:s2] =	dma.local @!p0 [hbm:s0], s1  }
0x49: {  	s0 =	simm.s32 @!p0 $0x1  }
0x4a: {  	_ =	swait.ge @!p0 [sflag:s0], s1  }
0x4b: {  	s1 =	ssub.s32 @!p0 $0x0, s1;
	[sflag:s0] =	ssyncset.done @!p0 $0x0  }
0x4c: {  	[sflag:s0] =	ssyncadd.s32 @!p0 s1  }
0x4d: {  	[bflag:$0x3] =	sbarrier.arrive $0xFFFF  }
0x4e: {  	_ =	shalt  }

// kernel: gather_offload_async_start.7
scs
__scs_entry_jumppad:
0x0: {  	(pc) =	sbr.rel $0x88, $3  }
0x1: {  	(tag) =	ssettag $0x0;
	lr =	simm.s32 $0x1  }
0x2: {  	[smem:$0x3F97] =	sst lr;
	_ =	strace $0xD0000000  }
0x3: {  	_ = 	snop  }
0x4: {  	_ = 	snop  }
0x5: {  	_ = 	snop  }
0x6: {  	_ = 	snop  }
0x7: {  	_ = 	snop  }
__scs_overlays_trampoline_lowered:
0x8: {  	[smem:$0x3FA6] =	sst s0  }
0x9: {  	[smem:$0x3FA7] =	sst s1  }
0xa: {  	[smem:$0x3FA8] =	sst s2  }
0xb: {  	[smem:$0x3FA9] =	sst s3  }
0xc: {  	[smem:$0x3FAA] =	sst s4  }
0xd: {  	[smem:$0x3FAB] =	sst s5  }
0xe: {  	[smem:$0x3FAC] =	sst s6  }
0xf: {  	[smem:$0x3FAD] =	sst s7  }
0x10: {  	[smem:$0x3FAE] =	sst s8  }
0x11: {  	[smem:$0x3FAF] =	sst s9;
	s0 =	simm.s32 @!p0 $0x0  }
0x12: {  	s1 =	sld [smem:$0x3F95];
	s0 =	simm.s32 @p0 $0x1  }
0x13: {  	[smem:$0x3FB0] =	sst s0;
	s0 =	simm.s32 @!p1 $0x0  }
0x14: {  	s2 =	sld [smem:$0x3F94];
	s0 =	simm.s32 @p1 $0x1  }
0x15: {  	[smem:$0x3FB1] =	sst s0;
	s0 =	simm.s32 @!p2 $0x0  }
0x16: {  	s3 =	sld [smem:$0x3FDB];
	s0 =	simm.s32 @p2 $0x1  }
0x17: {  	s4 =	simm.s32 $0x1BF5;
	[smem:$0x3FB3] =	sst s0  }
0x18: {  	s0 =	sld [smem:$0x3F96];
	_ =	swait.ge [sflag:s4], $0x0  }
0x19: {  	s7 =	sld [smem:$0x3F97]  }
0x1a: {  	s8 =	sadd.s32 $0xFFFFE003, lr  }
0x1b: {  	s9 =	sadd.s32 $0xFFFFFEF7, lr;
	s5 =	simm.s32 $0xFFFFFFFF;
	p2 =	slt.u32 s8, $0xFFFFF086  }
0x1c: {  	p1 =	slt.u32 s9, $0xF7A;
	s5 =	simm.s32 @!p2 $0x0  }
0x1d: {  	s5 =	simm.s32 @p1 $0x1;
	p0 =	seq.s32 s7, s2  }
0x1e: {  	s7 =	smul.u32 @!p0 $0xF7A, s2;
	p2 =	seq.s32 @!p0 s5, $0x0  }
0x1f: {  	s9 =	smul.u32 $0xF7A, s1;
	s8 =	simm.s32 @!p0 $0x1BF5;
	p2 =	por !p2, p0  }
0x20: {  	[sflag:s8] =	ssyncset.s32 @!p0 $0xFFFFF086;
	s6 =	sadd.s32 @!p0 s3, s7;
	s7 =	simm.s32 @!p0 $0x108  }
0x21: {  	s3 =	sadd.s32 s3, s9;
	s6 =	sadd.s32 @!p0 $0x88, s6;
	s7 =	simm.s32 @p2 $0x1082  }
0x22: {  	[simem:s7], [sflag:s8] =	dma.local @!p0 [hbm:s6], $0xF7A  }
0x23: {  	s9 =	sor.u32 $0xD0000000, s2;
	s6 =	simm.s32 $0x108;
	_ =	swait.ge @!p0 [sflag:s8], $0x0  }
0x24: {  	s3 =	sadd.s32 $0x88, s3;
	s6 =	simm.s32 @!p1 $0x1082;
	[sflag:s4] =	ssyncset.s32 $0xFFFFF086  }
0x25: {  	[simem:s6], [sflag:s4] =	dma.local [hbm:s3], $0xF7A  }
0x26: {  	[smem:$0x3F97] =	sst s1;
	(tag) =	ssettag s2;
	_ =	strace s9  }
0x27: {  	s1 =	sld [smem:$0x3FA7]  }
0x28: {  	s2 =	sld [smem:$0x3FA8]  }
0x29: {  	s4 =	sld [smem:$0x3FAA]  }
0x2a: {  	p0 =	seq.s32 s5, $0x0;
	s5 =	sld [smem:$0x3FAB]  }
0x2b: {  	s6 =	sld [smem:$0x3FAC]  }
0x2c: {  	s7 =	sld [smem:$0x3FAD]  }
0x2d: {  	s3 =	simm.s32 $0x108;
	s8 =	sld [smem:$0x3FAE]  }
0x2e: {  	s3 =	simm.s32 @!p0 $0x1082;
	s9 =	sld [smem:$0x3FAF]  }
0x2f: {  	lr =	sadd.s32 s0, s3;
	s0 =	sld [smem:$0x3FA6]  }
0x30: {  	s3 =	sld [smem:$0x3FA9]  }
0x31: {  	[smem:$0x3FB2] =	sst s10  }
0x32: {  	s10 =	sld [smem:$0x3FB0];
	_ =	sdelay $0x3  }
0x33: {  	p0 =	seq.s32 s10, $0x1;
	s10 =	sld [smem:$0x3FB2];
	_ =	sdelay $0x3  }
0x34: {  	[smem:$0x3FB2] =	sst s10  }
0x35: {  	s10 =	sld [smem:$0x3FB1];
	_ =	sdelay $0x3  }
0x36: {  	p1 =	seq.s32 s10, $0x1;
	s10 =	sld [smem:$0x3FB2];
	_ =	sdelay $0x3  }
0x37: {  	[smem:$0x3FB2] =	sst s10  }
0x38: {  	s10 =	sld [smem:$0x3FB3]  }
0x39: {  	_ = 	snop;
	(pc) =	sbr.ind lr, $3  }
0x3a: {  	_ = 	snop  }
0x3b: {  	_ = 	snop  }
0x3c: {  	p2 =	seq.s32 s10, $0x1;
	s10 =	sld [smem:$0x3FB2]  }
0x3d: {  	_ =	shalt  }
0x3e: {  	_ =	shalt  }
0x3f: {  	_ =	shalt  }
0x40: {  	_ =	shalt  }
0x41: {  	_ =	shalt  }
0x42: {  	_ =	shalt  }
0x43: {  	_ =	shalt  }
0x44: {  	_ =	shalt  }
0x45: {  	_ =	shalt  }
0x46: {  	_ =	shalt  }
0x47: {  	_ =	shalt  }
0x48: {  	_ =	shalt  }
0x49: {  	_ =	shalt  }
0x4a: {  	_ =	shalt  }
0x4b: {  	_ =	shalt  }
0x4c: {  	_ =	shalt  }
0x4d: {  	_ =	shalt  }
0x4e: {  	_ =	shalt  }
0x4f: {  	_ =	shalt  }
0x50: {  	_ =	shalt  }
0x51: {  	_ =	shalt  }
0x52: {  	_ =	shalt  }
0x53: {  	_ =	shalt  }
0x54: {  	_ =	shalt  }
0x55: {  	_ =	shalt  }
0x56: {  	_ =	shalt  }
0x57: {  	_ =	shalt  }
0x58: {  	_ =	shalt  }
0x59: {  	_ =	shalt  }
0x5a: {  	_ =	shalt  }
0x5b: {  	_ =	shalt  }
0x5c: {  	_ =	shalt  }
0x5d: {  	_ =	shalt  }
0x5e: {  	_ =	shalt  }
0x5f: {  	_ =	shalt  }
0x60: {  	_ =	shalt  }
0x61: {  	_ =	shalt  }
0x62: {  	_ =	shalt  }
0x63: {  	_ =	shalt  }
0x64: {  	_ =	shalt  }
0x65: {  	_ =	shalt  }
0x66: {  	_ =	shalt  }
0x67: {  	_ =	shalt  }
0x68: {  	_ =	shalt  }
0x69: {  	_ =	shalt  }
0x6a: {  	_ =	shalt  }
0x6b: {  	_ =	shalt  }
0x6c: {  	_ =	shalt  }
0x6d: {  	_ =	shalt  }
0x6e: {  	_ =	shalt  }
0x6f: {  	_ =	shalt  }
0x70: {  	_ =	shalt  }
0x71: {  	_ =	shalt  }
0x72: {  	_ =	shalt  }
0x73: {  	_ =	shalt  }
0x74: {  	_ =	shalt  }
0x75: {  	_ =	shalt  }
0x76: {  	_ =	shalt  }
0x77: {  	_ =	shalt  }
0x78: {  	_ =	shalt  }
0x79: {  	_ =	shalt  }
0x7a: {  	_ =	shalt  }
0x7b: {  	_ =	shalt  }
0x7c: {  	_ =	shalt  }
0x7d: {  	_ =	shalt  }
0x7e: {  	_ =	shalt  }
0x7f: {  	_ =	shalt  }
0x80: {  	_ =	shalt  }
0x81: {  	_ =	shalt  }
0x82: {  	_ =	shalt  }
0x83: {  	_ =	shalt  }
0x84: {  	_ =	shalt  }
0x85: {  	_ =	shalt  }
0x86: {  	_ =	shalt  }
0x87: {  	_ =	shalt  }
.Lfunc_end0:
.L_simem_size_0:
called_computation.9_lowered:
.L_overlay_start_0:
0x88: {  	s0 =	sld [smem:$0x3FD9]  }
0x89: {  	s1 =	sld [smem:$0x3FFE];
	_ =	sdelay $0x3  }
0x8a: {  	s0 =	sadd.s32 s1, s0  }
0x8b: {  	[smem:$0x3FBE] =	sst s0  }
0x8c: {  	_ = 	snop  }
0x8d: {  	s0 =	sld [smem:$0x3FD0];
	(tm) =	ssettm $0x1  }
0x8e: {  	s16 =	sld [smem:$0x3FFB];
	_ =	sdelay $0x3  }
0x8f: {  	_ =	strace s16  }
0x90: {  	s1 =	sld [smem:$0x3FFC];
	_ =	sdelay $0x3  }
0x91: {  	_ =	strace s1  }
0x92: {  	s1 =	sld [smem:$0x3FFD];
	_ =	sdelay $0x3  }
0x93: {  	_ =	strace s1  }
0x94: {  	_ =	strace $0x8FFFFFFF  }
0x95: {  	s17 =	sld [smem:$0x3FDB];
	_ =	sdelay $0x1  }
0x96: {  	s2 =	simm.s32 $_scs_section_size  }
0x97: {  	s3 =	simm.s32 $_size__tile_overlayer_lowered;
	s4 =	simm.s32 $_tile_overlayer_lowered  }
0x98: {  	s20 =	simm.s32 $0x1BFF;
	s19 =	sshll.u32 s4, $0x1;
	s1 =	sadd.s32 s2, s17  }
0x99: {  	s5 =	simm.s32 $0x0;
	s18 =	sshll.u32 s3, $0x1;
	s3 =	sadd.s32 s19, s1  }
0x9a: {  	[timem:s5], [sflag:s20] =	dma.local [hbm:s3], s18  }
0x9b: {  	_ =	swait.ge [sflag:s20], s18  }
0x9c: {  	s2 =	ssub.s32 $0x0, s18;
	[sflag:s20] =	ssyncset.done $0x0  }
0x9d: {  	[sflag:s20] =	ssyncadd.s32 s2;
	_ =	sdelay $0x1  }
0x9e: {  	s21 =	simm.s32 $0x1B8B  }
0x9f: {  	_ =	swait.ge [sflag:s21], $0x1  }
0xa0: {  	[sflag:s21] =	ssyncset.done $0x0  }
0xa1: {  	s23 =	simm.s32 $0x1B8E;
	s22 =	sld [smem:$0x3FFE];
	[sflag:s21] =	ssyncadd.s32 $0xFFFFFFFF  }
0xa2: {  	s24 =	simm.s32 $execute0_lowered;
	[smem:$0x3FD2] =	sst s23  }
0xa3: {  	s3 =	sshll.u32 s24, $0x1;
	_ =	strace $0x80000055;
	[dreg:$0x1] =	wrdreg $0xFFFFFFFF  }
0xa4: {  	s25 =	simm.s32 $_size_execute0_lowered;
	s1 =	sadd.s32 s1, s3;
	[dreg:$0x0] =	wrdreg $0x0  }
0xa5: {  	s3 =	sshll.u32 s25, $0x1;
	[dreg:$0x2] =	wrdreg s1  }
0xa6: {  	[dreg:$0x3] =	wrdreg s3  }
0xa7: {  	[dreg:$0x4] =	wrdreg $0xC0  }
0xa8: {  	_ =	task [dreg:s5], $0x5FFFF  }
0xa9: {  	[dreg:$0x1] =	wrdreg $0xFFFFFFFF  }
0xaa: {  	[dreg:$0x0] =	wrdreg $0x60  }
0xab: {  	[dreg:$0x2] =	wrdreg s22  }
0xac: {  	[dreg:$0x3] =	wrdreg s0  }
0xad: {  	[dreg:$0x4] =	wrdreg $0xA  }
0xae: {  	_ =	task.clear_ibuf [dreg:s5], $0x5FFFF;
	_ =	strace $0x90000055  }
0xaf: {  	s26 =	simm.s32 $0xA;
	_ =	strace $0x80000057  }
0xb0: {  	_ =	swait.ge [sflag:s26], $0x1  }
0xb1: {  	[sflag:s26] =	ssyncadd.s32 $0xFFFFFFFF  }
0xb2: {  	_ =	strace $0x90000057  }
0xb3: {  	_ =	sfence  }
0xb4: {  	s28 =	sld [smem:$0x0];
	_ =	sdelay $0x1  }
0xb5: {  	s29 =	srdreg.scid  }
0xb6: {  	s30 =	sshll.u32 s29, $0xD;
	s31 =	sshrl.u32 s29, $0x2  }
0xb7: {  	s2 =	sand.u32 $0x4000, s30;
	s1 =	sand.u32 $0x1, s29;
	s0 =	sadd.s32 s31, s28  }
0xb8: {  	s1 =	sor.u32 s2, s1;
	s0 =	sshll.u32 s0, $0x11  }
0xb9: {  	s0 =	sor.u32 s0, s1  }
0xba: {  	s0 =	sadd.s32 $0x8F2B, s0  }
0xbb: {  	[sflag:s0] =	ssyncadd.remote.s32 $0x1  }
0xbc: {  	_ =	sfence.sel $0xFFFF  }
0xbd: {  	[dreg:$0x0] =	wrdreg $0xFFFFFFFF;
	(pc) =	sbr.abs _section_cstart, $3  }
0xbe: {  	[dreg:$0x1] =	wrdreg $0xFFFFFFFF  }
0xbf: {  	_ =	task.clear_ibuf [dreg:s5], $0x2FFFF;
	_ =	strace $0x9FFFFFFF  }
0xc0: {  	(tm) =	ssettm $0x7FFFFFFF  }
0xc1: {  	_ =	shalt  }
tec
execute0_lowered:
.L_overlay_start_1:
0x0: {  	(tag) =	ssettag $0x1  }
0x1: {  	s0 =	stileid.u32  }
0x2: {  	s3 =	simm.s32 $0x200;
	s7 =	rddreg [dreg:$0x0];
	s10 =	simm.s32 $0x1  }
0x3: {  	s6 =	simm.s32 $0x2;
	s1 =	smin.u32 s0, $0x4;
	p0 =	slt.u32 s0, $0x4  }
0x4: {  	s11 =	simm.s32 $0x4;
	s2 =	sshll.u32 s1, $0x9;
	s3 =	simm.s32 @!p0 $0x0  }
0x5: {  	s12 =	simm.s32 $0xFFFFF800;
	s13 =	simm.s32 $0xFFFFFE00;
	s1 =	sadd.s32 s3, s2  }
0x6: {  	s14 =	simm.s32 $0xFFFFFFFF;
	s18 =	simm.s32 $0x0;
	s4 =	smin.u32 s1, $0x7D0  }
0x7: {  	s15 =	simm.s32 $0x0;
	s17 =	simm.s32 $0x0;
	s9 =	ssub.s32 s4, s2  }
0x8: {  	s5 =	sadd.s32 $0x2C5A00, s7;
	s3 =	rddreg [dreg:$0x1];
	p0 =	sgt.s32 s9, $0x0  }
0x9: {  	s1 =	rddreg [dreg:$0x2];
	_ =	strace $0x80000056;
	s9 =	simm.s32 @!p0 $0x0  }
.Ltmp0:
0xa: {  	[sflag:s10] =	ssyncpa.u1 $0x0;
	s8 =	sand.u32 $0x1D0, s9;
	(pc) =	sbr.rel .LBB2_1-.Ltmp0, $4  }
0xb: {  	s7 =	sadd.s32 $0x2C6600, s7;
	[sflag:s6] =	ssyncpa.u1 $0x0;
	p0 =	sne.s32 s8, $0x0  }
0xc: {  	s9 =	sshrl.u32 s9, $0x9;
	s8 =	simm.s32 $0x3;
	s10 =	simm.s32 @!p0 $0x0  }
0xd: {  	s16 =	smov.u32 s2;
	[sflag:s8] =	ssyncpa.u1 $0x0;
	s9 =	sadd.s32 s10, s9  }
0xe: {  	v0 =	vlaneseq.u32;
	vm0 =	vmmov $0xffff;
	[sflag:s11] =	ssyncpa.u1 $0x0;
	s11 =	simm.s32 $0x0;
	s10 =	sadd.s32 $0x2, s9  }
.LBB2_7:
0xf: {  	p0 =	slt.u32 s17, $0x3  }
0x10: {  	s18 =	simm.s32 @!p0 $0x4  }
0x11: {  	_ =	swait.ge @!p0 [sflag:s18], $0x80  }
0x12: {  	s19 =	sadd.s32 $0x200, s16;
	[sflag:s18] =	ssyncset.done @!p0 $0x0  }
0x13: {  	s20 =	smov.u32 s2;
	[sflag:s18] =	ssyncadd.s32 @!p0 $0xFFFFFF80;
	p0 =	slt.s32 s19, s4  }
0x14: {  	s20 =	smov.u32 @p0 s19;
	p0 =	sne.s32 s17, s10  }
.Ltmp1:
0x15: {  	_ = 	snop;
	(pc) =	sbr.rel @!p0 .LBB2_8-.Ltmp1, $4  }
0x16: {  	_ = 	snop  }
0x17: {  	s31 =	sadd.s32 $0x1, s17;
	s12 =	sadd.s32 $0x800, s12  }
0x18: {  	s13 =	sadd.s32 $0x200, s13;
	s14 =	sadd.s32 $0x1, s14;
	s18 =	smov.u32 s15  }
0x19: {  	s15 =	smov.u32 s16;
	s17 =	smov.u32 s31;
	s16 =	smov.u32 s20  }
.LBB2_1:
0x1a: {  	p0 =	sge.u32 s17, s9  }
0x1b: {  	s19 =	smulhi.u32 @!p0 $0xAAAAAAAB, s17;
	_ =	sdelay $0x1  }
0x1c: {  	s19 =	sshrl.u32 @!p0 s19, $0x1  }
0x1d: {  	s19 =	smul.u32 @!p0 $0x3, s19;
	_ =	sdelay $0x1  }
0x1e: {  	s31 =	sadd.s32 $0xFFFFFFFF, s17;
	s20 =	sshrl.u32 @!p0 s16, $0x3;
	s19 =	ssub.s32 @!p0 s17, s19  }
0x1f: {  	s21 =	sand.u32 @!p0 $0x7, s16;
	s20 =	sadd.s32 @!p0 s7, s20;
	s19 =	sshll.u32 @!p0 s19, $0x9  }
0x20: {  	[tilespmem:s19], [sflag:$0x2] =	stream.linear.gather @!p0 [hbm4b:s20+s21], $0x200, $0x38;
	[tilespmem:$0xB00] =	vst v63  }
0x21: {  	p0 =	sge.u32 s31, s9  }
.Ltmp2:
0x22: {  	_ = 	snop;
	(pc) =	sbr.rel @p0 .LBB2_5-.Ltmp2, $1  }
0x23: {  	_ =	sdelay $0x3  }
0x24: {  	s19 =	smulhi.u32 $0xAAAAAAAB, s14;
	_ =	sdelay $0x1  }
0x25: {  	s19 =	sshrl.u32 s19, $0x1  }
0x26: {  	s19 =	smul.u32 $0xFFFFE800, s19;
	_ =	sdelay $0x1  }
0x27: {  	_ =	swait.ge [sflag:s6], $0x200;
	s19 =	sshra.s32 s19, $0x2  }
0x28: {  	[sflag:s6] =	ssyncset.done $0x0;
	s20 =	sadd.s32 s19, s13  }
0x29: {  	[sflag:s6] =	ssyncadd.s32 $0xFFFFFE00;
	(ifvalue) =	ssetifvalue $0x7FFFFFFF;
	v1 =	vld.msk [tilespmem:s20+$0x0 ss:$0x1], $0xffff  }
0x2a: {  	s21 =	sadd.s32 $0x10, s20  }
0x2b: {  	v2 =	vld.msk [tilespmem:s21+$0x0 ss:$0x1], $0xffff;
	_ =	sdelay $0x1  }
0x2c: {  	s19 =	ssub.s32 $0x7D0, s15  }
0x2d: {  	p0 =	slt.s32 s19, $0x200;
	vm1 =	vgt.s32 v1, $0x0  }
0x2e: {  	s19 =	simm.s32 @!p0 $0x200;
	v1 =	vnsel vm1, $0x0, v1  }
0x2f: {  	p0 =	sgt.s32 s19, $0x0;
	s22 =	smov.u32 s19;
	vm1 =	vgt.s32 v2, $0x0;
	v1 =	vmin.u32 v1, $0x15F8F  }
0x30: {  	s22 =	simm.s32 @!p0 $0x0;
	v2 =	vnsel vm1, $0x0, v2;
	v4 =	vshll.u32 v1, $0x2  }
0x31: {  	s22 =	smin.u32 s22, $0x10;
	v3 =	vshrl.u32 v1, $0x7;
	v1 =	vand.u32 $0x1FE00, v1;
	v4 =	vand.u32 $0x1FC, v4  }
0x32: {  	v5 =	vmin.u32 v2, $0x15F8F;
	v2 =	vmov s22;
	v1 =	vor.u32 v1, v4  }
0x33: {  	vm1 =	vgt.u32 v2, v0;
	v1 =	vshrl.u32 v1, $0x2  }
0x34: {  	s30 =	sshrl.u32 s12, $0x2;
	s23 =	sadd.s32 $0xFFFFFFF0, s19;
	v1 =	vnsel vm1, $0x7FFFFFFF, v1  }
0x35: {  	s19 =	sadd.s32 $0x10, s21;
	p0 =	sgt.s32 s23, $0x0;
	s25 =	smov.u32 s23;
	v3 =	vand.u32 $0x3, v3  }
0x36: {  	s31 =	sand.u32 $0x200, s30;
	s25 =	simm.s32 @!p0 $0x0;
	v2 =	vld.msk [tilespmem:s19+$0x0 ss:$0x1], $0xffff;
	v4 =	vshrl.u32 v5, $0x7;
	[tilespmem:s20+$0x0] =	vst v3;
	v3 =	vshll.u32 v5, $0x2  }
0x37: {  	s24 =	simm.s32 $0x30;
	s25 =	smin.u32 s25, $0x10;
	s22 =	sadd.s32 $0x600, s31;
	v5 =	vand.u32 $0x1FE00, v5;
	v4 =	vand.u32 $0x3, v4;
	v6 =	vand.u32 $0x1FC, v3  }
0x38: {  	s20 =	sadd.s32 $0x10, s19;
	v3 =	vmov s25;
	[tilespmem:s21+$0x0] =	vst v4;
	v4 =	vor.u32 v5, v6;
	(ifvalue) =	ssetifvalue $0x7FFFFFFF;
	s21 =	sadd.s32 $0x10, s22  }
.LBB2_3:
0x39: {  	[tilespmem:s22], [sflag:$0x3] =	stream.indirect_vreg.gather [hbm4b:s5+s11], $0x1, v1, vm0, $0x4038;
	[tilespmem:$0xB00] =	vst v63  }
0x3a: {  	s24 =	sadd.s32 $0x10, s24  }
0x3b: {  	vm1 =	vgt.s32 v2, $0x0;
	vm2 =	vgt.u32 v3, v0;
	v3 =	vshrl.u32 v4, $0x2;
	v1 =	vmovc v2;
	v2 =	vld.msk [tilespmem:s20+$0x0 ss:$0x1], $0xffff;
	p0 =	slt.u32 s24, $0x1F0  }
.Ltmp3:
0x3c: {  	s23 =	sadd.s32 $0xFFFFFFF0, s23;
	v4 =	vnsel vm1, $0x0, v1;
	v1 =	vnsel vm2, $0x7FFFFFFF, v3;
	(pc) =	sbr.rel @p0 .LBB2_3-.Ltmp3, $4  }
0x3d: {  	s25 =	smov.u32 s19;
	p1 =	sgt.s32 s23, $0x0;
	s26 =	smov.u32 s23;
	v3 =	vmin.u32 v4, $0x15F8F  }
0x3e: {  	s19 =	smov.u32 s20;
	s22 =	smov.u32 s21;
	s26 =	simm.s32 @!p1 $0x0;
	v4 =	vshrl.u32 v3, $0x7;
	v5 =	vshll.u32 v3, $0x2  }
0x3f: {  	s26 =	smin.u32 s26, $0x10;
	v6 =	vand.u32 $0x3, v4;
	v4 =	vand.u32 $0x1FE00, v3;
	v5 =	vand.u32 $0x1FC, v5  }
0x40: {  	s20 =	sadd.s32 $0x10, s20;
	s21 =	sadd.s32 $0x10, s21;
	v3 =	vmov s26;
	v4 =	vor.u32 v4, v5;
	[tilespmem:s25+$0x0] =	vst v6;
	(ifvalue) =	ssetifvalue $0x7FFFFFFF  }
0x41: {  	v5 =	vld.msk [tilespmem:s20+$0x0 ss:$0x1], $0xffff;
	_ =	sdelay $0x1  }
0x42: {  	s23 =	sadd.s32 $0xFFFFFFF0, s23;
	vm1 =	vgt.s32 v2, $0x0  }
0x43: {  	p0 =	sgt.s32 s23, $0x0;
	s24 =	smov.u32 s23;
	v2 =	vnsel vm1, $0x0, v2;
	vm1 =	vgt.u32 v3, v0;
	v3 =	vshrl.u32 v4, $0x2  }
0x44: {  	s24 =	simm.s32 @!p0 $0x0;
	v2 =	vmin.u32 v2, $0x15F8F;
	v3 =	vnsel vm1, $0x7FFFFFFF, v3  }
0x45: {  	s24 =	smin.u32 s24, $0x10;
	v60 =	vshll.u32 v2, $0x2;
	v7 =	vand.u32 $0x1FE00, v2;
	vm1 =	vgt.s32 v5, $0x0  }
0x46: {  	s23 =	sadd.s32 $0xFFFFFFF0, s23;
	v2 =	vshrl.u32 v2, $0x7;
	v6 =	vmov s24;
	v5 =	vnsel vm1, $0x0, v5  }
0x47: {  	p0 =	sgt.s32 s23, $0x0;
	v4 =	vand.u32 $0x1FC, v60;
	v2 =	vand.u32 $0x3, v2;
	v5 =	vmin.u32 v5, $0x15F8F  }
0x48: {  	s23 =	simm.s32 @!p0 $0x0;
	v4 =	vor.u32 v7, v4;
	vm1 =	vgt.u32 v6, v0;
	v61 =	vshll.u32 v5, $0x2  }
0x49: {  	s23 =	smin.u32 s23, $0x10;
	v4 =	vshrl.u32 v4, $0x2;
	v62 =	vand.u32 $0x1FE00, v5;
	v6 =	vand.u32 $0x1FC, v61  }
0x4a: {  	v63 =	vmov s23;
	v4 =	vnsel vm1, $0x7FFFFFFF, v4;
	v6 =	vor.u32 v62, v6  }
0x4b: {  	[tilespmem:s22], [sflag:$0x3] =	stream.indirect_vreg.gather [hbm4b:s5+s11], $0x1, v1, vm0, $0x4038;
	[tilespmem:s19+$0x0] =	vst v2;
	vm1 =	vgt.u32 v63, v0;
	v2 =	vshrl.u32 v6, $0x2  }
0x4c: {  	(ifvalue) =	ssetifvalue $0x7FFFFFFF;
	v1 =	vshrl.u32 v5, $0x7;
	v2 =	vnsel vm1, $0x7FFFFFFF, v2  }
0x4d: {  	[tilespmem:s21], [sflag:$0x3] =	stream.indirect_vreg.gather [hbm4b:s5+s11], $0x1, v3, vm0, $0x4038;
	v1 =	vand.u32 $0x3, v1;
	[tilespmem:$0xB00] =	vst v63  }
0x4e: {  	s31 =	sadd.s32 $0x10, s21;
	[tilespmem:s20+$0x0] =	vst v1;
	(ifvalue) =	ssetifvalue $0x7FFFFFFF  }
0x4f: {  	[tilespmem:s31], [sflag:$0x3] =	stream.indirect_vreg.gather [hbm4b:s5+s11], $0x1, v4, vm0, $0x4038;
	[tilespmem:$0xB00] =	vst v63  }
0x50: {  	s19 =	sadd.s32 $0x10, s31;
	(ifvalue) =	ssetifvalue $0x7FFFFFFF  }
0x51: {  	[tilespmem:s19], [sflag:$0x3] =	stream.indirect_vreg.gather [hbm4b:s5+s11], $0x1, v2, vm0, $0x4038;
	[tilespmem:$0xB00] =	vst v63  }
.LBB2_5:
0x52: {  	p0 =	slt.u32 s17, $0x2  }
0x53: {  	p1 =	sge.u32 @!p0 s17, s10  }
0x54: {  	p0 =	por p0, p1  }
.Ltmp4:
0x55: {  	_ = 	snop;
	(pc) =	sbr.rel @p0 .LBB2_7-.Ltmp4, $1  }
0x56: {  	_ =	sdelay $0x3  }
0x57: {  	s19 =	sadd.s32 $0xFFFFFFFE, s17  }
0x58: {  	s20 =	smulhi.u32 $0xAAAAAAAB, s19  }
0x59: {  	_ =	swait.ge [sflag:s8], $0x200  }
0x5a: {  	s21 =	sand.u32 $0x1, s17;
	[sflag:s8] =	ssyncset.done $0x0;
	s20 =	sshrl.u32 s20, $0x1  }
0x5b: {  	s28 =	sshll.u32 s21, $0x9;
	[sflag:s8] =	ssyncadd.s32 $0xFFFFFE00;
	s20 =	smul.u32 $0x3, s20  }
0x5c: {  	v1 =	vld [tilespmem:s28+$0x600]  }
0x5d: {  	v3 =	vld [tilespmem:s28+$0x680];
	s20 =	ssub.s32 s19, s20  }
0x5e: {  	v6 =	vld [tilespmem:s28+$0x700];
	s20 =	sshll.u32 s20, $0x9  }
0x5f: {  	v2 =	vld [tilespmem:s20+$0x0]  }
0x60: {  	v4 =	vld [tilespmem:s20+$0x80]  }
0x61: {  	v5 =	vld [tilespmem:s20+$0x100]  }
0x62: {  	v7 =	vld [tilespmem:s20+$0x180];
	_ =	sdelay $0x1  }
0x63: {  	v8 =	vld [tilespmem:s28+$0x780]  }
0x64: {  	v2 =	vshll.u32 v2, $0x3;
	v4 =	vshll.u32 v4, $0x3  }
0x65: {  	v1 =	vshrl.u32 v1, v2;
	v2 =	vshrl.u32 v3, v4;
	v3 =	vshll.u32 v5, $0x3  }
0x66: {  	v21 =	vshll.u32 v7, $0x3;
	v2 =	vshll.u32 v2, $0x8;
	v3 =	vshrl.u32 v6, v3  }
0x67: {  	v1 =	vand.u32 $0xFF, v1;
	v2 =	vand.u32 $0xFF00, v2;
	v3 =	vshll.u32 v3, $0x10  }
0x68: {  	v1 =	vor.u32 v1, v2;
	v2 =	vand.u32 $0xFF0000, v3;
	v3 =	vshrl.u32 v8, v21  }
0x69: {  	v1 =	vor.u32 v2, v1;
	v2 =	vshll.u32 v3, $0x18  }
0x6a: {  	s21 =	sshll.u32 s21, $0x7;
	v1 =	vor.u32 v2, v1  }
0x6b: {  	[tilespmem:s21+$0xA00] =	vst v1  }
0x6c: {  	v1 =	vld [tilespmem:s28+$0x610]  }
0x6d: {  	v2 =	vld [tilespmem:s20+$0x10]  }
0x6e: {  	v3 =	vld [tilespmem:s28+$0x690]  }
0x6f: {  	v22 =	vld [tilespmem:s20+$0x90]  }
0x70: {  	v23 =	vld [tilespmem:s20+$0x110]  }
0x71: {  	v24 =	vld [tilespmem:s28+$0x710]  }
0x72: {  	v25 =	vld [tilespmem:s20+$0x190];
	_ =	sdelay $0x1  }
0x73: {  	v26 =	vld [tilespmem:s28+$0x790]  }
0x74: {  	v2 =	vshll.u32 v2, $0x3;
	v4 =	vshll.u32 v22, $0x3  }
0x75: {  	v1 =	vshrl.u32 v1, v2;
	v2 =	vshrl.u32 v3, v4;
	v3 =	vshll.u32 v23, $0x3  }
0x76: {  	v27 =	vshll.u32 v25, $0x3;
	v2 =	vshll.u32 v2, $0x8;
	v3 =	vshrl.u32 v24, v3  }
0x77: {  	v1 =	vand.u32 $0xFF, v1;
	v2 =	vand.u32 $0xFF00, v2;
	v3 =	vshll.u32 v3, $0x10  }
0x78: {  	v1 =	vor.u32 v1, v2;
	v2 =	vand.u32 $0xFF0000, v3;
	v3 =	vshrl.u32 v26, v27  }
0x79: {  	v1 =	vor.u32 v2, v1;
	v2 =	vshll.u32 v3, $0x18  }
0x7a: {  	v1 =	vor.u32 v2, v1  }
0x7b: {  	[tilespmem:s21+$0xA10] =	vst v1  }
0x7c: {  	v1 =	vld [tilespmem:s28+$0x620]  }
0x7d: {  	v2 =	vld [tilespmem:s20+$0x20]  }
0x7e: {  	v3 =	vld [tilespmem:s28+$0x6A0]  }
0x7f: {  	v28 =	vld [tilespmem:s20+$0xA0]  }
0x80: {  	v29 =	vld [tilespmem:s20+$0x120]  }
0x81: {  	v30 =	vld [tilespmem:s28+$0x720]  }
0x82: {  	v31 =	vld [tilespmem:s20+$0x1A0];
	_ =	sdelay $0x1  }
0x83: {  	v32 =	vld [tilespmem:s28+$0x7A0]  }
0x84: {  	v2 =	vshll.u32 v2, $0x3;
	v4 =	vshll.u32 v28, $0x3  }
0x85: {  	v1 =	vshrl.u32 v1, v2;
	v2 =	vshrl.u32 v3, v4;
	v3 =	vshll.u32 v29, $0x3  }
0x86: {  	v33 =	vshll.u32 v31, $0x3;
	v2 =	vshll.u32 v2, $0x8;
	v3 =	vshrl.u32 v30, v3  }
0x87: {  	v1 =	vand.u32 $0xFF, v1;
	v2 =	vand.u32 $0xFF00, v2;
	v3 =	vshll.u32 v3, $0x10  }
0x88: {  	v1 =	vor.u32 v1, v2;
	v2 =	vand.u32 $0xFF0000, v3;
	v3 =	vshrl.u32 v32, v33  }
0x89: {  	v1 =	vor.u32 v2, v1;
	v2 =	vshll.u32 v3, $0x18  }
0x8a: {  	v1 =	vor.u32 v2, v1  }
0x8b: {  	[tilespmem:s21+$0xA20] =	vst v1  }
0x8c: {  	v1 =	vld [tilespmem:s28+$0x630]  }
0x8d: {  	v2 =	vld [tilespmem:s20+$0x30]  }
0x8e: {  	v3 =	vld [tilespmem:s28+$0x6B0]  }
0x8f: {  	v34 =	vld [tilespmem:s20+$0xB0]  }
0x90: {  	v35 =	vld [tilespmem:s20+$0x130]  }
0x91: {  	v36 =	vld [tilespmem:s28+$0x730]  }
0x92: {  	v37 =	vld [tilespmem:s20+$0x1B0];
	_ =	sdelay $0x1  }
0x93: {  	v38 =	vld [tilespmem:s28+$0x7B0]  }
0x94: {  	v2 =	vshll.u32 v2, $0x3;
	v4 =	vshll.u32 v34, $0x3  }
0x95: {  	v1 =	vshrl.u32 v1, v2;
	v2 =	vshrl.u32 v3, v4;
	v3 =	vshll.u32 v35, $0x3  }
0x96: {  	v39 =	vshll.u32 v37, $0x3;
	v2 =	vshll.u32 v2, $0x8;
	v3 =	vshrl.u32 v36, v3  }
0x97: {  	v1 =	vand.u32 $0xFF, v1;
	v2 =	vand.u32 $0xFF00, v2;
	v3 =	vshll.u32 v3, $0x10  }
0x98: {  	v1 =	vor.u32 v1, v2;
	v2 =	vand.u32 $0xFF0000, v3;
	v3 =	vshrl.u32 v38, v39  }
0x99: {  	v1 =	vor.u32 v2, v1;
	v2 =	vshll.u32 v3, $0x18  }
0x9a: {  	v1 =	vor.u32 v2, v1  }
0x9b: {  	[tilespmem:s21+$0xA30] =	vst v1  }
0x9c: {  	v1 =	vld [tilespmem:s28+$0x640]  }
0x9d: {  	v2 =	vld [tilespmem:s20+$0x40]  }
0x9e: {  	v3 =	vld [tilespmem:s28+$0x6C0]  }
0x9f: {  	v40 =	vld [tilespmem:s20+$0xC0]  }
0xa0: {  	v41 =	vld [tilespmem:s20+$0x140]  }
0xa1: {  	v42 =	vld [tilespmem:s28+$0x740]  }
0xa2: {  	v43 =	vld [tilespmem:s20+$0x1C0];
	_ =	sdelay $0x1  }
0xa3: {  	v44 =	vld [tilespmem:s28+$0x7C0]  }
0xa4: {  	v2 =	vshll.u32 v2, $0x3;
	v4 =	vshll.u32 v40, $0x3  }
0xa5: {  	v1 =	vshrl.u32 v1, v2;
	v2 =	vshrl.u32 v3, v4;
	v3 =	vshll.u32 v41, $0x3  }
0xa6: {  	v45 =	vshll.u32 v43, $0x3;
	v2 =	vshll.u32 v2, $0x8;
	v3 =	vshrl.u32 v42, v3  }
0xa7: {  	v1 =	vand.u32 $0xFF, v1;
	v2 =	vand.u32 $0xFF00, v2;
	v3 =	vshll.u32 v3, $0x10  }
0xa8: {  	v1 =	vor.u32 v1, v2;
	v2 =	vand.u32 $0xFF0000, v3;
	v3 =	vshrl.u32 v44, v45  }
0xa9: {  	v1 =	vor.u32 v2, v1;
	v2 =	vshll.u32 v3, $0x18  }
0xaa: {  	v1 =	vor.u32 v2, v1  }
0xab: {  	[tilespmem:s21+$0xA40] =	vst v1  }
0xac: {  	v1 =	vld [tilespmem:s28+$0x650]  }
0xad: {  	v2 =	vld [tilespmem:s20+$0x50]  }
0xae: {  	v3 =	vld [tilespmem:s28+$0x6D0]  }
0xaf: {  	v46 =	vld [tilespmem:s20+$0xD0]  }
0xb0: {  	v47 =	vld [tilespmem:s20+$0x150]  }
0xb1: {  	v48 =	vld [tilespmem:s28+$0x750]  }
0xb2: {  	v49 =	vld [tilespmem:s20+$0x1D0];
	_ =	sdelay $0x1  }
0xb3: {  	v50 =	vld [tilespmem:s28+$0x7D0]  }
0xb4: {  	v2 =	vshll.u32 v2, $0x3;
	v4 =	vshll.u32 v46, $0x3  }
0xb5: {  	v1 =	vshrl.u32 v1, v2;
	v2 =	vshrl.u32 v3, v4;
	v3 =	vshll.u32 v47, $0x3  }
0xb6: {  	v51 =	vshll.u32 v49, $0x3;
	v2 =	vshll.u32 v2, $0x8;
	v3 =	vshrl.u32 v48, v3  }
0xb7: {  	v1 =	vand.u32 $0xFF, v1;
	v2 =	vand.u32 $0xFF00, v2;
	v3 =	vshll.u32 v3, $0x10  }
0xb8: {  	v1 =	vor.u32 v1, v2;
	v2 =	vand.u32 $0xFF0000, v3;
	v3 =	vshrl.u32 v50, v51  }
0xb9: {  	v1 =	vor.u32 v2, v1;
	v2 =	vshll.u32 v3, $0x18  }
0xba: {  	v1 =	vor.u32 v2, v1  }
0xbb: {  	[tilespmem:s21+$0xA50] =	vst v1  }
0xbc: {  	v1 =	vld [tilespmem:s28+$0x660]  }
0xbd: {  	v2 =	vld [tilespmem:s20+$0x60]  }
0xbe: {  	v3 =	vld [tilespmem:s28+$0x6E0]  }
0xbf: {  	v52 =	vld [tilespmem:s20+$0xE0]  }
0xc0: {  	v53 =	vld [tilespmem:s20+$0x160]  }
0xc1: {  	v54 =	vld [tilespmem:s28+$0x760]  }
0xc2: {  	v55 =	vld [tilespmem:s20+$0x1E0];
	_ =	sdelay $0x1  }
0xc3: {  	v56 =	vld [tilespmem:s28+$0x7E0]  }
0xc4: {  	v2 =	vshll.u32 v2, $0x3;
	v4 =	vshll.u32 v52, $0x3  }
0xc5: {  	v1 =	vshrl.u32 v1, v2;
	v2 =	vshrl.u32 v3, v4;
	v3 =	vshll.u32 v53, $0x3  }
0xc6: {  	v57 =	vshll.u32 v55, $0x3;
	v2 =	vshll.u32 v2, $0x8;
	v3 =	vshrl.u32 v54, v3  }
0xc7: {  	v1 =	vand.u32 $0xFF, v1;
	v2 =	vand.u32 $0xFF00, v2;
	v3 =	vshll.u32 v3, $0x10  }
0xc8: {  	v1 =	vor.u32 v1, v2;
	v2 =	vand.u32 $0xFF0000, v3;
	v3 =	vshrl.u32 v56, v57  }
0xc9: {  	v1 =	vor.u32 v2, v1;
	v2 =	vshll.u32 v3, $0x18  }
0xca: {  	v1 =	vor.u32 v2, v1  }
0xcb: {  	[tilespmem:s21+$0xA60] =	vst v1  }
0xcc: {  	v1 =	vld [tilespmem:s28+$0x670]  }
0xcd: {  	v2 =	vld [tilespmem:s20+$0x70]  }
0xce: {  	v3 =	vld [tilespmem:s28+$0x6F0]  }
0xcf: {  	v58 =	vld [tilespmem:s20+$0xF0]  }
0xd0: {  	v59 =	vld [tilespmem:s20+$0x170]  }
0xd1: {  	v60 =	vld [tilespmem:s28+$0x770]  }
0xd2: {  	v61 =	vld [tilespmem:s20+$0x1F0];
	_ =	sdelay $0x1  }
0xd3: {  	v62 =	vld [tilespmem:s28+$0x7F0]  }
0xd4: {  	v2 =	vshll.u32 v2, $0x3;
	v4 =	vshll.u32 v58, $0x3  }
0xd5: {  	v1 =	vshrl.u32 v1, v2;
	v2 =	vshrl.u32 v3, v4;
	v3 =	vshll.u32 v59, $0x3  }
0xd6: {  	v63 =	vshll.u32 v61, $0x3;
	v3 =	vshrl.u32 v60, v3;
	v2 =	vshll.u32 v2, $0x8  }
0xd7: {  	v1 =	vand.u32 $0xFF, v1;
	v2 =	vand.u32 $0xFF00, v2;
	v3 =	vshll.u32 v3, $0x10  }
.Ltmp5:
0xd8: {  	v1 =	vor.u32 v1, v2;
	v2 =	vshrl.u32 v62, v63;
	v3 =	vand.u32 $0xFF0000, v3;
	(pc) =	sbr.rel .LBB2_7-.Ltmp5, $4  }
0xd9: {  	v1 =	vor.u32 v3, v1;
	v2 =	vshll.u32 v2, $0x18  }
0xda: {  	s29 =	sshrl.u32 s18, $0x2;
	s30 =	sshrl.u32 s18, $0x5;
	v1 =	vor.u32 v2, v1  }
0xdb: {  	s18 =	sadd.s32 s30, s3;
	s31 =	sor.u32 $0xA00, s21;
	s19 =	sand.u32 $0x7, s29;
	[tilespmem:s21+$0xA70] =	vst v1  }
0xdc: {  	[hbm4b:s18+s19] =	stream.linear.scatter [tilespmem:s31], [sflag:$0x4], $0x80, $0x38;
	[tilespmem:$0xB00] =	vst v63  }
.LBB2_8:
0xdd: {  	_ =	sfence.sel $0x180000  }
0xde: {  	s2 =	simm.s32 $0x2;
	[bflag:$0x0] =	sbarrier.arrive $0xFFFF  }
0xdf: {  	s29 =	simm.s32 $0x3;
	[sflag:s2] =	ssyncpa.u1 $0x1  }
0xe0: {  	s30 =	simm.s32 $0x4;
	[sflag:s29] =	ssyncpa.u1 $0x1  }
0xe1: {  	s31 =	simm.s32 $0x1;
	[sflag:s30] =	ssyncpa.u1 $0x1  }
0xe2: {  	[sflag:s31] =	ssyncpa.u1 $0x1  }
0xe3: {  	p0 =	sne.s32 s0, $0x0;
	_ =	strace $0x90000056  }
0xe4: {  	s0 =	sadd.s32 @!p0 $0x100000, s1;
	[bflag:$0x2] =	sbarrier.arrive $0xFFFF  }
0xe5: {  	[sflag:s0] =	ssyncadd.tile.s32 @!p0 $0x1;
	_ =	shalt  }
.Lfunc_end2:
_tile_overlayer_lowered:
.L_overlay_start_2:
0xe6: {  	(tag) =	ssettag $0x2  }
0xe7: {  	s0 =	rddreg [dreg:$0x0];
	s2 =	stileid.u32  }
0xe8: {  	s1 =	rddreg [dreg:$0x1];
	p0 =	sne.s32 s2, $0x0  }
0xe9: {  	s3 =	rddreg [dreg:$0x2];
	[bflag:$0x3] =	sbarrier.arrive $0xFFFF;
	s2 =	simm.s32 @!p0 $0x1C01  }
0xea: {  	[timem:s3], [sflag:s2] =	dma.local @!p0 [hbm:s0], s1  }
0xeb: {  	s0 =	simm.s32 @!p0 $0x1  }
0xec: {  	_ =	swait.ge @!p0 [sflag:s0], s1  }
0xed: {  	s1 =	ssub.s32 @!p0 $0x0, s1;
	[sflag:s0] =	ssyncset.done @!p0 $0x0  }
0xee: {  	[sflag:s0] =	ssyncadd.s32 @!p0 s1  }
0xef: {  	[bflag:$0x3] =	sbarrier.arrive $0xFFFF  }
0xf0: {  	_ =	shalt  }

// kernel: gather_offload_async_start
scs
__scs_entry_jumppad:
0x0: {  	(pc) =	sbr.rel $0x88, $3  }
0x1: {  	(tag) =	ssettag $0x0;
	lr =	simm.s32 $0x1  }
0x2: {  	[smem:$0x3F97] =	sst lr;
	_ =	strace $0xD0000000  }
0x3: {  	_ = 	snop  }
0x4: {  	_ = 	snop  }
0x5: {  	_ = 	snop  }
0x6: {  	_ = 	snop  }
0x7: {  	_ = 	snop  }
__scs_overlays_trampoline_lowered:
0x8: {  	[smem:$0x3FA6] =	sst s0  }
0x9: {  	[smem:$0x3FA7] =	sst s1  }
0xa: {  	[smem:$0x3FA8] =	sst s2  }
0xb: {  	[smem:$0x3FA9] =	sst s3  }
0xc: {  	[smem:$0x3FAA] =	sst s4  }
0xd: {  	[smem:$0x3FAB] =	sst s5  }
0xe: {  	[smem:$0x3FAC] =	sst s6  }
0xf: {  	[smem:$0x3FAD] =	sst s7  }
0x10: {  	[smem:$0x3FAE] =	sst s8  }
0x11: {  	[smem:$0x3FAF] =	sst s9;
	s0 =	simm.s32 @!p0 $0x0  }
0x12: {  	s1 =	sld [smem:$0x3F95];
	s0 =	simm.s32 @p0 $0x1  }
0x13: {  	[smem:$0x3FB0] =	sst s0;
	s0 =	simm.s32 @!p1 $0x0  }
0x14: {  	s2 =	sld [smem:$0x3F94];
	s0 =	simm.s32 @p1 $0x1  }
0x15: {  	[smem:$0x3FB1] =	sst s0;
	s0 =	simm.s32 @!p2 $0x0  }
0x16: {  	s3 =	sld [smem:$0x3FDB];
	s0 =	simm.s32 @p2 $0x1  }
0x17: {  	s4 =	simm.s32 $0x1BF5;
	[smem:$0x3FB3] =	sst s0  }
0x18: {  	s0 =	sld [smem:$0x3F96];
	_ =	swait.ge [sflag:s4], $0x0  }
0x19: {  	s7 =	sld [smem:$0x3F97]  }
0x1a: {  	s8 =	sadd.s32 $0xFFFFE003, lr  }
0x1b: {  	s9 =	sadd.s32 $0xFFFFFEF7, lr;
	s5 =	simm.s32 $0xFFFFFFFF;
	p2 =	slt.u32 s8, $0xFFFFF086  }
0x1c: {  	p1 =	slt.u32 s9, $0xF7A;
	s5 =	simm.s32 @!p2 $0x0  }
0x1d: {  	s5 =	simm.s32 @p1 $0x1;
	p0 =	seq.s32 s7, s2  }
0x1e: {  	s7 =	smul.u32 @!p0 $0xF7A, s2;
	p2 =	seq.s32 @!p0 s5, $0x0  }
0x1f: {  	s9 =	smul.u32 $0xF7A, s1;
	s8 =	simm.s32 @!p0 $0x1BF5;
	p2 =	por !p2, p0  }
0x20: {  	[sflag:s8] =	ssyncset.s32 @!p0 $0xFFFFF086;
	s6 =	sadd.s32 @!p0 s3, s7;
	s7 =	simm.s32 @!p0 $0x108  }
0x21: {  	s3 =	sadd.s32 s3, s9;
	s6 =	sadd.s32 @!p0 $0x88, s6;
	s7 =	simm.s32 @p2 $0x1082  }
0x22: {  	[simem:s7], [sflag:s8] =	dma.local @!p0 [hbm:s6], $0xF7A  }
0x23: {  	s9 =	sor.u32 $0xD0000000, s2;
	s6 =	simm.s32 $0x108;
	_ =	swait.ge @!p0 [sflag:s8], $0x0  }
0x24: {  	s3 =	sadd.s32 $0x88, s3;
	s6 =	simm.s32 @!p1 $0x1082;
	[sflag:s4] =	ssyncset.s32 $0xFFFFF086  }
0x25: {  	[simem:s6], [sflag:s4] =	dma.local [hbm:s3], $0xF7A  }
0x26: {  	[smem:$0x3F97] =	sst s1;
	(tag) =	ssettag s2;
	_ =	strace s9  }
0x27: {  	s1 =	sld [smem:$0x3FA7]  }
0x28: {  	s2 =	sld [smem:$0x3FA8]  }
0x29: {  	s4 =	sld [smem:$0x3FAA]  }
0x2a: {  	p0 =	seq.s32 s5, $0x0;
	s5 =	sld [smem:$0x3FAB]  }
0x2b: {  	s6 =	sld [smem:$0x3FAC]  }
0x2c: {  	s7 =	sld [smem:$0x3FAD]  }
0x2d: {  	s3 =	simm.s32 $0x108;
	s8 =	sld [smem:$0x3FAE]  }
0x2e: {  	s3 =	simm.s32 @!p0 $0x1082;
	s9 =	sld [smem:$0x3FAF]  }
0x2f: {  	lr =	sadd.s32 s0, s3;
	s0 =	sld [smem:$0x3FA6]  }
0x30: {  	s3 =	sld [smem:$0x3FA9]  }
0x31: {  	[smem:$0x3FB2] =	sst s10  }
0x32: {  	s10 =	sld [smem:$0x3FB0];
	_ =	sdelay $0x3  }
0x33: {  	p0 =	seq.s32 s10, $0x1;
	s10 =	sld [smem:$0x3FB2];
	_ =	sdelay $0x3  }
0x34: {  	[smem:$0x3FB2] =	sst s10  }
0x35: {  	s10 =	sld [smem:$0x3FB1];
	_ =	sdelay $0x3  }
0x36: {  	p1 =	seq.s32 s10, $0x1;
	s10 =	sld [smem:$0x3FB2];
	_ =	sdelay $0x3  }
0x37: {  	[smem:$0x3FB2] =	sst s10  }
0x38: {  	s10 =	sld [smem:$0x3FB3]  }
0x39: {  	_ = 	snop;
	(pc) =	sbr.ind lr, $3  }
0x3a: {  	_ = 	snop  }
0x3b: {  	_ = 	snop  }
0x3c: {  	p2 =	seq.s32 s10, $0x1;
	s10 =	sld [smem:$0x3FB2]  }
0x3d: {  	_ =	shalt  }
0x3e: {  	_ =	shalt  }
0x3f: {  	_ =	shalt  }
0x40: {  	_ =	shalt  }
0x41: {  	_ =	shalt  }
0x42: {  	_ =	shalt  }
0x43: {  	_ =	shalt  }
0x44: {  	_ =	shalt  }
0x45: {  	_ =	shalt  }
0x46: {  	_ =	shalt  }
0x47: {  	_ =	shalt  }
0x48: {  	_ =	shalt  }
0x49: {  	_ =	shalt  }
0x4a: {  	_ =	shalt  }
0x4b: {  	_ =	shalt  }
0x4c: {  	_ =	shalt  }
0x4d: {  	_ =	shalt  }
0x4e: {  	_ =	shalt  }
0x4f: {  	_ =	shalt  }
0x50: {  	_ =	shalt  }
0x51: {  	_ =	shalt  }
0x52: {  	_ =	shalt  }
0x53: {  	_ =	shalt  }
0x54: {  	_ =	shalt  }
0x55: {  	_ =	shalt  }
0x56: {  	_ =	shalt  }
0x57: {  	_ =	shalt  }
0x58: {  	_ =	shalt  }
0x59: {  	_ =	shalt  }
0x5a: {  	_ =	shalt  }
0x5b: {  	_ =	shalt  }
0x5c: {  	_ =	shalt  }
0x5d: {  	_ =	shalt  }
0x5e: {  	_ =	shalt  }
0x5f: {  	_ =	shalt  }
0x60: {  	_ =	shalt  }
0x61: {  	_ =	shalt  }
0x62: {  	_ =	shalt  }
0x63: {  	_ =	shalt  }
0x64: {  	_ =	shalt  }
0x65: {  	_ =	shalt  }
0x66: {  	_ =	shalt  }
0x67: {  	_ =	shalt  }
0x68: {  	_ =	shalt  }
0x69: {  	_ =	shalt  }
0x6a: {  	_ =	shalt  }
0x6b: {  	_ =	shalt  }
0x6c: {  	_ =	shalt  }
0x6d: {  	_ =	shalt  }
0x6e: {  	_ =	shalt  }
0x6f: {  	_ =	shalt  }
0x70: {  	_ =	shalt  }
0x71: {  	_ =	shalt  }
0x72: {  	_ =	shalt  }
0x73: {  	_ =	shalt  }
0x74: {  	_ =	shalt  }
0x75: {  	_ =	shalt  }
0x76: {  	_ =	shalt  }
0x77: {  	_ =	shalt  }
0x78: {  	_ =	shalt  }
0x79: {  	_ =	shalt  }
0x7a: {  	_ =	shalt  }
0x7b: {  	_ =	shalt  }
0x7c: {  	_ =	shalt  }
0x7d: {  	_ =	shalt  }
0x7e: {  	_ =	shalt  }
0x7f: {  	_ =	shalt  }
0x80: {  	_ =	shalt  }
0x81: {  	_ =	shalt  }
0x82: {  	_ =	shalt  }
0x83: {  	_ =	shalt  }
0x84: {  	_ =	shalt  }
0x85: {  	_ =	shalt  }
0x86: {  	_ =	shalt  }
0x87: {  	_ =	shalt  }
.Lfunc_end0:
.L_simem_size_0:
called_computation.2_lowered:
.L_overlay_start_0:
0x88: {  	s0 =	sld [smem:$0x3FD9]  }
0x89: {  	s1 =	sld [smem:$0x3FFE];
	_ =	sdelay $0x3  }
0x8a: {  	s0 =	sadd.s32 s1, s0  }
0x8b: {  	[smem:$0x3FBE] =	sst s0  }
0x8c: {  	_ = 	snop  }
0x8d: {  	(tm) =	ssettm $0x1  }
0x8e: {  	s15 =	sld [smem:$0x3FFB];
	_ =	sdelay $0x3  }
0x8f: {  	_ =	strace s15  }
0x90: {  	s0 =	sld [smem:$0x3FFC];
	_ =	sdelay $0x3  }
0x91: {  	_ =	strace s0  }
0x92: {  	s0 =	sld [smem:$0x3FFD];
	_ =	sdelay $0x3  }
0x93: {  	_ =	strace s0  }
0x94: {  	_ =	strace $0x8FFFFFFF  }
0x95: {  	s16 =	sld [smem:$0x3FDB];
	_ =	sdelay $0x1  }
0x96: {  	s17 =	simm.s32 $_scs_section_size  }
0x97: {  	s2 =	simm.s32 $_size__tile_overlayer_lowered;
	s3 =	simm.s32 $_tile_overlayer_lowered  }
0x98: {  	s20 =	simm.s32 $0x1BFF;
	s19 =	sshll.u32 s3, $0x1;
	s0 =	sadd.s32 s17, s16  }
0x99: {  	s4 =	simm.s32 $0x0;
	s18 =	sshll.u32 s2, $0x1;
	s2 =	sadd.s32 s19, s0  }
0x9a: {  	[timem:s4], [sflag:s20] =	dma.local [hbm:s2], s18  }
0x9b: {  	_ =	swait.ge [sflag:s20], s18  }
0x9c: {  	s1 =	ssub.s32 $0x0, s18;
	[sflag:s20] =	ssyncset.done $0x0  }
0x9d: {  	[sflag:s20] =	ssyncadd.s32 s1;
	_ =	sdelay $0x1  }
0x9e: {  	s21 =	simm.s32 $0x1B8B  }
0x9f: {  	_ =	swait.ge [sflag:s21], $0x1  }
0xa0: {  	[sflag:s21] =	ssyncset.done $0x0  }
0xa1: {  	s23 =	simm.s32 $0x1B8E;
	s22 =	sld [smem:$0x3FFE];
	[sflag:s21] =	ssyncadd.s32 $0xFFFFFFFF  }
0xa2: {  	s24 =	simm.s32 $execute0_lowered;
	[smem:$0x3FD2] =	sst s23  }
0xa3: {  	s2 =	sshll.u32 s24, $0x1;
	_ =	strace $0x80000052;
	[dreg:$0x1] =	wrdreg $0xFFFFFFFF  }
0xa4: {  	s25 =	simm.s32 $_size_execute0_lowered;
	s0 =	sadd.s32 s0, s2;
	[dreg:$0x0] =	wrdreg $0x0  }
0xa5: {  	s2 =	sshll.u32 s25, $0x1;
	[dreg:$0x2] =	wrdreg s0  }
0xa6: {  	[dreg:$0x3] =	wrdreg s2  }
0xa7: {  	[dreg:$0x4] =	wrdreg $0xC0  }
0xa8: {  	_ =	task [dreg:s4], $0x5FFFF  }
0xa9: {  	[dreg:$0x1] =	wrdreg $0xFFFFFFFF  }
0xaa: {  	[dreg:$0x0] =	wrdreg $0x60  }
0xab: {  	[dreg:$0x2] =	wrdreg s22  }
0xac: {  	[dreg:$0x3] =	wrdreg $0xA  }
0xad: {  	_ =	task.clear_ibuf [dreg:s4], $0x4FFFF;
	_ =	strace $0x90000052  }
0xae: {  	s26 =	simm.s32 $0xA;
	_ =	strace $0x80000054  }
0xaf: {  	_ =	swait.ge [sflag:s26], $0x1  }
0xb0: {  	[sflag:s26] =	ssyncadd.s32 $0xFFFFFFFF  }
0xb1: {  	_ =	strace $0x90000054  }
0xb2: {  	_ =	sfence  }
0xb3: {  	s28 =	sld [smem:$0x0];
	_ =	sdelay $0x1  }
0xb4: {  	s29 =	srdreg.scid  }
0xb5: {  	s30 =	sshll.u32 s29, $0xD;
	s31 =	sshrl.u32 s29, $0x2  }
0xb6: {  	s1 =	sand.u32 $0x1, s29;
	s2 =	sand.u32 $0x4000, s30;
	s0 =	sadd.s32 s31, s28  }
0xb7: {  	s1 =	sor.u32 s2, s1;
	s0 =	sshll.u32 s0, $0x11  }
0xb8: {  	s0 =	sor.u32 s0, s1  }
0xb9: {  	s0 =	sadd.s32 $0x8F2B, s0  }
0xba: {  	[sflag:s0] =	ssyncadd.remote.s32 $0x1  }
0xbb: {  	_ =	sfence.sel $0xFFFF  }
0xbc: {  	[dreg:$0x0] =	wrdreg $0xFFFFFFFF;
	(pc) =	sbr.abs _section_cstart, $3  }
0xbd: {  	[dreg:$0x1] =	wrdreg $0xFFFFFFFF  }
0xbe: {  	_ =	task.clear_ibuf [dreg:s4], $0x2FFFF;
	_ =	strace $0x9FFFFFFF  }
0xbf: {  	(tm) =	ssettm $0x7FFFFFFF  }
tec
execute0_lowered:
.L_overlay_start_1:
0x0: {  	(tag) =	ssettag $0x1  }
0x1: {  	s0 =	stileid.u32  }
0x2: {  	s1 =	smin.u32 s0, $0x9  }
0x3: {  	s1 =	sadd.s32 s0, s1  }
0x4: {  	p0 =	slt.u32 s0, $0x9;
	s2 =	smul.u32 $0x50, s1;
	s1 =	simm.s32 $0xA0  }
0x5: {  	s1 =	simm.s32 @!p0 $0x50  }
0x6: {  	s1 =	sadd.s32 s1, s2  }
0x7: {  	s3 =	smin.u32 s1, $0x7D0  }
0x8: {  	s7 =	ssub.s32 s3, s2  }
0x9: {  	p0 =	sgt.s32 s7, $0x0  }
0xa: {  	s7 =	simm.s32 @!p0 $0x0  }
0xb: {  	s31 =	smul.u32 $0xCCCD, s7  }
0xc: {  	s4 =	rddreg [dreg:$0x0];
	s6 =	simm.s32 $0x1  }
0xd: {  	s10 =	simm.s32 $0x3;
	s13 =	simm.s32 $0x0;
	s8 =	sshrl.u32 s31, $0x16  }
0xe: {  	s12 =	simm.s32 $0x0;
	s5 =	sadd.s32 $0x2C2C00, s4;
	s9 =	smul.u32 $0x50, s8  }
.Ltmp0:
0xf: {  	s11 =	smov.u32 s2;
	s1 =	rddreg [dreg:$0x1];
	(pc) =	sbr.rel .LBB2_1-.Ltmp0, $4  }
0x10: {  	_ =	strace $0x80000053;
	p0 =	sne.s32 s7, s9;
	s9 =	simm.s32 $0x1  }
0x11: {  	[sflag:s6] =	ssyncpa.u1 $0x0;
	s7 =	simm.s32 $0x2;
	s9 =	simm.s32 @!p0 $0x0  }
0x12: {  	[sflag:s7] =	ssyncpa.u1 $0x0;
	p0 =	por $0x0, $0x0;
	s8 =	sadd.s32 s8, s9  }
0x13: {  	vm0 =	vmmov $0xff;
	vm1 =	vcmask $0x3F20;
	s9 =	sadd.s32 $0x2C6C00, s4;
	[sflag:s10] =	ssyncpa.u1 $0x0;
	s10 =	sadd.s32 $0x1, s8  }
.LBB2_6:
0x14: {  	[hbm:s17] =	stream.linear.scatter [tilespmem:s14], [sflag:$0x3], $0x400, $0x38;
	[tilespmem:$0x50A0] =	vst v63  }
.LBB2_7:
0x15: {  	s13 =	sadd.s32 $0x50, s11  }
0x16: {  	s15 =	smov.u32 s2;
	p2 =	slt.s32 s13, s3  }
0x17: {  	s15 =	smov.u32 @p2 s13;
	p2 =	sne.s32 s12, s10  }
.Ltmp1:
0x18: {  	p1 =	slt.u32 s12, $0x2;
	(pc) =	sbr.rel @!p2 .LBB2_8-.Ltmp1, $4  }
0x19: {  	s14 =	simm.s32 @!p1 $0x3  }
0x1a: {  	s16 =	sadd.s32 $0x1, s12;
	_ =	swait.ge @!p1 [sflag:s14], $0x2800  }
0x1b: {  	p0 =	por !p0, !p0;
	s13 =	smov.u32 s11;
	[sflag:s14] =	ssyncset.done @!p1 $0x0  }
0x1c: {  	s12 =	smov.u32 s16;
	s11 =	smov.u32 s15;
	[sflag:s14] =	ssyncadd.s32 @!p1 $0xFFFFD800  }
.LBB2_1:
0x1d: {  	p1 =	sge.u32 s12, s8  }
0x1e: {  	s14 =	sxor.u32 @!p1 $0xFFFFFFFF, s12  }
0x1f: {  	s14 =	sand.u32 @!p1 $0x1, s14  }
0x20: {  	s14 =	smul.u32 @!p1 $0x140, s14  }
0x21: {  	s31 =	sadd.s32 $0xFFFFFFFF, s12;
	s15 =	sshrl.u32 @!p1 s11, $0x3  }
0x22: {  	s16 =	sand.u32 @!p1 $0x7, s11;
	s15 =	sadd.s32 @!p1 s5, s15;
	s14 =	sshrl.u32 @!p1 s14, $0x2  }
0x23: {  	[tilespmem:s14], [sflag:$0x2] =	stream.linear.gather @!p1 [hbm4b:s15+s16], $0x50, $0x38;
	[tilespmem:$0x50A0] =	vst v63  }
0x24: {  	p1 =	sge.u32 s31, s8  }
.Ltmp2:
0x25: {  	_ = 	snop;
	(pc) =	sbr.rel @p1 .LBB2_7-.Ltmp2, $1  }
0x26: {  	_ =	sdelay $0x3  }
0x27: {  	s14 =	simm.s32 $0x1  }
0x28: {  	s14 =	simm.s32 @!p0 $0x0  }
0x29: {  	s15 =	smul.u32 $0x140, s14  }
0x2a: {  	_ =	swait.ge [sflag:s7], $0x50  }
0x2b: {  	[sflag:s7] =	ssyncset.done $0x0;
	s16 =	sshrl.u32 s15, $0x2  }
0x2c: {  	[sflag:s7] =	ssyncadd.s32 $0xFFFFFFB0;
	s15 =	sadd.s32 $0x0, s16  }
0x2d: {  	v0 =	vld.msk [tilespmem:s15+$0x0 ss:$0x1], $0xffff;
	_ =	sdelay $0x4  }
0x2e: {  	vm2 =	vgt.s32 v0, $0x0  }
0x2f: {  	v0 =	vnsel vm2, $0x0, v0  }
0x30: {  	v0 =	vmin.u32 v0, $0x15F8F  }
0x31: {  	v0 =	vshll.u32 v0, $0x4  }
0x32: {  	s14 =	smul.u32 $0xA000, s14;
	_ =	sdelay $0x1  }
0x33: {  	s14 =	sshrl.u32 s14, $0x2  }
0x34: {  	s14 =	sor.u32 $0xA0, s14  }
0x35: {  	[tilespmem:s14], [sflag:$0x1] =	stream.indirect_vreg.gather [hbm:s4], $0x80, v0, vm0, $0x38;
	[tilespmem:$0x50A0] =	vst v63  }
0x36: {  	s17 =	sadd.s32 $0x10, s16;
	s15 =	sadd.s32 $0x400, s14  }
0x37: {  	[tilespmem:s15], [sflag:$0x1] =	stream.indirect_vreg.gather [hbm:s4], $0x80, v0, vm1, $0x38;
	[tilespmem:$0x50A0] =	vst v63  }
0x38: {  	s18 =	simm.s32 $0x80;
	v0 =	vld.msk [tilespmem:s17+$0x0 ss:$0x1], $0xffff;
	s17 =	smov.u32 s14  }
.LBB2_3:
0x39: {  	p1 =	sne.s32 s18, $0x100;
	_ =	sdelay $0x4  }
0x3a: {  	vm2 =	vgt.s32 v0, $0x0  }
0x3b: {  	v0 =	vnsel vm2, $0x0, v0  }
0x3c: {  	v0 =	vmin.u32 v0, $0x15F8F  }
0x3d: {  	v0 =	vshll.u32 v0, $0x4;
	_ =	sdelay $0x3  }
.Ltmp3:
0x3e: {  	s19 =	sshra.s32 s18, $0x2;
	s17 =	sadd.s32 $0x800, s17;
	(pc) =	sbr.rel @p1 .LBB2_3-.Ltmp3, $4  }
0x3f: {  	[tilespmem:s17], [sflag:$0x1] =	stream.indirect_vreg.gather [hbm:s4], $0x80, v0, vm0, $0x38;
	[tilespmem:$0x50A0] =	vst v63  }
0x40: {  	s19 =	sadd.s32 s19, s16;
	s20 =	sadd.s32 $0x400, s17  }
0x41: {  	[tilespmem:s20], [sflag:$0x1] =	stream.indirect_vreg.gather [hbm:s4], $0x80, v0, vm1, $0x38;
	[tilespmem:$0x50A0] =	vst v63  }
0x42: {  	s18 =	sadd.s32 $0x40, s18;
	v0 =	vld.msk [tilespmem:s19+$0x0 ss:$0x1], $0xffff  }
0x43: {  	_ =	sdelay $0x3  }
0x44: {  	vm2 =	vgt.s32 v0, $0x0  }
0x45: {  	v0 =	vnsel vm2, $0x0, v0  }
0x46: {  	v0 =	vmin.u32 v0, $0x15F8F  }
0x47: {  	v0 =	vshll.u32 v0, $0x4;
	_ =	sdelay $0x3  }
0x48: {  	s16 =	sadd.s32 $0x800, s17  }
0x49: {  	[tilespmem:s16], [sflag:$0x1] =	stream.indirect_vreg.gather [hbm:s4], $0x80, v0, vm0, $0x38;
	[tilespmem:$0x50A0] =	vst v63  }
0x4a: {  	s16 =	sadd.s32 $0x400, s16  }
0x4b: {  	[tilespmem:s16], [sflag:$0x1] =	stream.indirect_vreg.gather [hbm:s4], $0x80, v0, vm1, $0x38;
	[tilespmem:$0x50A0] =	vst v63  }
0x4c: {  	s13 =	sshll.u32 s13, $0x4;
	_ =	swait.ge [sflag:s6], $0x2800  }
0x4d: {  	s13 =	sadd.s32 s13, s9;
	[sflag:s6] =	ssyncset.done $0x0  }
0x4e: {  	s17 =	sadd.s32 $0x0, s13;
	s16 =	simm.s32 $0x80;
	[sflag:s6] =	ssyncadd.s32 $0xFFFFD800  }
.LBB2_5:
0x4f: {  	[hbm:s17] =	stream.linear.scatter [tilespmem:s14], [sflag:$0x3], $0x400, $0x38;
	[tilespmem:$0x50A0] =	vst v63  }
0x50: {  	s17 =	smov.u32 s16;
	s14 =	smov.u32 s15;
	p1 =	sne.s32 s16, $0x480  }
.Ltmp4:
0x51: {  	s16 =	sadd.s32 $0x80, s16;
	(pc) =	sbr.rel @p1 .LBB2_5-.Ltmp4, $2  }
0x52: {  	_ =	sdelay $0x2  }
0x53: {  	s15 =	sadd.s32 $0x400, s15;
	s17 =	sadd.s32 s17, s13  }
.Ltmp5:
0x54: {  	_ = 	snop;
	(pc) =	sbr.rel .LBB2_6-.Ltmp5, $1  }
0x55: {  	_ =	sdelay $0x3  }
.LBB2_8:
0x56: {  	_ =	sfence.sel $0x180000  }
0x57: {  	s2 =	simm.s32 $0x2;
	[bflag:$0x0] =	sbarrier.arrive $0xFFFF  }
0x58: {  	s30 =	simm.s32 $0x3;
	[sflag:s2] =	ssyncpa.u1 $0x1  }
0x59: {  	s31 =	simm.s32 $0x1;
	[sflag:s30] =	ssyncpa.u1 $0x1  }
0x5a: {  	[sflag:s31] =	ssyncpa.u1 $0x1  }
0x5b: {  	p0 =	sne.s32 s0, $0x0;
	_ =	strace $0x90000053  }
0x5c: {  	s0 =	sadd.s32 @!p0 $0x100000, s1;
	[bflag:$0x2] =	sbarrier.arrive $0xFFFF  }
0x5d: {  	[sflag:s0] =	ssyncadd.tile.s32 @!p0 $0x1;
	_ =	shalt  }
.Lfunc_end2:
_tile_overlayer_lowered:
.L_overlay_start_2:
0x5e: {  	(tag) =	ssettag $0x2  }
0x5f: {  	s0 =	rddreg [dreg:$0x0];
	s2 =	stileid.u32  }
0x60: {  	s1 =	rddreg [dreg:$0x1];
	p0 =	sne.s32 s2, $0x0  }
0x61: {  	s3 =	rddreg [dreg:$0x2];
	[bflag:$0x3] =	sbarrier.arrive $0xFFFF;
	s2 =	simm.s32 @!p0 $0x1C01  }
0x62: {  	[timem:s3], [sflag:s2] =	dma.local @!p0 [hbm:s0], s1  }
0x63: {  	s0 =	simm.s32 @!p0 $0x1  }
0x64: {  	_ =	swait.ge @!p0 [sflag:s0], s1  }
0x65: {  	s1 =	ssub.s32 @!p0 $0x0, s1;
	[sflag:s0] =	ssyncset.done @!p0 $0x0  }
0x66: {  	[sflag:s0] =	ssyncadd.s32 @!p0 s1  }
0x67: {  	[bflag:$0x3] =	sbarrier.arrive $0xFFFF  }
0x68: {  	_ =	shalt  }

// kernel: sparse-core-data-format-call.1.cloned.1.call-start
scs
called_computation.1_lowered:
.L_overlay_start_0:
0x0: {  	s1 =	sld [smem:$0x3FD9]  }
0x1: {  	s2 =	sld [smem:$0x3FFE];
	_ =	sdelay $0x1  }
0x2: {  	s3 =	srdreg.scid  }
0x3: {  	s0 =	sand.u32 $0x1, s3  }
0x4: {  	s17 =	sshll.u32 s0, $0xA;
	s1 =	sadd.s32 s2, s1  }
0x5: {  	s1 =	sadd.s32 s1, s17  }
0x6: {  	[smem:$0x3FBE] =	sst s1  }
0x7: {  	_ = 	snop  }
0x8: {  	(tm) =	ssettm $0x1  }
0x9: {  	s18 =	sld [smem:$0x3FFB];
	_ =	sdelay $0x3  }
0xa: {  	_ =	strace s18  }
0xb: {  	s1 =	sld [smem:$0x3FFC];
	_ =	sdelay $0x3  }
0xc: {  	_ =	strace s1  }
0xd: {  	s1 =	sld [smem:$0x3FFD];
	_ =	sdelay $0x3  }
0xe: {  	_ =	strace s1  }
0xf: {  	_ =	strace $0x8FFFFFFF  }
0x10: {  	s19 =	sld [smem:$0x3FDB];
	_ =	sdelay $0x1  }
0x11: {  	s20 =	simm.s32 $_scs_section_size  }
0x12: {  	s4 =	simm.s32 $_size__tile_overlayer_lowered;
	s5 =	simm.s32 $_tile_overlayer_lowered  }
0x13: {  	s23 =	simm.s32 $0x1BFF;
	s22 =	sshll.u32 s5, $0x1;
	s1 =	sadd.s32 s20, s19  }
0x14: {  	s6 =	simm.s32 $0x0;
	s21 =	sshll.u32 s4, $0x1;
	s4 =	sadd.s32 s22, s1  }
0x15: {  	[timem:s6], [sflag:s23] =	dma.local [hbm:s4], s21  }
0x16: {  	_ =	swait.ge [sflag:s23], s21  }
0x17: {  	s2 =	ssub.s32 $0x0, s21;
	[sflag:s23] =	ssyncset.done $0x0  }
0x18: {  	[sflag:s23] =	ssyncadd.s32 s2;
	_ =	sdelay $0x1  }
0x19: {  	s24 =	simm.s32 $0x1B8B  }
0x1a: {  	_ =	swait.ge [sflag:s24], $0x1  }
0x1b: {  	[sflag:s24] =	ssyncset.done $0x0  }
0x1c: {  	s26 =	simm.s32 $0x1B8E;
	s25 =	sld [smem:$0x3FFE];
	[sflag:s24] =	ssyncadd.s32 $0xFFFFFFFF  }
0x1d: {  	s27 =	simm.s32 $execute0_lowered;
	[smem:$0x3FD2] =	sst s26  }
0x1e: {  	s4 =	sshll.u32 s27, $0x1;
	_ =	strace $0x80000046;
	[dreg:$0x1] =	wrdreg $0xFFFFFFFF  }
0x1f: {  	s28 =	simm.s32 $_size_execute0_lowered;
	s1 =	sadd.s32 s1, s4;
	[dreg:$0x0] =	wrdreg $0x0  }
0x20: {  	s4 =	sshll.u32 s28, $0x1;
	[dreg:$0x2] =	wrdreg s1  }
0x21: {  	[dreg:$0x3] =	wrdreg s4  }
0x22: {  	[dreg:$0x4] =	wrdreg $0xC0  }
0x23: {  	_ =	task [dreg:s6], $0x5FFFF  }
0x24: {  	[dreg:$0x1] =	wrdreg $0xFFFFFFFF  }
0x25: {  	[dreg:$0x0] =	wrdreg $0x60  }
0x26: {  	[dreg:$0x2] =	wrdreg s25  }
0x27: {  	[dreg:$0x3] =	wrdreg $0x9  }
0x28: {  	_ =	task.clear_ibuf [dreg:s6], $0x4FFFF;
	_ =	strace $0x90000046  }
0x29: {  	s29 =	simm.s32 $0x9;
	_ =	strace $0x80000048  }
0x2a: {  	_ =	swait.ge [sflag:s29], $0x1  }
0x2b: {  	[sflag:s29] =	ssyncadd.s32 $0xFFFFFFFF  }
0x2c: {  	_ =	strace $0x90000048  }
0x2d: {  	_ =	sfence  }
0x2e: {  	s30 =	sld [smem:$0x0];
	_ =	sdelay $0x2  }
0x2f: {  	s31 =	sshll.u32 s3, $0xD;
	s3 =	sshrl.u32 s3, $0x2  }
0x30: {  	s2 =	sand.u32 $0x4000, s31;
	s1 =	sadd.s32 s3, s30  }
0x31: {  	s0 =	sor.u32 s2, s0;
	s1 =	sshll.u32 s1, $0x11  }
0x32: {  	s0 =	sor.u32 s1, s0  }
0x33: {  	s0 =	sadd.s32 $0x8F2B, s0  }
0x34: {  	[sflag:s0] =	ssyncadd.remote.s32 $0x1  }
0x35: {  	_ =	sfence.sel $0xFFFF  }
0x36: {  	[dreg:$0x0] =	wrdreg $0xFFFFFFFF;
	(pc) =	sbr.abs _section_cstart, $3  }
0x37: {  	[dreg:$0x1] =	wrdreg $0xFFFFFFFF  }
0x38: {  	_ =	task.clear_ibuf [dreg:s6], $0x2FFFF;
	_ =	strace $0x9FFFFFFF  }
0x39: {  	(tm) =	ssettm $0x7FFFFFFF  }
tec
execute0_lowered:
.L_overlay_start_1:
0x0: {  	(tag) =	ssettag $0x1  }
0x1: {  	s0 =	srdreg.scid;
	s2 =	rddreg [dreg:$0x0];
	s8 =	simm.s32 $0x2  }
0x2: {  	s16 =	simm.s32 $0x0;
	p0 =	por $0x0, $0x0;
	s9 =	simm.s32 $0x1C000  }
0x3: {  	s17 =	simm.s32 $0x0;
	s15 =	simm.s32 $0x0;
	s0 =	sshll.u32 s0, $0x7  }
0x4: {  	s14 =	simm.s32 $0x0;
	s10 =	simm.s32 $0x0;
	s1 =	sand.u32 $0x80, s0  }
0x5: {  	s11 =	simm.s32 $0x0;
	s13 =	simm.s32 $0x0;
	s3 =	ssub.s32 $0x100, s1  }
0x6: {  	s0 =	rddreg [dreg:$0x1];
	_ =	strace $0x80000047;
	s4 =	sshrl.u32 s3, $0x7  }
.Ltmp0:
0x7: {  	s5 =	sshrl.u32 s3, $0x8;
	s4 =	sand.u32 $0x1, s4;
	(pc) =	sbr.rel .LBB1_1-.Ltmp0, $4  }
0x8: {  	s7 =	sadd.s32 s1, s2;
	s3 =	sadd.s32 $0x533800, s2;
	s5 =	sadd.s32 s5, s4  }
0x9: {  	s2 =	stileid.u32;
	s4 =	simm.s32 $0x1;
	s5 =	smul.u32 $0x31, s5  }
0xa: {  	s7 =	sadd.s32 $0x1C8800, s7;
	s6 =	sshll.u32 s2, $0x7;
	[sflag:s4] =	ssyncpa.u1 $0x0  }
0xb: {  	s12 =	smov.u32 s6;
	[sflag:s8] =	ssyncpa.u1 $0x0;
	s8 =	sadd.s32 $0x1, s5  }
.LBB1_4:
0xc: {  	v5 =	vld [tilespmem:s21+$0xFFFFFFD0];
	[tilespmem:s20+$0x2040 ss:$0x81] =	vst.msk $0xffff, v1  }
0xd: {  	v58 =	vld [tilespmem:s21+$0xFFFFFFE0];
	[tilespmem:s20+$0x2850 ss:$0x81] =	vst.msk $0xffff, v2  }
0xe: {  	s22 =	sshra.s32 s22, $0x2;
	v59 =	vld [tilespmem:s21+$0xFFFFFFF0];
	[tilespmem:s20+$0x3060 ss:$0x81] =	vst.msk $0xffff, v3  }
0xf: {  	v60 =	vld [tilespmem:s21+$0x0];
	[tilespmem:s20+$0x0 ss:$0x81] =	vst.msk $0xffff, v0;
	s19 =	sadd.s32 s22, s19  }
0x10: {  	v61 =	vld [tilespmem:s21+$0x10];
	[tilespmem:s19+$0x3870 ss:$0x81] =	vst.msk $0xffff, v4  }
0x11: {  	v62 =	vld [tilespmem:s21+$0x20];
	s28 =	sshll.u32 s14, $0x3;
	[tilespmem:s19+$0x810 ss:$0x81] =	vst.msk $0xffff, v5  }
0x12: {  	v63 =	vld [tilespmem:s21+$0xFFFFFFC0];
	s29 =	sand.u32 $0x78, s14;
	s17 =	sshll.u32 s17, $0x7;
	s30 =	sand.u32 $0x700, s14;
	[tilespmem:s19+$0x1020 ss:$0x81] =	vst.msk $0xffff, v58  }
0x13: {  	s16 =	smul.u32 $0x3800, s16;
	s15 =	sshll.u32 s15, $0xB;
	s20 =	sand.u32 $0x400, s28;
	[tilespmem:s19+$0x1830 ss:$0x81] =	vst.msk $0xffff, v59  }
0x14: {  	s17 =	sand.u32 $0x380, s17;
	s21 =	sadd.s32 s3, s30;
	s20 =	sor.u32 s29, s20;
	[tilespmem:s19+$0x2040 ss:$0x81] =	vst.msk $0xffff, v60  }
0x15: {  	s31 =	sand.u32 $0x7, s14;
	s15 =	sadd.s32 s15, s21;
	s17 =	sor.u32 s17, s20;
	[tilespmem:s19+$0x2850 ss:$0x81] =	vst.msk $0xffff, v61  }
0x16: {  	s14 =	sshll.u32 s31, $0x12;
	s15 =	sadd.s32 s16, s15;
	s17 =	sshrl.u32 s17, $0x3;
	[tilespmem:s19+$0x3060 ss:$0x81] =	vst.msk $0xffff, v62  }
0x17: {  	s14 =	sor.u32 $0x80, s14;
	[tilespmem:s19+$0x0 ss:$0x81] =	vst.msk $0xffff, v63;
	s15 =	sadd.s32 s17, s15  }
0x18: {  	[hbm4b:s15+s14] =	stream.strided.scatter [tilespmem:s18], [sflag:$0x2], $0x4000, s9, s14, $0x20;
	[tilespmem:$0x10100] =	vst v63  }
.LBB1_5:
0x19: {  	s18 =	sadd.s32 $0x1, s10  }
0x1a: {  	s14 =	simm.s32 $0x1;
	p2 =	sgt.s32 s18, $0x6  }
0x1b: {  	s14 =	simm.s32 @!p2 $0x0  }
0x1c: {  	s19 =	sadd.s32 s14, s11  }
0x1d: {  	s20 =	smov.u32 s12;
	s14 =	sadd.s32 $0x800, s12;
	p3 =	sgt.s32 s19, $0x6  }
0x1e: {  	s20 =	smov.u32 @p3 s14  }
0x1f: {  	p1 =	slt.u32 s13, $0x2;
	s18 =	simm.s32 @p2 $0x0;
	p2 =	sgt.s32 s20, $0x7CF  }
0x20: {  	s16 =	simm.s32 @!p1 $0x2;
	s20 =	smov.u32 @p2 s6;
	p2 =	sne.s32 s13, s8  }
.Ltmp1:
0x21: {  	_ =	swait.ge @!p1 [sflag:s16], $0x4000;
	(pc) =	sbr.rel @!p2 .LBB1_6-.Ltmp1, $4  }
0x22: {  	s17 =	smov.u32 s10;
	s15 =	smov.u32 s11;
	[sflag:s16] =	ssyncset.done @!p1 $0x0  }
0x23: {  	p0 =	por !p0, !p0;
	s10 =	smov.u32 s18;
	[sflag:s16] =	ssyncadd.s32 @!p1 $0xFFFFC000  }
0x24: {  	s16 =	smov.u32 s1;
	s19 =	simm.s32 @p3 $0x0;
	s14 =	smov.u32 s12  }
0x25: {  	s11 =	smov.u32 s19;
	s13 =	sadd.s32 $0x1, s13;
	s12 =	smov.u32 s20  }
.LBB1_1:
0x26: {  	p1 =	sge.u32 s13, s5;
	s18 =	smov.u32 s12;
	s21 =	smov.u32 s11  }
0x27: {  	s31 =	sadd.s32 $0xFFFFFFFF, s13;
	p2 =	sgt.s32 @!p1 s12, $0x750;
	s19 =	sxor.u32 @!p1 $0xFFFFFFFF, s13  }
0x28: {  	s20 =	sshra.s32 @!p1 s12, $0x1F;
	s22 =	sshra.s32 @!p1 s11, $0x1F;
	p2 =	por !p2, p1  }
0x29: {  	s20 =	sand.u32 @!p1 s20, s12;
	s18 =	simm.s32 @p2 $0x750;
	p2 =	sgt.s32 @!p1 s11, $0x6  }
0x2a: {  	s22 =	sand.u32 @!p1 s22, s11;
	p2 =	por !p2, p1;
	s18 =	ssub.s32 @!p1 s18, s20  }
0x2b: {  	s21 =	simm.s32 @p2 $0x6;
	p2 =	sgt.s32 @!p1 s10, $0x7;
	s18 =	sadd.s32 @!p1 $0xFFFFF8B0, s18  }
0x2c: {  	s20 =	ssub.s32 @!p1 s21, s22;
	p2 =	por !p2, p1;
	s22 =	smov.u32 s10  }
0x2d: {  	s21 =	sadd.s32 @!p1 $0xFFFFFFFA, s20;
	s22 =	simm.s32 @p2 $0x7;
	p2 =	sgt.s32 @!p1 s18, $0x7F  }
0x2e: {  	s18 =	sshll.u32 @!p1 s18, $0x7;
	p3 =	sgt.s32 @!p1 s21, $0x0;
	s21 =	sshra.s32 @!p1 s10, $0x1F  }
0x2f: {  	s20 =	ssub.s32 @!p1 $0x7, s20;
	s18 =	ssub.s32 @!p1 $0x4000, s18;
	s21 =	sand.u32 @!p1 s21, s10  }
0x30: {  	p2 =	por !p2, p1;
	p3 =	por !p3, p1;
	s21 =	ssub.s32 @!p1 s22, s21  }
0x31: {  	s18 =	simm.s32 @!p2 $0x0;
	s20 =	simm.s32 @!p3 $0x0;
	s22 =	sadd.s32 @!p1 $0xFFFFFFF9, s21  }
0x32: {  	s19 =	sshll.u32 @!p1 s19, $0xE;
	s18 =	smul.u32 @!p1 s20, s18;
	p3 =	sgt.s32 @!p1 s22, $0x0  }
0x33: {  	s21 =	ssub.s32 @!p1 $0x8, s21;
	s20 =	smul.u32 @!p1 $0x700, s12;
	p2 =	por !p3, p1  }
0x34: {  	s19 =	sand.u32 @!p1 $0x4000, s19;
	s22 =	sshll.u32 @!p1 s10, $0x4;
	s21 =	simm.s32 @!p2 $0x0  }
0x35: {  	s20 =	sadd.s32 @!p1 s20, s7;
	s18 =	smul.u32 @!p1 s21, s18;
	s21 =	sshll.u32 @!p1 s11, $0x8  }
0x36: {  	s22 =	sand.u32 @!p1 $0x70, s22;
	s20 =	sadd.s32 @!p1 s21, s20;
	s21 =	simm.s32 @!p1 $0x80  }
0x37: {  	s18 =	sand.u32 @!p1 $0x3FFFFF80, s18;
	s20 =	sadd.s32 @!p1 s22, s20;
	s22 =	simm.s32 @!p1 $0x3800  }
0x38: {  	[tilespmem:s19], [sflag:$0x1] =	stream.strided.gather @!p1 [hbm4b:s20+s21], s18, s22, s21, $0x38;
	[tilespmem:$0x10100] =	vst v63  }
0x39: {  	p1 =	sge.u32 s31, s5  }
.Ltmp2:
0x3a: {  	_ = 	snop;
	(pc) =	sbr.rel @p1 .LBB1_5-.Ltmp2, $1  }
0x3b: {  	_ =	sdelay $0x3  }
0x3c: {  	p1 =	sgt.s32 s14, $0x750  }
0x3d: {  	s18 =	smov.u32 s14;
	s19 =	sshra.s32 s14, $0x1F;
	s20 =	sshra.s32 s15, $0x1F  }
0x3e: {  	p2 =	sgt.s32 s17, $0x7;
	s18 =	simm.s32 @!p1 $0x750;
	s19 =	sand.u32 s19, s14  }
0x3f: {  	s22 =	sshra.s32 s17, $0x1F;
	p1 =	sgt.s32 s15, $0x6;
	s18 =	ssub.s32 s18, s19  }
0x40: {  	s20 =	sand.u32 s20, s15;
	s19 =	smov.u32 s15;
	s18 =	sadd.s32 $0xFFFFF8B0, s18  }
0x41: {  	s27 =	sand.u32 s22, s17;
	s19 =	simm.s32 @!p1 $0x6;
	p1 =	sgt.s32 s18, $0x7F  }
0x42: {  	s19 =	ssub.s32 s19, s20;
	s20 =	smov.u32 s17;
	s18 =	sshll.u32 s18, $0x7  }
0x43: {  	s21 =	sadd.s32 $0xFFFFFFFA, s19;
	s20 =	simm.s32 @!p2 $0x7;
	s19 =	ssub.s32 $0x7, s19  }
0x44: {  	s18 =	ssub.s32 $0x4000, s18;
	p2 =	sgt.s32 s21, $0x0;
	s20 =	ssub.s32 s20, s27  }
0x45: {  	s18 =	simm.s32 @p1 $0x0;
	s19 =	simm.s32 @p2 $0x0;
	s21 =	sadd.s32 $0xFFFFFFF9, s20  }
0x46: {  	s20 =	ssub.s32 $0x8, s20;
	p1 =	sgt.s32 s21, $0x0;
	s18 =	smul.u32 s19, s18  }
0x47: {  	s20 =	simm.s32 @p1 $0x0  }
0x48: {  	s18 =	smul.u32 s20, s18;
	_ =	sdelay $0x1  }
0x49: {  	s19 =	simm.s32 $0x1;
	s18 =	sand.u32 $0x3FFFFF80, s18  }
0x4a: {  	s19 =	simm.s32 @!p0 $0x0;
	_ =	swait.ge [sflag:s4], s18  }
0x4b: {  	s28 =	sshll.u32 s19, $0xE;
	s18 =	ssub.s32 $0x0, s18;
	[sflag:s4] =	ssyncset.done $0x0  }
0x4c: {  	s29 =	sor.u32 $0x40, s28;
	[sflag:s4] =	ssyncadd.s32 s18  }
0x4d: {  	s30 =	smul.u32 $0x10200, s19;
	v0 =	vld [tilespmem:s29+$0x30]  }
0x4e: {  	v3 =	vld [tilespmem:s29+$0xFFFFFFD0]  }
0x4f: {  	s18 =	sshrl.u32 s30, $0x2;
	v4 =	vld [tilespmem:s29+$0xFFFFFFE0]  }
0x50: {  	s19 =	sor.u32 $0x8000, s18;
	v5 =	vld [tilespmem:s29+$0xFFFFFFF0]  }
0x51: {  	s31 =	sand.u32 $0x1, s13;
	v1 =	vld [tilespmem:s29+$0x0];
	s20 =	sadd.s32 $0x0, s19  }
0x52: {  	s18 =	smul.u32 $0x10200, s31;
	v2 =	vld [tilespmem:s29+$0x10];
	[tilespmem:s20+$0x3870 ss:$0x81] =	vst.msk $0xffff, v0  }
0x53: {  	[tilespmem:s20+$0x810 ss:$0x81] =	vst.msk $0xffff, v3;
	v3 =	vld [tilespmem:s29+$0x20]  }
0x54: {  	s21 =	sadd.s32 $0x80, s29;
	s18 =	sshrl.u32 s18, $0x2;
	v0 =	vld [tilespmem:s29+$0xFFFFFFC0];
	[tilespmem:s20+$0x1020 ss:$0x81] =	vst.msk $0xffff, v4  }
0x55: {  	s23 =	simm.s32 $0x8;
	s22 =	simm.s32 $0x4;
	s18 =	sor.u32 $0x8000, s18;
	v4 =	vld [tilespmem:s21+$0x30];
	[tilespmem:s20+$0x1830 ss:$0x81] =	vst.msk $0xffff, v5  }
.LBB1_3:
0x56: {  	p1 =	sne.s32 s23, $0x1FC;
	v5 =	vld [tilespmem:s21+$0xFFFFFFD0];
	[tilespmem:s20+$0x2040 ss:$0x81] =	vst.msk $0xffff, v1  }
0x57: {  	v6 =	vld [tilespmem:s21+$0xFFFFFFE0];
	[tilespmem:s20+$0x2850 ss:$0x81] =	vst.msk $0xffff, v2  }
0x58: {  	s24 =	sshra.s32 s22, $0x2;
	s22 =	smov.u32 s23;
	v7 =	vld [tilespmem:s21+$0xFFFFFFF0];
	[tilespmem:s20+$0x3060 ss:$0x81] =	vst.msk $0xffff, v3  }
.Ltmp3:
0x59: {  	v1 =	vld [tilespmem:s21+$0x0];
	[tilespmem:s20+$0x0 ss:$0x81] =	vst.msk $0xffff, v0;
	s20 =	sadd.s32 s24, s19;
	(pc) =	sbr.rel @p1 .LBB1_3-.Ltmp3, $4  }
0x5a: {  	v2 =	vld [tilespmem:s21+$0x10];
	[tilespmem:s20+$0x3870 ss:$0x81] =	vst.msk $0xffff, v4  }
0x5b: {  	[tilespmem:s20+$0x810 ss:$0x81] =	vst.msk $0xffff, v5;
	v3 =	vld [tilespmem:s21+$0x20]  }
0x5c: {  	v0 =	vld [tilespmem:s21+$0xFFFFFFC0];
	[tilespmem:s20+$0x1020 ss:$0x81] =	vst.msk $0xffff, v6;
	s21 =	sadd.s32 $0x80, s21  }
0x5d: {  	s23 =	sadd.s32 $0x4, s23;
	v4 =	vld [tilespmem:s21+$0x30];
	[tilespmem:s20+$0x1830 ss:$0x81] =	vst.msk $0xffff, v7  }
.Ltmp4:
0x5e: {  	_ = 	snop;
	(pc) =	sbr.rel .LBB1_4-.Ltmp4, $1  }
0x5f: {  	_ =	sdelay $0x3  }
.LBB1_6:
0x60: {  	_ =	sfence.sel $0x180000  }
0x61: {  	s1 =	simm.s32 $0x1;
	[bflag:$0x0] =	sbarrier.arrive $0xFFFF  }
0x62: {  	s31 =	simm.s32 $0x2;
	[sflag:s1] =	ssyncpa.u1 $0x1  }
0x63: {  	[sflag:s31] =	ssyncpa.u1 $0x1  }
0x64: {  	p0 =	sne.s32 s2, $0x0;
	_ =	strace $0x90000047  }
0x65: {  	s0 =	sadd.s32 @!p0 $0x100000, s0;
	[bflag:$0x2] =	sbarrier.arrive $0xFFFF  }
0x66: {  	[sflag:s0] =	ssyncadd.tile.s32 @!p0 $0x1;
	_ =	shalt  }
.Lfunc_end1:
_tile_overlayer_lowered:
.L_overlay_start_2:
0x67: {  	(tag) =	ssettag $0x2  }
0x68: {  	s0 =	rddreg [dreg:$0x0];
	s2 =	stileid.u32  }
0x69: {  	s1 =	rddreg [dreg:$0x1];
	p0 =	sne.s32 s2, $0x0  }
0x6a: {  	s3 =	rddreg [dreg:$0x2];
	[bflag:$0x3] =	sbarrier.arrive $0xFFFF;
	s2 =	simm.s32 @!p0 $0x1C01  }
0x6b: {  	[timem:s3], [sflag:s2] =	dma.local @!p0 [hbm:s0], s1  }
0x6c: {  	s0 =	simm.s32 @!p0 $0x1  }
0x6d: {  	_ =	swait.ge @!p0 [sflag:s0], s1  }
0x6e: {  	s1 =	ssub.s32 @!p0 $0x0, s1;
	[sflag:s0] =	ssyncset.done @!p0 $0x0  }
0x6f: {  	[sflag:s0] =	ssyncadd.s32 @!p0 s1  }
0x70: {  	[bflag:$0x3] =	sbarrier.arrive $0xFFFF  }
0x71: {  	_ =	shalt  }

// kernel: sparse-core-data-format-call.cloned.1.call-start
scs
called_computation_lowered:
.L_overlay_start_0:
0x0: {  	s1 =	sld [smem:$0x3FD9]  }
0x1: {  	s2 =	sld [smem:$0x3FFE];
	_ =	sdelay $0x1  }
0x2: {  	s3 =	srdreg.scid  }
0x3: {  	s0 =	sand.u32 $0x1, s3  }
0x4: {  	s17 =	sshll.u32 s0, $0xA;
	s1 =	sadd.s32 s2, s1  }
0x5: {  	s1 =	sadd.s32 s1, s17  }
0x6: {  	[smem:$0x3FBE] =	sst s1  }
0x7: {  	_ = 	snop  }
0x8: {  	(tm) =	ssettm $0x1  }
0x9: {  	s18 =	sld [smem:$0x3FFB];
	_ =	sdelay $0x3  }
0xa: {  	_ =	strace s18  }
0xb: {  	s1 =	sld [smem:$0x3FFC];
	_ =	sdelay $0x3  }
0xc: {  	_ =	strace s1  }
0xd: {  	s1 =	sld [smem:$0x3FFD];
	_ =	sdelay $0x3  }
0xe: {  	_ =	strace s1  }
0xf: {  	_ =	strace $0x8FFFFFFF  }
0x10: {  	s19 =	sld [smem:$0x3FDB];
	_ =	sdelay $0x1  }
0x11: {  	s20 =	simm.s32 $_scs_section_size  }
0x12: {  	s4 =	simm.s32 $_size__tile_overlayer_lowered;
	s5 =	simm.s32 $_tile_overlayer_lowered  }
0x13: {  	s23 =	simm.s32 $0x1BFF;
	s22 =	sshll.u32 s5, $0x1;
	s1 =	sadd.s32 s20, s19  }
0x14: {  	s6 =	simm.s32 $0x0;
	s21 =	sshll.u32 s4, $0x1;
	s4 =	sadd.s32 s22, s1  }
0x15: {  	[timem:s6], [sflag:s23] =	dma.local [hbm:s4], s21  }
0x16: {  	_ =	swait.ge [sflag:s23], s21  }
0x17: {  	s2 =	ssub.s32 $0x0, s21;
	[sflag:s23] =	ssyncset.done $0x0  }
0x18: {  	[sflag:s23] =	ssyncadd.s32 s2;
	_ =	sdelay $0x1  }
0x19: {  	s24 =	simm.s32 $0x1B8B  }
0x1a: {  	_ =	swait.ge [sflag:s24], $0x1  }
0x1b: {  	[sflag:s24] =	ssyncset.done $0x0  }
0x1c: {  	s26 =	simm.s32 $0x1B8E;
	s25 =	sld [smem:$0x3FFE];
	[sflag:s24] =	ssyncadd.s32 $0xFFFFFFFF  }
0x1d: {  	s27 =	simm.s32 $execute0_lowered;
	[smem:$0x3FD2] =	sst s26  }
0x1e: {  	s4 =	sshll.u32 s27, $0x1;
	_ =	strace $0x80000049;
	[dreg:$0x1] =	wrdreg $0xFFFFFFFF  }
0x1f: {  	s28 =	simm.s32 $_size_execute0_lowered;
	s1 =	sadd.s32 s1, s4;
	[dreg:$0x0] =	wrdreg $0x0  }
0x20: {  	s4 =	sshll.u32 s28, $0x1;
	[dreg:$0x2] =	wrdreg s1  }
0x21: {  	[dreg:$0x3] =	wrdreg s4  }
0x22: {  	[dreg:$0x4] =	wrdreg $0xC0  }
0x23: {  	_ =	task [dreg:s6], $0x5FFFF  }
0x24: {  	[dreg:$0x1] =	wrdreg $0xFFFFFFFF  }
0x25: {  	[dreg:$0x0] =	wrdreg $0x60  }
0x26: {  	[dreg:$0x2] =	wrdreg s25  }
0x27: {  	[dreg:$0x3] =	wrdreg $0x9  }
0x28: {  	_ =	task.clear_ibuf [dreg:s6], $0x4FFFF;
	_ =	strace $0x90000049  }
0x29: {  	s29 =	simm.s32 $0x9;
	_ =	strace $0x8000004B  }
0x2a: {  	_ =	swait.ge [sflag:s29], $0x1  }
0x2b: {  	[sflag:s29] =	ssyncadd.s32 $0xFFFFFFFF  }
0x2c: {  	_ =	strace $0x9000004B  }
0x2d: {  	_ =	sfence  }
0x2e: {  	s30 =	sld [smem:$0x0];
	_ =	sdelay $0x2  }
0x2f: {  	s31 =	sshll.u32 s3, $0xD;
	s3 =	sshrl.u32 s3, $0x2  }
0x30: {  	s2 =	sand.u32 $0x4000, s31;
	s1 =	sadd.s32 s3, s30  }
0x31: {  	s0 =	sor.u32 s2, s0;
	s1 =	sshll.u32 s1, $0x11  }
0x32: {  	s0 =	sor.u32 s1, s0  }
0x33: {  	s0 =	sadd.s32 $0x8F2B, s0  }
0x34: {  	[sflag:s0] =	ssyncadd.remote.s32 $0x1  }
0x35: {  	_ =	sfence.sel $0xFFFF  }
0x36: {  	[dreg:$0x0] =	wrdreg $0xFFFFFFFF;
	(pc) =	sbr.abs _section_cstart, $3  }
0x37: {  	[dreg:$0x1] =	wrdreg $0xFFFFFFFF  }
0x38: {  	_ =	task.clear_ibuf [dreg:s6], $0x2FFFF;
	_ =	strace $0x9FFFFFFF  }
0x39: {  	(tm) =	ssettm $0x7FFFFFFF  }
tec
execute0_lowered:
.L_overlay_start_1:
0x0: {  	(tag) =	ssettag $0x1  }
0x1: {  	s2 =	rddreg [dreg:$0x0]  }
0x2: {  	s0 =	rddreg [dreg:$0x1];
	_ =	strace $0x8000004A  }
0x3: {  	s1 =	stileid.u32;
	s5 =	srdreg.scid;
	s9 =	simm.s32 $0x2  }
0x4: {  	s15 =	simm.s32 $0x0;
	p0 =	por $0x0, $0x0;
	s11 =	simm.s32 $0x18800  }
0x5: {  	s17 =	simm.s32 $0x0;
	s12 =	simm.s32 $0x0;
	s13 =	simm.s32 $0x0  }
0x6: {  	s16 =	simm.s32 $0x0;
	s3 =	sadd.s32 $0x310000, s2;
	s4 =	sshll.u32 s1, $0x7  }
0x7: {  	s6 =	sshll.u32 s1, $0x6;
	s5 =	sshll.u32 s5, $0xA;
	s4 =	sand.u32 $0x80, s4  }
.Ltmp0:
0x8: {  	s6 =	sor.u32 s6, s5;
	s7 =	ssub.s32 $0x3100, s4;
	(pc) =	sbr.rel .LBB1_1-.Ltmp0, $4  }
0x9: {  	s5 =	simm.s32 $0x1;
	s6 =	sand.u32 $0x780, s6;
	s8 =	sshrl.u32 s7, $0x7  }
0xa: {  	[sflag:s5] =	ssyncpa.u1 $0x0;
	s7 =	sshrl.u32 s7, $0x8;
	s8 =	sand.u32 $0x1, s8  }
0xb: {  	s14 =	smov.u32 s4;
	s7 =	sadd.s32 s7, s8;
	s8 =	sshll.u32 s6, $0x3  }
0xc: {  	[sflag:s9] =	ssyncpa.u1 $0x0;
	s9 =	sand.u32 $0x400, s8;
	s10 =	sadd.s32 $0x1, s7  }
.LBB1_4:
0xd: {  	s23 =	sshrl.u32 s12, $0x3  }
0xe: {  	s24 =	sshll.u32 s13, $0x3;
	s25 =	sand.u32 $0x7F, s13;
	s23 =	smul.u32 $0x18800, s23  }
0xf: {  	v5 =	vld [tilespmem:s19+$0xFFFFFFD0];
	s22 =	sshra.s32 s22, $0x2;
	s26 =	sshra.s32 s13, $0x1F;
	s24 =	sand.u32 $0xFFFFFC00, s24  }
0x10: {  	[tilespmem:s21+$0x2040 ss:$0x81] =	vst.msk $0xffff, v4;
	v58 =	vld [tilespmem:s19+$0xFFFFFFE0];
	p1 =	sgt.s32 s13, $0x3080;
	s26 =	sand.u32 s26, s13;
	s23 =	sadd.s32 s24, s23  }
0x11: {  	[tilespmem:s21+$0x2850 ss:$0x81] =	vst.msk $0xffff, v3;
	v59 =	vld [tilespmem:s19+$0xFFFFFFF0];
	s24 =	sor.u32 s25, s23;
	s23 =	smulhi.u32 $0x5397829D, s23;
	s25 =	smov.u32 s13  }
0x12: {  	[tilespmem:s21+$0x3060 ss:$0x81] =	vst.msk $0xffff, v2;
	v60 =	vld [tilespmem:s19+$0x0];
	s20 =	sadd.s32 s22, s20;
	s27 =	smulhi.u32 $0x5397829D, s24;
	s25 =	simm.s32 @!p1 $0x3080  }
0x13: {  	[tilespmem:s21+$0x0 ss:$0x81] =	vst.msk $0xffff, v0;
	v61 =	vld [tilespmem:s19+$0x10];
	p1 =	sgt.s32 s12, $0x750;
	s28 =	sshrl.u32 s23, $0xC;
	s29 =	ssub.s32 s25, s26  }
0x14: {  	[tilespmem:s20+$0x3870 ss:$0x81] =	vst.msk $0xffff, v1;
	s30 =	sshrl.u32 s27, $0xC;
	s31 =	smulhi.u32 $0x20C49C, s28;
	s26 =	sadd.s32 $0xFFFFCF80, s29  }
0x15: {  	v62 =	vld [tilespmem:s19+$0x20];
	[tilespmem:s20+$0x810 ss:$0x81] =	vst.msk $0xffff, v5;
	s23 =	smul.u32 $0x3100, s30;
	p2 =	sgt.s32 s26, $0x7F;
	s26 =	smov.u32 s12  }
0x16: {  	v63 =	vld [tilespmem:s19+$0xFFFFFFC0];
	[tilespmem:s20+$0x1020 ss:$0x81] =	vst.msk $0xffff, v58;
	s22 =	ssub.s32 $0x3100, s29;
	s26 =	simm.s32 @!p1 $0x750;
	s25 =	smul.u32 $0x7D0, s31  }
0x17: {  	[tilespmem:s20+$0x1830 ss:$0x81] =	vst.msk $0xffff, v59;
	s22 =	simm.s32 @p2 $0x0;
	s27 =	ssub.s32 $0x7D0, s26  }
0x18: {  	[tilespmem:s20+$0x2040 ss:$0x81] =	vst.msk $0xffff, v60;
	s23 =	ssub.s32 s24, s23;
	s19 =	ssub.s32 s28, s25;
	s28 =	smul.u32 s27, s22  }
0x19: {  	[tilespmem:s20+$0x2850 ss:$0x81] =	vst.msk $0xffff, v61;
	s29 =	sshrl.u32 s23, $0x3;
	s23 =	sand.u32 $0x7, s23;
	s19 =	smul.u32 $0x620, s19  }
0x1a: {  	[tilespmem:s20+$0x3060 ss:$0x81] =	vst.msk $0xffff, v62;
	s22 =	sadd.s32 s3, s29;
	s23 =	sshll.u32 s23, $0x12  }
0x1b: {  	[tilespmem:s20+$0x0 ss:$0x81] =	vst.msk $0xffff, v63;
	s30 =	sand.u32 $0x3FFFFFF0, s28;
	s31 =	sor.u32 $0x400, s23;
	s19 =	sadd.s32 s19, s22  }
0x1c: {  	[hbm4b:s19+s31] =	stream.strided.scatter [tilespmem:s18], [sflag:$0x2], s30, s11, s31, $0x20;
	[tilespmem:$0x10100] =	vst v63  }
.LBB1_5:
0x1d: {  	p1 =	slt.u32 s16, $0x2  }
0x1e: {  	p2 =	sgt.s32 @!p1 s17, $0x3080  }
0x1f: {  	s18 =	smov.u32 s17;
	s19 =	sshra.s32 @!p1 s17, $0x1F;
	p2 =	por !p2, p1  }
0x20: {  	s17 =	sand.u32 @!p1 s19, s17;
	s18 =	simm.s32 @p2 $0x3080  }
0x21: {  	s17 =	ssub.s32 @!p1 s18, s17  }
0x22: {  	p2 =	sgt.s32 @!p1 s15, $0x750;
	s18 =	sadd.s32 @!p1 $0xFFFFCF80, s17  }
0x23: {  	s19 =	sadd.s32 $0x100, s14;
	p2 =	por !p2, p1;
	p3 =	sgt.s32 @!p1 s18, $0x7F  }
0x24: {  	s15 =	simm.s32 @p2 $0x750;
	s17 =	ssub.s32 @!p1 $0x3100, s17;
	p2 =	por !p3, p1  }
0x25: {  	s15 =	ssub.s32 @!p1 $0x7D0, s15;
	s17 =	simm.s32 @!p2 $0x0;
	p2 =	sgt.s32 s19, $0x30FF  }
0x26: {  	s15 =	smul.u32 @!p1 s15, s17;
	s19 =	smov.u32 @p2 s4;
	p2 =	sne.s32 s16, s10  }
.Ltmp1:
0x27: {  	s21 =	sadd.s32 $0x1, s16;
	p0 =	por !p0, !p0;
	(pc) =	sbr.rel @!p2 .LBB1_6-.Ltmp1, $4  }
0x28: {  	s18 =	simm.s32 @!p1 $0x2;
	s17 =	smov.u32 s13;
	s15 =	sand.u32 @!p1 $0x3FFFFFFF, s15  }
0x29: {  	s13 =	smov.u32 s14;
	s16 =	smov.u32 s21;
	_ =	swait.ge @!p1 [sflag:s18], s15  }
0x2a: {  	s14 =	smov.u32 s19;
	s20 =	ssub.s32 @!p1 $0x0, s15;
	[sflag:s18] =	ssyncset.done @!p1 $0x0  }
0x2b: {  	s15 =	smov.u32 s12;
	s12 =	smov.u32 s6;
	[sflag:s18] =	ssyncadd.s32 @!p1 s20  }
.LBB1_1:
0x2c: {  	p1 =	sge.u32 s16, s7  }
0x2d: {  	s18 =	sshll.u32 @!p1 s14, $0xB  }
0x2e: {  	s18 =	sand.u32 @!p1 $0xFFFFC000, s18  }
0x2f: {  	s18 =	sor.u32 @!p1 s8, s18  }
0x30: {  	s18 =	sshrl.u32 @!p1 s18, $0xB  }
0x31: {  	s19 =	smulhi.u32 @!p1 $0x14E5E1, s18;
	_ =	sdelay $0x1  }
0x32: {  	s20 =	sshll.u32 @!p1 s14, $0x7;
	s19 =	sshrl.u32 @!p1 s19, $0x2  }
0x33: {  	s20 =	sand.u32 @!p1 $0x380, s20;
	s19 =	smul.u32 @!p1 $0x3100, s19  }
0x34: {  	s31 =	sadd.s32 $0xFFFFFFFF, s16;
	s21 =	sxor.u32 @!p1 $0xFFFFFFFF, s16;
	s20 =	sor.u32 @!p1 s9, s20  }
0x35: {  	s21 =	sshll.u32 @!p1 s21, $0xE;
	s18 =	ssub.s32 @!p1 s18, s19;
	s19 =	sshrl.u32 @!p1 s20, $0x3  }
0x36: {  	s20 =	sand.u32 @!p1 $0x4000, s21;
	s18 =	sshll.u32 @!p1 s18, $0x8;
	s19 =	sadd.s32 @!p1 s2, s19  }
0x37: {  	s21 =	simm.s32 @!p1 $0x4000;
	s18 =	sadd.s32 @!p1 s18, s19;
	s19 =	simm.s32 @!p1 $0x400  }
0x38: {  	[tilespmem:s20], [sflag:$0x1] =	stream.strided.gather @!p1 [hbm4b:s18+s19], $0x4000, s21, s19, $0x38;
	[tilespmem:$0x10100] =	vst v63  }
0x39: {  	p1 =	sge.u32 s31, s7  }
.Ltmp2:
0x3a: {  	_ = 	snop;
	(pc) =	sbr.rel @p1 .LBB1_5-.Ltmp2, $1  }
0x3b: {  	_ =	sdelay $0x3  }
0x3c: {  	s18 =	simm.s32 $0x1  }
0x3d: {  	_ =	swait.ge [sflag:s5], $0x4000;
	s18 =	simm.s32 @!p0 $0x0  }
0x3e: {  	[sflag:s5] =	ssyncset.done $0x0;
	s19 =	sshll.u32 s18, $0xE  }
0x3f: {  	[sflag:s5] =	ssyncadd.s32 $0xFFFFC000;
	s19 =	sor.u32 $0x40, s19  }
0x40: {  	s18 =	smul.u32 $0x10200, s18;
	v0 =	vld [tilespmem:s19+$0x30]  }
0x41: {  	v1 =	vld [tilespmem:s19+$0xFFFFFFD0]  }
0x42: {  	s18 =	sshrl.u32 s18, $0x2;
	v5 =	vld [tilespmem:s19+$0xFFFFFFE0]  }
0x43: {  	v6 =	vld [tilespmem:s19+$0xFFFFFFF0];
	s20 =	sor.u32 $0x8000, s18  }
0x44: {  	s31 =	sand.u32 $0x1, s16;
	v4 =	vld [tilespmem:s19+$0x0];
	s21 =	sadd.s32 $0x0, s20  }
0x45: {  	v3 =	vld [tilespmem:s19+$0x10];
	s18 =	smul.u32 $0x10200, s31;
	[tilespmem:s21+$0x3870 ss:$0x81] =	vst.msk $0xffff, v0  }
0x46: {  	v2 =	vld [tilespmem:s19+$0x20];
	[tilespmem:s21+$0x810 ss:$0x81] =	vst.msk $0xffff, v1  }
0x47: {  	s18 =	sshrl.u32 s18, $0x2;
	v0 =	vld [tilespmem:s19+$0xFFFFFFC0];
	[tilespmem:s21+$0x1020 ss:$0x81] =	vst.msk $0xffff, v5;
	s19 =	sadd.s32 $0x80, s19  }
0x48: {  	s22 =	simm.s32 $0x4;
	s23 =	simm.s32 $0x8;
	s18 =	sor.u32 $0x8000, s18;
	[tilespmem:s21+$0x1830 ss:$0x81] =	vst.msk $0xffff, v6;
	v1 =	vld [tilespmem:s19+$0x30]  }
.LBB1_3:
0x49: {  	p1 =	sne.s32 s23, $0x1FC;
	v5 =	vld [tilespmem:s19+$0xFFFFFFD0];
	[tilespmem:s21+$0x2040 ss:$0x81] =	vst.msk $0xffff, v4  }
0x4a: {  	v6 =	vld [tilespmem:s19+$0xFFFFFFE0];
	[tilespmem:s21+$0x2850 ss:$0x81] =	vst.msk $0xffff, v3  }
0x4b: {  	s24 =	sshra.s32 s22, $0x2;
	s22 =	smov.u32 s23;
	v7 =	vld [tilespmem:s19+$0xFFFFFFF0];
	[tilespmem:s21+$0x3060 ss:$0x81] =	vst.msk $0xffff, v2  }
.Ltmp3:
0x4c: {  	v4 =	vld [tilespmem:s19+$0x0];
	[tilespmem:s21+$0x0 ss:$0x81] =	vst.msk $0xffff, v0;
	s21 =	sadd.s32 s24, s20;
	(pc) =	sbr.rel @p1 .LBB1_3-.Ltmp3, $4  }
0x4d: {  	v3 =	vld [tilespmem:s19+$0x10];
	[tilespmem:s21+$0x3870 ss:$0x81] =	vst.msk $0xffff, v1  }
0x4e: {  	[tilespmem:s21+$0x810 ss:$0x81] =	vst.msk $0xffff, v5;
	v2 =	vld [tilespmem:s19+$0x20]  }
0x4f: {  	v0 =	vld [tilespmem:s19+$0xFFFFFFC0];
	[tilespmem:s21+$0x1020 ss:$0x81] =	vst.msk $0xffff, v6;
	s19 =	sadd.s32 $0x80, s19  }
0x50: {  	s23 =	sadd.s32 $0x4, s23;
	v1 =	vld [tilespmem:s19+$0x30];
	[tilespmem:s21+$0x1830 ss:$0x81] =	vst.msk $0xffff, v7  }
.Ltmp4:
0x51: {  	_ = 	snop;
	(pc) =	sbr.rel .LBB1_4-.Ltmp4, $1  }
0x52: {  	_ =	sdelay $0x3  }
.LBB1_6:
0x53: {  	_ =	sfence.sel $0x180000  }
0x54: {  	s2 =	simm.s32 $0x1;
	[bflag:$0x0] =	sbarrier.arrive $0xFFFF  }
0x55: {  	s31 =	simm.s32 $0x2;
	[sflag:s2] =	ssyncpa.u1 $0x1  }
0x56: {  	[sflag:s31] =	ssyncpa.u1 $0x1  }
0x57: {  	p0 =	sne.s32 s1, $0x0;
	_ =	strace $0x9000004A  }
0x58: {  	s0 =	sadd.s32 @!p0 $0x100000, s0;
	[bflag:$0x2] =	sbarrier.arrive $0xFFFF  }
0x59: {  	[sflag:s0] =	ssyncadd.tile.s32 @!p0 $0x1;
	_ =	shalt  }
.Lfunc_end1:
_tile_overlayer_lowered:
.L_overlay_start_2:
0x5a: {  	(tag) =	ssettag $0x2  }
0x5b: {  	s0 =	rddreg [dreg:$0x0];
	s2 =	stileid.u32  }
0x5c: {  	s1 =	rddreg [dreg:$0x1];
	p0 =	sne.s32 s2, $0x0  }
0x5d: {  	s3 =	rddreg [dreg:$0x2];
	[bflag:$0x3] =	sbarrier.arrive $0xFFFF;
	s2 =	simm.s32 @!p0 $0x1C01  }
0x5e: {  	[timem:s3], [sflag:s2] =	dma.local @!p0 [hbm:s0], s1  }
0x5f: {  	s0 =	simm.s32 @!p0 $0x1  }
0x60: {  	_ =	swait.ge @!p0 [sflag:s0], s1  }
0x61: {  	s1 =	ssub.s32 @!p0 $0x0, s1;
	[sflag:s0] =	ssyncset.done @!p0 $0x0  }
0x62: {  	[sflag:s0] =	ssyncadd.s32 @!p0 s1  }
0x63: {  	[bflag:$0x3] =	sbarrier.arrive $0xFFFF  }
0x64: {  	_ =	shalt  }

</sc_bundles>
